<compile_context>
chip_gen: v7x
topology: tpu7x:2x2x1
jax: 0.10.2.dev20260603
libtpu: 0.0.44.dev20260713+nightly
codegen_flags: <defaults>
</compile_context>

<pallas_src>
import functools

import jax
import jax.numpy as jnp
from jax import lax
from jax.experimental import pallas as pl
from jax.experimental.pallas import tpu as pltpu
from jax.experimental.pallas import tpu_sc as plsc

N = 10000
E = 320000
D_IN = 128
D_H = 128
D_OUT = 64

NC = 2
NS = 16
NW = NC * NS

RPT = N // NS
CHUNK = 80
K = 125
KH = (K - 1) // 2
EPW = K * CHUNK
DTILES = 10
N_ROW = 10240
SEG = 10240

_MESH = plsc.VectorSubcoreMesh(core_axis_name="c", subcore_axis_name="s")
_SC_PARAMS = pltpu.CompilerParams(use_tc_tiling_on_sc=False)


def _sc_degree(eidx_hbm, ones_hbm, zrow_hbm, out_hbm,
               idx_v, ones_v, acc_o, acc_i, so0, si0, so1, si1):
    cid = lax.axis_index("c")
    sid = lax.axis_index("s")
    wid = cid * NS + sid

    pltpu.sync_copy(ones_hbm, ones_v)

    @pl.when(sid < DTILES)
    def _():
        pltpu.sync_copy(zrow_hbm, acc_o.at[pl.ds(sid * 1000, 1000)])
        pltpu.sync_copy(zrow_hbm, acc_i.at[pl.ds(sid * 1000, 1000)])

    pltpu.sync_copy(eidx_hbm.at[0, wid], idx_v.at[0])
    pltpu.sync_copy(eidx_hbm.at[1, wid], idx_v.at[1])
    plsc.subcore_barrier()

    def _dscat(j, p, sem):
        pltpu.async_copy(ones_v, (acc_o if p == 0 else acc_i).at[idx_v.at[p, j]],
                         sem, add=True)

    def _dwait(j, p, sem):
        pltpu.make_async_copy(ones_v,
                              (acc_o if p == 0 else acc_i).at[idx_v.at[p, j]],
                              sem).wait()

    sems = (so0, si0, so1, si1)
    for u in range(2):
        _dscat(u, 0, sems[2 * u])
        _dscat(u, 1, sems[2 * u + 1])

    def pair(m, c):
        for u in range(2):
            j = 2 * m + u

            @pl.when(j + 2 < K)
            def _():
                _dwait(j, 0, sems[2 * u])
                _dscat(j + 2, 0, sems[2 * u])
                _dwait(j, 1, sems[2 * u + 1])
                _dscat(j + 2, 1, sems[2 * u + 1])
        return c

    lax.fori_loop(0, (K + 1) // 2, pair, 0)
    _dwait(K - 2, 0, sems[2 * ((K - 2) % 2)])
    _dwait(K - 2, 1, sems[2 * ((K - 2) % 2) + 1])
    _dwait(K - 1, 0, sems[2 * ((K - 1) % 2)])
    _dwait(K - 1, 1, sems[2 * ((K - 1) % 2) + 1])
    plsc.subcore_barrier()

    @pl.when(sid < DTILES)
    def _():
        pltpu.sync_copy(acc_o.at[pl.ds(sid * 1000, 1000)],
                        out_hbm.at[pl.ds(cid * 2 * SEG + sid * 1000, 1000)])
        pltpu.sync_copy(acc_i.at[pl.ds(sid * 1000, 1000)],
                        out_hbm.at[pl.ds(cid * 2 * SEG + SEG + sid * 1000,
                                         1000)])


_deg_call = functools.partial(
    pl.kernel,
    _sc_degree,
    out_type=jax.ShapeDtypeStruct((4 * SEG,), jnp.float32),
    mesh=_MESH,
    scratch_types=[
        pltpu.VMEM((2, K, CHUNK), jnp.int32),
        pltpu.VMEM((CHUNK,), jnp.float32),
        pltpu.VMEM_SHARED((N,), jnp.float32),
        pltpu.VMEM_SHARED((N,), jnp.float32),
        pltpu.SemaphoreType.DMA,
        pltpu.SemaphoreType.DMA,
        pltpu.SemaphoreType.DMA,
        pltpu.SemaphoreType.DMA,
    ],
    compiler_params=_SC_PARAMS,
)()


def _make_sc_scatter(d):
    def body(eidx_hbm, y_hbm, zrows_hbm, out_hbm,
             idx_v, rows_a, rows_b, rows_c, acc,
             sem_z, sem_i, sem_a, sem_b, sem_c, sem_d, sem_e, sem_f):
        cid = lax.axis_index("c")
        sid = lax.axis_index("s")
        wid = cid * NS + sid

        pltpu.async_copy(zrows_hbm.at[sid], acc.at[pl.ds(sid * RPT, RPT)],
                         sem_z)
        pltpu.async_copy(eidx_hbm.at[0, wid], idx_v.at[0], sem_i)
        pltpu.async_copy(eidx_hbm.at[1, wid], idx_v.at[1], sem_i)
        pltpu.make_async_copy(eidx_hbm.at[0, wid], idx_v.at[0], sem_i).wait()
        pltpu.make_async_copy(eidx_hbm.at[1, wid], idx_v.at[1], sem_i).wait()
        pltpu.make_async_copy(zrows_hbm.at[sid],
                              acc.at[pl.ds(sid * RPT, RPT)], sem_z).wait()
        plsc.subcore_barrier()

        src_v = idx_v.at[0]
        dst_v = idx_v.at[1]
        rows = (rows_a, rows_b, rows_c)
        gsems = (sem_a, sem_b, sem_c)
        ssems = (sem_d, sem_e, sem_f)

        def _gather(t, u):
            pltpu.async_copy(y_hbm.at[src_v.at[t]], rows[u], gsems[u])

        def _gwait(t, u):
            pltpu.make_async_copy(y_hbm.at[src_v.at[t]], rows[u],
                                  gsems[u]).wait()

        def _scat(t, u):
            pltpu.async_copy(rows[u], acc.at[dst_v.at[t]], ssems[u], add=True)

        def _swait(t, u):
            pltpu.make_async_copy(rows[u], acc.at[dst_v.at[t]],
                                  ssems[u]).wait()

        _gather(0, 0)

        def tri(m, c):
            for u in range(3):
                t = 3 * m + u
                un = (u + 1) % 3

                @pl.when(jnp.logical_and(t >= 2, t < K))
                def _():
                    _swait(t - 2, un)

                @pl.when(t + 1 < K)
                def _():
                    _gather(t + 1, un)

                @pl.when(t < K)
                def _():
                    _gwait(t, u)
                    _scat(t, u)
            return c

        lax.fori_loop(0, (K + 2) // 3, tri, 0)
        _swait(K - 2, (K - 2) % 3)
        _swait(K - 1, (K - 1) % 3)
        plsc.subcore_barrier()

        pltpu.sync_copy(acc.at[pl.ds(sid * RPT, RPT)],
                        out_hbm.at[pl.ds(cid * N_ROW + sid * RPT, RPT)])

    return functools.partial(
        pl.kernel,
        body,
        out_type=jax.ShapeDtypeStruct((NC * N_ROW, d), jnp.float32),
        mesh=_MESH,
        scratch_types=[
            pltpu.VMEM((2, K, CHUNK), jnp.int32),
            pltpu.VMEM((CHUNK, d), jnp.float32),
            pltpu.VMEM((CHUNK, d), jnp.float32),
            pltpu.VMEM((CHUNK, d), jnp.float32),
            pltpu.VMEM_SHARED((N, d), jnp.float32),
            pltpu.SemaphoreType.DMA,
            pltpu.SemaphoreType.DMA,
            pltpu.SemaphoreType.DMA,
            pltpu.SemaphoreType.DMA,
            pltpu.SemaphoreType.DMA,
            pltpu.SemaphoreType.DMA,
            pltpu.SemaphoreType.DMA,
            pltpu.SemaphoreType.DMA,
        ],
        compiler_params=_SC_PARAMS,
    )()


_sc_scatter_h = _make_sc_scatter(D_H)
_sc_scatter_o = _make_sc_scatter(D_OUT)

B_R = 2560
_GRID = (N_ROW // B_R,)


def _rsqrt_col(d_ref, off_a, off_b):
    i = pl.program_id(0)
    a = d_ref[pl.ds(off_a + i * B_R, B_R)]
    b = d_ref[pl.ds(off_b + i * B_R, B_R)]
    s = lax.rsqrt(jnp.maximum(a + b, 1.0))
    return s.reshape(B_R, 1)


def _tc0_body(x_ref, d_ref, w_ref, o_ref):
    s = _rsqrt_col(d_ref, 0, 2 * SEG)
    o_ref[...] = jnp.dot(x_ref[...] * s, w_ref[...],
                         preferred_element_type=jnp.float32)


def _tc_mid_body(p0_ref, p1_ref, d_ref, b_ref, w_ref, o_ref):
    si = _rsqrt_col(d_ref, SEG, 3 * SEG)
    h = (p0_ref[...] + p1_ref[...]) * si + b_ref[...]
    h = jnp.maximum(h, 0.0)
    so = _rsqrt_col(d_ref, 0, 2 * SEG)
    o_ref[...] = jnp.dot(h * so, w_ref[...],
                         preferred_element_type=jnp.float32)


def _tc_last_body(q0_ref, q1_ref, dia_ref, dib_ref, b_ref, o_ref):
    s2 = lax.rsqrt(jnp.maximum(dia_ref[...] + dib_ref[...], 1.0))
    lane = lax.broadcasted_iota(jnp.int32, (B2, 2 * D_OUT), 1)
    s = jnp.where(lane < D_OUT, s2[:, 0:1], s2[:, 1:2])
    o_ref[...] = (q0_ref[...] + q1_ref[...]) * s + b_ref[...]


def _row_spec(d):
    return pl.BlockSpec((B_R, d), lambda i: (i, 0))


def _half_spec(d, half):
    g = N_ROW // B_R
    return pl.BlockSpec((B_R, d), lambda i, _g=g, _h=half: (i + _h * _g, 0))


def _full_spec(r, c):
    return pl.BlockSpec((r, c), lambda i: (0, 0))


_DEG_SPEC = pl.BlockSpec((4 * SEG,), lambda i: (0,))


def _tc0(x, deg, w):
    d_in, d_out = w.shape
    return pl.pallas_call(
        _tc0_body,
        grid=_GRID,
        in_specs=[_row_spec(d_in), _DEG_SPEC, _full_spec(d_in, d_out)],
        out_specs=_row_spec(d_out),
        out_shape=jax.ShapeDtypeStruct((N_ROW, d_out), jnp.float32),
    )(x, deg, w)


def _tc_mid(p, deg, b, w):
    d_in, d_out = w.shape
    return pl.pallas_call(
        _tc_mid_body,
        grid=_GRID,
        in_specs=[_half_spec(d_in, 0), _half_spec(d_in, 1),
                  _DEG_SPEC, _full_spec(1, d_in), _full_spec(d_in, d_out)],
        out_specs=_row_spec(d_out),
        out_shape=jax.ShapeDtypeStruct((N_ROW, d_out), jnp.float32),
    )(p, p, deg, b, w)


B2 = B_R // 2


def _tc_last(q, dia2, dib2, b128):
    g = N_ROW // B_R
    spec_q = pl.BlockSpec((B2, 2 * D_OUT), lambda i: (i, 0))
    spec_q1 = pl.BlockSpec((B2, 2 * D_OUT), lambda i, _g=g: (i + _g, 0))
    spec_d = pl.BlockSpec((B2, 2), lambda i: (i, 0))
    return pl.pallas_call(
        _tc_last_body,
        grid=_GRID,
        in_specs=[spec_q, spec_q1, spec_d, spec_d,
                  _full_spec(1, 2 * D_OUT)],
        out_specs=spec_q,
        out_shape=jax.ShapeDtypeStruct((N_ROW // 2, 2 * D_OUT), jnp.float32),
    )(q, q, dia2, dib2, b128)


def kernel(features, edge_index, W0, b0, W1, b1, W2, b2):
    eidx = edge_index.reshape(2, NW, K, CHUNK)

    ones_c = jnp.ones((CHUNK,), jnp.float32)
    zrow = jnp.zeros((1000,), jnp.float32)
    zrows_h = jnp.zeros((NS, RPT, D_H), jnp.float32)
    zrows_o = jnp.zeros((NS, RPT, D_OUT), jnp.float32)

    deg = _deg_call(eidx, ones_c, zrow)

    x = jnp.pad(features, ((0, N_ROW - N), (0, 0)))
    y = _tc0(x, deg, W0)
    p = _sc_scatter_h(eidx, y, zrows_h)
    y = _tc_mid(p, deg, b0.reshape(1, D_H), W1)
    p = _sc_scatter_h(eidx, y, zrows_h)
    y = _tc_mid(p, deg, b1.reshape(1, D_H), W2)
    p = _sc_scatter_o(eidx, y, zrows_o)
    q = p.reshape(N_ROW, 2 * D_OUT)
    b128 = jnp.concatenate([b2, b2]).reshape(1, 2 * D_OUT)
    dia2 = deg[SEG:2 * SEG].reshape(SEG // 2, 2)
    dib2 = deg[3 * SEG:4 * SEG].reshape(SEG // 2, 2)
    return _tc_last(q, dia2, dib2, b128).reshape(N_ROW, D_OUT)[:N]

# --- scband reference (transcript-rebuilt; emitter-appended) ---
"""Pipeline reference for scband-gcn-1735166787669 (READ-ONLY COPY).

The authoritative reference and input builder live on the scoring server;
editing this copy changes nothing except your own understanding.
"""

import jax, jax.numpy as jnp
import numpy as np

N = 10000
E = 320000
D_IN = 128
D_H = 128
D_OUT = 64


def setup_inputs(seed: int = 0) -> dict:
    key = jax.random.key(seed)
    ks = jax.random.split(key, 8)
    x = jax.random.normal(ks[0], (N, D_IN), dtype=jnp.float32)
    edge_index = jax.random.randint(ks[1], (2, E), 0, N, dtype=jnp.int32)
    W0 = jax.random.normal(ks[2], (D_IN, D_H), dtype=jnp.float32) * (1.0 / np.sqrt(D_IN))
    b0 = jnp.zeros((D_H,), dtype=jnp.float32)
    W1 = jax.random.normal(ks[3], (D_H, D_H), dtype=jnp.float32) * (1.0 / np.sqrt(D_H))
    b1 = jnp.zeros((D_H,), dtype=jnp.float32)
    W2 = jax.random.normal(ks[4], (D_H, D_OUT), dtype=jnp.float32) * (1.0 / np.sqrt(D_H))
    b2 = jnp.zeros((D_OUT,), dtype=jnp.float32)
    return {"features": x, "edge_index": edge_index, "W0": W0, "b0": b0, "W1": W1, "b1": b1, "W2": W2, "b2": b2}


def _graph_conv(h, W, b, src, dst):
    # DGL GraphConv with norm='both': D_out^{-1/2} -> A^T aggregate -> D_in^{-1/2} -> W, b
    deg_out = jnp.maximum(jnp.zeros((N,), h.dtype).at[src].add(1.0), 1.0)
    deg_in = jnp.maximum(jnp.zeros((N,), h.dtype).at[dst].add(1.0), 1.0)
    h = h * jax.lax.rsqrt(deg_out)[:, None]
    h = h @ W
    agg = jnp.zeros((N, h.shape[1]), h.dtype).at[dst].add(h[src])
    agg = agg * jax.lax.rsqrt(deg_in)[:, None]
    return agg + b


def reference(features, edge_index, W0, b0, W1, b1, W2, b2):
    src = edge_index[0]
    dst = edge_index[1]
    h = _graph_conv(features, W0, b0, src, dst)
    h = jax.nn.relu(h)
    # dropout is identity in eval mode
    h = _graph_conv(h, W1, b1, src, dst)
    h = jax.nn.relu(h)
    h = _graph_conv(h, W2, b2, src, dst)
    return h

if __name__ == "__main__":
    import jax
    _d = setup_inputs()
    print(jax.jit(kernel)(*tuple(_d.values())))

</pallas_src>

<mosaic_0001>
#map = affine_map<(d0, d1) -> (0, 0, 0, 0)>
#map1 = affine_map<(d0, d1) -> (0, 0)>
#map2 = affine_map<(d0, d1) -> (0, 0, 0)>
module attributes {stable_mosaic.version = 14 : i64} {
  func.func @body(%arg0: i32, %arg1: i32, %arg2: memref<2x32x125x80xi32, #tpu.memory_space<hbm>>, %arg3: memref<10240x64xf32, #tpu.memory_space<hbm>>, %arg4: memref<16x625x64xf32, #tpu.memory_space<hbm>>, %arg5: memref<20480x64xf32, #tpu.memory_space<hbm>>, %arg6: memref<2x125x80xi32, #tpu.memory_space<vmem>>, %arg7: memref<80x64xf32, #tpu.memory_space<vmem>>, %arg8: memref<80x64xf32, #tpu.memory_space<vmem>>, %arg9: memref<80x64xf32, #tpu.memory_space<vmem>>, %arg10: memref<10000x64xf32, #tpu.memory_space<vmem_shared>>, %arg11: memref<!tpu.dma_semaphore, #tpu.memory_space<semaphore_mem>>, %arg12: memref<!tpu.dma_semaphore, #tpu.memory_space<semaphore_mem>>, %arg13: memref<!tpu.dma_semaphore, #tpu.memory_space<semaphore_mem>>, %arg14: memref<!tpu.dma_semaphore, #tpu.memory_space<semaphore_mem>>, %arg15: memref<!tpu.dma_semaphore, #tpu.memory_space<semaphore_mem>>, %arg16: memref<!tpu.dma_semaphore, #tpu.memory_space<semaphore_mem>>, %arg17: memref<!tpu.dma_semaphore, #tpu.memory_space<semaphore_mem>>, %arg18: memref<!tpu.dma_semaphore, #tpu.memory_space<semaphore_mem>>) attributes {dimension_semantics = [#tpu.dimension_semantics<core_parallel>, #tpu.dimension_semantics<subcore_parallel>], iteration_bounds = array<i64: 2, 16>, scalar_prefetch = 0 : i64, scratch_operands = 13 : i64, tpu.core_type = #tpu.core_type<sc_vector_subcore>, window_params = [{transform_indices = #map}, {transform_indices = #map1}, {transform_indices = #map2}, {transform_indices = #map1}]} {
    %mul3A = arith.constant 16 : i32
    %mul3A_0 = arith.muli %arg0, %mul3A : i32
    %add3A = arith.addi %mul3A_0, %arg1 : i32
    %mul3A_1 = arith.constant 625 : i32
    %mul3A_2 = arith.muli %arg1, %mul3A_1 : i32
    %dma_start3A = arith.constant 0 : i32
    %dma_start3A_3 = tpu.memref_slice %arg10[%mul3A_2, %dma_start3A] : memref<10000x64xf32, #tpu.memory_space<vmem_shared>> -> memref<625x64xf32, #tpu.memory_space<vmem_shared>>
    %dma_start3A_4 = arith.constant 0 : i32
    %dma_start3A_5 = arith.constant 0 : i32
    %dma_start3A_6 = tpu.memref_slice %arg4[%arg1, %dma_start3A_4, %dma_start3A_5] : memref<16x625x64xf32, #tpu.memory_space<hbm>> -> memref<1x625x64xf32, #tpu.memory_space<hbm>>
    %dma_start3A_7 = tpu.memref_squeeze %dma_start3A_6 : memref<1x625x64xf32, #tpu.memory_space<hbm>> -> memref<625x64xf32, #tpu.memory_space<hbm>>
    tpu.enqueue_dma source(%dma_start3A_7 : memref<625x64xf32, #tpu.memory_space<hbm>>) target(%dma_start3A_3 : memref<625x64xf32, #tpu.memory_space<vmem_shared>>) target_semaphore(%arg11 : memref<!tpu.dma_semaphore, #tpu.memory_space<semaphore_mem>>)
    %dma_start3A_8 = arith.constant 0 : i32
    %dma_start3A_9 = arith.constant 0 : i32
    %dma_start3A_10 = arith.constant 0 : i32
    %dma_start3A_11 = arith.constant 0 : i32
    %dma_start3A_12 = tpu.memref_slice %arg6[%dma_start3A_9, %dma_start3A_10, %dma_start3A_11] : memref<2x125x80xi32, #tpu.memory_space<vmem>> -> memref<1x125x80xi32, #tpu.memory_space<vmem>>
    %dma_start3A_13 = tpu.memref_squeeze %dma_start3A_12 : memref<1x125x80xi32, #tpu.memory_space<vmem>> -> memref<125x80xi32, #tpu.memory_space<vmem>>
    %dma_start3A_14 = arith.constant 0 : i32
    %dma_start3A_15 = arith.constant 0 : i32
    %dma_start3A_16 = tpu.memref_slice %arg2[%dma_start3A_8, %add3A, %dma_start3A_14, %dma_start3A_15] : memref<2x32x125x80xi32, #tpu.memory_space<hbm>> -> memref<1x1x125x80xi32, #tpu.memory_space<hbm>>
    %dma_start3A_17 = tpu.memref_squeeze %dma_start3A_16 : memref<1x1x125x80xi32, #tpu.memory_space<hbm>> -> memref<125x80xi32, #tpu.memory_space<hbm>>
    %dma_start3A_18 = arith.constant 0 : i32
    %dma_start3A_19 = arith.constant 0 : i32
    %dma_start3A_20 = tpu.memref_slice %arg6[%dma_start3A_9, %dma_start3A_18, %dma_start3A_19] : memref<2x125x80xi32, #tpu.memory_space<vmem>> -> memref<1x125x80xi32, #tpu.memory_space<vmem>>
    %dma_start3A_21 = tpu.memref_squeeze %dma_start3A_20 : memref<1x125x80xi32, #tpu.memory_space<vmem>> -> memref<125x80xi32, #tpu.memory_space<vmem>>
    %dma_start3A_22 = arith.constant 0 : i32
    %dma_start3A_23 = arith.constant 0 : i32
    %dma_start3A_24 = tpu.memref_slice %arg2[%dma_start3A_8, %add3A, %dma_start3A_22, %dma_start3A_23] : memref<2x32x125x80xi32, #tpu.memory_space<hbm>> -> memref<1x1x125x80xi32, #tpu.memory_space<hbm>>
    %dma_start3A_25 = tpu.memref_squeeze %dma_start3A_24 : memref<1x1x125x80xi32, #tpu.memory_space<hbm>> -> memref<125x80xi32, #tpu.memory_space<hbm>>
    tpu.enqueue_dma source(%dma_start3A_25 : memref<125x80xi32, #tpu.memory_space<hbm>>) target(%dma_start3A_21 : memref<125x80xi32, #tpu.memory_space<vmem>>) target_semaphore(%arg12 : memref<!tpu.dma_semaphore, #tpu.memory_space<semaphore_mem>>)
    %dma_start3A_26 = arith.constant 1 : i32
    %dma_start3A_27 = arith.constant 1 : i32
    %dma_start3A_28 = arith.constant 0 : i32
    %dma_start3A_29 = arith.constant 0 : i32
    %dma_start3A_30 = tpu.memref_slice %arg6[%dma_start3A_27, %dma_start3A_28, %dma_start3A_29] : memref<2x125x80xi32, #tpu.memory_space<vmem>> -> memref<1x125x80xi32, #tpu.memory_space<vmem>>
    %dma_start3A_31 = tpu.memref_squeeze %dma_start3A_30 : memref<1x125x80xi32, #tpu.memory_space<vmem>> -> memref<125x80xi32, #tpu.memory_space<vmem>>
    %dma_start3A_32 = arith.constant 0 : i32
    %dma_start3A_33 = arith.constant 0 : i32
    %dma_start3A_34 = tpu.memref_slice %arg2[%dma_start3A_26, %add3A, %dma_start3A_32, %dma_start3A_33] : memref<2x32x125x80xi32, #tpu.memory_space<hbm>> -> memref<1x1x125x80xi32, #tpu.memory_space<hbm>>
    %dma_start3A_35 = tpu.memref_squeeze %dma_start3A_34 : memref<1x1x125x80xi32, #tpu.memory_space<hbm>> -> memref<125x80xi32, #tpu.memory_space<hbm>>
    %dma_start3A_36 = arith.constant 0 : i32
    %dma_start3A_37 = arith.constant 0 : i32
    %dma_start3A_38 = tpu.memref_slice %arg6[%dma_start3A_27, %dma_start3A_36, %dma_start3A_37] : memref<2x125x80xi32, #tpu.memory_space<vmem>> -> memref<1x125x80xi32, #tpu.memory_space<vmem>>
    %dma_start3A_39 = tpu.memref_squeeze %dma_start3A_38 : memref<1x125x80xi32, #tpu.memory_space<vmem>> -> memref<125x80xi32, #tpu.memory_space<vmem>>
    %dma_start3A_40 = arith.constant 0 : i32
    %dma_start3A_41 = arith.constant 0 : i32
    %dma_start3A_42 = tpu.memref_slice %arg2[%dma_start3A_26, %add3A, %dma_start3A_40, %dma_start3A_41] : memref<2x32x125x80xi32, #tpu.memory_space<hbm>> -> memref<1x1x125x80xi32, #tpu.memory_space<hbm>>
    %dma_start3A_43 = tpu.memref_squeeze %dma_start3A_42 : memref<1x1x125x80xi32, #tpu.memory_space<hbm>> -> memref<125x80xi32, #tpu.memory_space<hbm>>
    tpu.enqueue_dma source(%dma_start3A_43 : memref<125x80xi32, #tpu.memory_space<hbm>>) target(%dma_start3A_39 : memref<125x80xi32, #tpu.memory_space<vmem>>) target_semaphore(%arg12 : memref<!tpu.dma_semaphore, #tpu.memory_space<semaphore_mem>>)
    %dma_wait3A = arith.constant 0 : i32
    %dma_wait3A_44 = arith.constant 0 : i32
    %dma_wait3A_45 = arith.constant 0 : i32
    %dma_wait3A_46 = arith.constant 0 : i32
    %dma_wait3A_47 = tpu.memref_slice %arg6[%dma_wait3A_44, %dma_wait3A_45, %dma_wait3A_46] : memref<2x125x80xi32, #tpu.memory_space<vmem>> -> memref<1x125x80xi32, #tpu.memory_space<vmem>>
    %dma_wait3A_48 = tpu.memref_squeeze %dma_wait3A_47 : memref<1x125x80xi32, #tpu.memory_space<vmem>> -> memref<125x80xi32, #tpu.memory_space<vmem>>
    %dma_wait3A_49 = arith.constant 0 : i32
    %dma_wait3A_50 = arith.constant 0 : i32
    %dma_wait3A_51 = tpu.memref_slice %arg2[%dma_wait3A, %add3A, %dma_wait3A_49, %dma_wait3A_50] : memref<2x32x125x80xi32, #tpu.memory_space<hbm>> -> memref<1x1x125x80xi32, #tpu.memory_space<hbm>>
    %dma_wait3A_52 = tpu.memref_squeeze %dma_wait3A_51 : memref<1x1x125x80xi32, #tpu.memory_space<hbm>> -> memref<125x80xi32, #tpu.memory_space<hbm>>
    %dma_wait3A_53 = arith.constant 0 : i32
    %dma_wait3A_54 = arith.constant 0 : i32
    %dma_wait3A_55 = tpu.memref_slice %arg6[%dma_wait3A_44, %dma_wait3A_53, %dma_wait3A_54] : memref<2x125x80xi32, #tpu.memory_space<vmem>> -> memref<1x125x80xi32, #tpu.memory_space<vmem>>
    %dma_wait3A_56 = tpu.memref_squeeze %dma_wait3A_55 : memref<1x125x80xi32, #tpu.memory_space<vmem>> -> memref<125x80xi32, #tpu.memory_space<vmem>>
    %dma_wait3A_57 = arith.constant 0 : i32
    %dma_wait3A_58 = arith.constant 0 : i32
    %dma_wait3A_59 = tpu.memref_slice %arg2[%dma_wait3A, %add3A, %dma_wait3A_57, %dma_wait3A_58] : memref<2x32x125x80xi32, #tpu.memory_space<hbm>> -> memref<1x1x125x80xi32, #tpu.memory_space<hbm>>
    %dma_wait3A_60 = tpu.memref_squeeze %dma_wait3A_59 : memref<1x1x125x80xi32, #tpu.memory_space<hbm>> -> memref<125x80xi32, #tpu.memory_space<hbm>>
    tpu.wait_dma2 semaphore(%arg12 : memref<!tpu.dma_semaphore, #tpu.memory_space<semaphore_mem>>) src(%dma_wait3A_60 : memref<125x80xi32, #tpu.memory_space<hbm>>) dst(%dma_wait3A_56 : memref<125x80xi32, #tpu.memory_space<vmem>>)
    %dma_wait3A_61 = arith.constant 1 : i32
    %dma_wait3A_62 = arith.constant 1 : i32
    %dma_wait3A_63 = arith.constant 0 : i32
    %dma_wait3A_64 = arith.constant 0 : i32
    %dma_wait3A_65 = tpu.memref_slice %arg6[%dma_wait3A_62, %dma_wait3A_63, %dma_wait3A_64] : memref<2x125x80xi32, #tpu.memory_space<vmem>> -> memref<1x125x80xi32, #tpu.memory_space<vmem>>
    %dma_wait3A_66 = tpu.memref_squeeze %dma_wait3A_65 : memref<1x125x80xi32, #tpu.memory_space<vmem>> -> memref<125x80xi32, #tpu.memory_space<vmem>>
    %dma_wait3A_67 = arith.constant 0 : i32
    %dma_wait3A_68 = arith.constant 0 : i32
    %dma_wait3A_69 = tpu.memref_slice %arg2[%dma_wait3A_61, %add3A, %dma_wait3A_67, %dma_wait3A_68] : memref<2x32x125x80xi32, #tpu.memory_space<hbm>> -> memref<1x1x125x80xi32, #tpu.memory_space<hbm>>
    %dma_wait3A_70 = tpu.memref_squeeze %dma_wait3A_69 : memref<1x1x125x80xi32, #tpu.memory_space<hbm>> -> memref<125x80xi32, #tpu.memory_space<hbm>>
    %dma_wait3A_71 = arith.constant 0 : i32
    %dma_wait3A_72 = arith.constant 0 : i32
    %dma_wait3A_73 = tpu.memref_slice %arg6[%dma_wait3A_62, %dma_wait3A_71, %dma_wait3A_72] : memref<2x125x80xi32, #tpu.memory_space<vmem>> -> memref<1x125x80xi32, #tpu.memory_space<vmem>>
    %dma_wait3A_74 = tpu.memref_squeeze %dma_wait3A_73 : memref<1x125x80xi32, #tpu.memory_space<vmem>> -> memref<125x80xi32, #tpu.memory_space<vmem>>
    %dma_wait3A_75 = arith.constant 0 : i32
    %dma_wait3A_76 = arith.constant 0 : i32
    %dma_wait3A_77 = tpu.memref_slice %arg2[%dma_wait3A_61, %add3A, %dma_wait3A_75, %dma_wait3A_76] : memref<2x32x125x80xi32, #tpu.memory_space<hbm>> -> memref<1x1x125x80xi32, #tpu.memory_space<hbm>>
    %dma_wait3A_78 = tpu.memref_squeeze %dma_wait3A_77 : memref<1x1x125x80xi32, #tpu.memory_space<hbm>> -> memref<125x80xi32, #tpu.memory_space<hbm>>
    tpu.wait_dma2 semaphore(%arg12 : memref<!tpu.dma_semaphore, #tpu.memory_space<semaphore_mem>>) src(%dma_wait3A_78 : memref<125x80xi32, #tpu.memory_space<hbm>>) dst(%dma_wait3A_74 : memref<125x80xi32, #tpu.memory_space<vmem>>)
    %mul3A_79 = arith.constant 625 : i32
    %mul3A_80 = arith.muli %arg1, %mul3A_79 : i32
    %dma_wait3A_81 = arith.constant 0 : i32
    %dma_wait3A_82 = tpu.memref_slice %arg10[%mul3A_80, %dma_wait3A_81] : memref<10000x64xf32, #tpu.memory_space<vmem_shared>> -> memref<625x64xf32, #tpu.memory_space<vmem_shared>>
    %dma_wait3A_83 = arith.constant 0 : i32
    %dma_wait3A_84 = arith.constant 0 : i32
    %dma_wait3A_85 = tpu.memref_slice %arg4[%arg1, %dma_wait3A_83, %dma_wait3A_84] : memref<16x625x64xf32, #tpu.memory_space<hbm>> -> memref<1x625x64xf32, #tpu.memory_space<hbm>>
    %dma_wait3A_86 = tpu.memref_squeeze %dma_wait3A_85 : memref<1x625x64xf32, #tpu.memory_space<hbm>> -> memref<625x64xf32, #tpu.memory_space<hbm>>
    tpu.wait_dma2 semaphore(%arg11 : memref<!tpu.dma_semaphore, #tpu.memory_space<semaphore_mem>>) src(%dma_wait3A_86 : memref<625x64xf32, #tpu.memory_space<hbm>>) dst(%dma_wait3A_82 : memref<625x64xf32, #tpu.memory_space<vmem_shared>>)
    %barrier3A = arith.constant 0 : index
    tpu.barrier barrier_id(%barrier3A)
    %dma_start3A_87 = arith.constant 0 : i32
    %dma_start3A_88 = arith.constant 0 : i32
    %dma_start3A_89 = arith.constant 0 : i32
    %dma_start3A_90 = arith.constant 0 : i32
    %dma_start3A_91 = tpu.memref_slice %arg6[%dma_start3A_87, %dma_start3A_89, %dma_start3A_90] : memref<2x125x80xi32, #tpu.memory_space<vmem>> -> memref<1x125x80xi32, #tpu.memory_space<vmem>>
    %dma_start3A_92 = tpu.memref_squeeze %dma_start3A_91 : memref<1x125x80xi32, #tpu.memory_space<vmem>> -> memref<125x80xi32, #tpu.memory_space<vmem>>
    %dma_start3A_93 = arith.constant 0 : i32
    %dma_start3A_94 = tpu.memref_slice %dma_start3A_92[%dma_start3A_88, %dma_start3A_93] : memref<125x80xi32, #tpu.memory_space<vmem>> -> memref<1x80xi32, #tpu.memory_space<vmem>>
    %dma_start3A_95 = tpu.memref_squeeze %dma_start3A_94 : memref<1x80xi32, #tpu.memory_space<vmem>> -> memref<80xi32, #tpu.memory_space<vmem>>
    %dma_start3A_96 = arith.constant 0 : i32
    %dma_start3A_97 = arith.constant 0 : i32
    %dma_start3A_98 = tpu.memref_slice %arg3[%dma_start3A_96, %dma_start3A_97] : memref<10240x64xf32, #tpu.memory_space<hbm>> -> memref<10240x64xf32, #tpu.memory_space<hbm>>
    tpu.enqueue_indirect_dma source(%dma_start3A_98 : memref<10240x64xf32, #tpu.memory_space<hbm>>) target(%arg7 : memref<80x64xf32, #tpu.memory_space<vmem>>) offsets(%dma_start3A_95 : memref<80xi32, #tpu.memory_space<vmem>>) semaphore(%arg13 : memref<!tpu.dma_semaphore, #tpu.memory_space<semaphore_mem>>)
    %scan3A = arith.constant 0 : i32
    %scan3A_99 = arith.constant 1 : i32
    %scan3A_100 = arith.constant 0 : i32
    %scan3A_101 = arith.constant 0 : i32
    %scan3A_102 = arith.constant 42 : i32
    %scan3A_103 = arith.addi %scan3A_101, %scan3A_102 : i32
    %scan3A_104 = arith.constant 1 : i32
    scf.for %scan3A_138 = %scan3A_101 to %scan3A_103 step %scan3A_104  : i32 {
      %mul3A_139 = arith.constant 3 : i32
      %mul3A_140 = arith.muli %mul3A_139, %scan3A_138 : i32
      %add3A_141 = arith.constant 0 : i32
      %add3A_142 = arith.addi %mul3A_140, %add3A_141 : i32
      %ge3A = arith.constant 2 : i32
      %ge3A_143 = arith.cmpi sge, %add3A_142, %ge3A : i32
      %lt3A = arith.constant 125 : i32
      %lt3A_144 = arith.cmpi slt, %add3A_142, %lt3A : i32
      %and3A = arith.andi %ge3A_143, %lt3A_144 : i1
      %convert_element_type3A = arith.extui %and3A : i1 to i32
      %cond3A = arith.constant 0 : i32
      %cond3A_145 = arith.cmpi ne, %convert_element_type3A, %cond3A : i32
      scf.if %cond3A_145 {
        %sub3A = arith.constant 2 : i32
        %sub3A_206 = arith.subi %add3A_142, %sub3A : i32
        %dma_wait3A_207 = arith.constant 0 : i32
        %dma_wait3A_208 = arith.constant 0 : i32
        %dma_wait3A_209 = tpu.memref_slice %arg6[%scan3A_99, %dma_wait3A_207, %dma_wait3A_208] : memref<2x125x80xi32, #tpu.memory_space<vmem>> -> memref<1x125x80xi32, #tpu.memory_space<vmem>>
        %dma_wait3A_210 = tpu.memref_squeeze %dma_wait3A_209 : memref<1x125x80xi32, #tpu.memory_space<vmem>> -> memref<125x80xi32, #tpu.memory_space<vmem>>
        %dma_wait3A_211 = arith.constant 0 : i32
        %dma_wait3A_212 = tpu.memref_slice %dma_wait3A_210[%sub3A_206, %dma_wait3A_211] : memref<125x80xi32, #tpu.memory_space<vmem>> -> memref<1x80xi32, #tpu.memory_space<vmem>>
        %dma_wait3A_213 = tpu.memref_squeeze %dma_wait3A_212 : memref<1x80xi32, #tpu.memory_space<vmem>> -> memref<80xi32, #tpu.memory_space<vmem>>
        %dma_wait3A_214 = arith.constant 0 : i32
        %dma_wait3A_215 = arith.constant 0 : i32
        %dma_wait3A_216 = tpu.memref_slice %arg10[%dma_wait3A_214, %dma_wait3A_215] : memref<10000x64xf32, #tpu.memory_space<vmem_shared>> -> memref<10000x64xf32, #tpu.memory_space<vmem_shared>>
        tpu.wait_indirect_dma semaphore(%arg17 : memref<!tpu.dma_semaphore, #tpu.memory_space<semaphore_mem>>) src(%arg8 : memref<80x64xf32, #tpu.memory_space<vmem>>) dst(%dma_wait3A_216 : memref<10000x64xf32, #tpu.memory_space<vmem_shared>>)
      } else {
      }
      %add3A_146 = arith.constant 1 : i32
      %add3A_147 = arith.addi %add3A_142, %add3A_146 : i32
      %lt3A_148 = arith.constant 125 : i32
      %lt3A_149 = arith.cmpi slt, %add3A_147, %lt3A_148 : i32
      %convert_element_type3A_150 = arith.extui %lt3A_149 : i1 to i32
      %cond3A_151 = arith.constant 0 : i32
      %cond3A_152 = arith.cmpi ne, %convert_element_type3A_150, %cond3A_151 : i32
      scf.if %cond3A_152 {
        %add3A_206 = arith.constant 1 : i32
        %add3A_207 = arith.addi %add3A_142, %add3A_206 : i32
        %dma_start3A_208 = arith.constant 0 : i32
        %dma_start3A_209 = arith.constant 0 : i32
        %dma_start3A_210 = tpu.memref_slice %arg6[%scan3A_100, %dma_start3A_208, %dma_start3A_209] : memref<2x125x80xi32, #tpu.memory_space<vmem>> -> memref<1x125x80xi32, #tpu.memory_space<vmem>>
        %dma_start3A_211 = tpu.memref_squeeze %dma_start3A_210 : memref<1x125x80xi32, #tpu.memory_space<vmem>> -> memref<125x80xi32, #tpu.memory_space<vmem>>
        %dma_start3A_212 = arith.constant 0 : i32
        %dma_start3A_213 = tpu.memref_slice %dma_start3A_211[%add3A_207, %dma_start3A_212] : memref<125x80xi32, #tpu.memory_space<vmem>> -> memref<1x80xi32, #tpu.memory_space<vmem>>
        %dma_start3A_214 = tpu.memref_squeeze %dma_start3A_213 : memref<1x80xi32, #tpu.memory_space<vmem>> -> memref<80xi32, #tpu.memory_space<vmem>>
        %dma_start3A_215 = arith.constant 0 : i32
        %dma_start3A_216 = arith.constant 0 : i32
        %dma_start3A_217 = tpu.memref_slice %arg3[%dma_start3A_215, %dma_start3A_216] : memref<10240x64xf32, #tpu.memory_space<hbm>> -> memref<10240x64xf32, #tpu.memory_space<hbm>>
        tpu.enqueue_indirect_dma source(%dma_start3A_217 : memref<10240x64xf32, #tpu.memory_space<hbm>>) target(%arg8 : memref<80x64xf32, #tpu.memory_space<vmem>>) offsets(%dma_start3A_214 : memref<80xi32, #tpu.memory_space<vmem>>) semaphore(%arg14 : memref<!tpu.dma_semaphore, #tpu.memory_space<semaphore_mem>>)
      } else {
      }
      %lt3A_153 = arith.constant 125 : i32
      %lt3A_154 = arith.cmpi slt, %add3A_142, %lt3A_153 : i32
      %convert_element_type3A_155 = arith.extui %lt3A_154 : i1 to i32
      %cond3A_156 = arith.constant 0 : i32
      %cond3A_157 = arith.cmpi ne, %convert_element_type3A_155, %cond3A_156 : i32
      scf.if %cond3A_157 {
        %dma_wait3A_206 = arith.constant 0 : i32
        %dma_wait3A_207 = arith.constant 0 : i32
        %dma_wait3A_208 = tpu.memref_slice %arg6[%scan3A_100, %dma_wait3A_206, %dma_wait3A_207] : memref<2x125x80xi32, #tpu.memory_space<vmem>> -> memref<1x125x80xi32, #tpu.memory_space<vmem>>
        %dma_wait3A_209 = tpu.memref_squeeze %dma_wait3A_208 : memref<1x125x80xi32, #tpu.memory_space<vmem>> -> memref<125x80xi32, #tpu.memory_space<vmem>>
        %dma_wait3A_210 = arith.constant 0 : i32
        %dma_wait3A_211 = tpu.memref_slice %dma_wait3A_209[%add3A_142, %dma_wait3A_210] : memref<125x80xi32, #tpu.memory_space<vmem>> -> memref<1x80xi32, #tpu.memory_space<vmem>>
        %dma_wait3A_212 = tpu.memref_squeeze %dma_wait3A_211 : memref<1x80xi32, #tpu.memory_space<vmem>> -> memref<80xi32, #tpu.memory_space<vmem>>
        %dma_wait3A_213 = arith.constant 0 : i32
        %dma_wait3A_214 = arith.constant 0 : i32
        %dma_wait3A_215 = tpu.memref_slice %arg3[%dma_wait3A_213, %dma_wait3A_214] : memref<10240x64xf32, #tpu.memory_space<hbm>> -> memref<10240x64xf32, #tpu.memory_space<hbm>>
        tpu.wait_indirect_dma semaphore(%arg13 : memref<!tpu.dma_semaphore, #tpu.memory_space<semaphore_mem>>) src(%dma_wait3A_215 : memref<10240x64xf32, #tpu.memory_space<hbm>>) dst(%arg7 : memref<80x64xf32, #tpu.memory_space<vmem>>)
        %dma_start3A_216 = arith.constant 0 : i32
        %dma_start3A_217 = arith.constant 0 : i32
        %dma_start3A_218 = tpu.memref_slice %arg6[%scan3A_99, %dma_start3A_216, %dma_start3A_217] : memref<2x125x80xi32, #tpu.memory_space<vmem>> -> memref<1x125x80xi32, #tpu.memory_space<vmem>>
        %dma_start3A_219 = tpu.memref_squeeze %dma_start3A_218 : memref<1x125x80xi32, #tpu.memory_space<vmem>> -> memref<125x80xi32, #tpu.memory_space<vmem>>
        %dma_start3A_220 = arith.constant 0 : i32
        %dma_start3A_221 = tpu.memref_slice %dma_start3A_219[%add3A_142, %dma_start3A_220] : memref<125x80xi32, #tpu.memory_space<vmem>> -> memref<1x80xi32, #tpu.memory_space<vmem>>
        %dma_start3A_222 = tpu.memref_squeeze %dma_start3A_221 : memref<1x80xi32, #tpu.memory_space<vmem>> -> memref<80xi32, #tpu.memory_space<vmem>>
        %dma_start3A_223 = arith.constant 0 : i32
        %dma_start3A_224 = arith.constant 0 : i32
        %dma_start3A_225 = tpu.memref_slice %arg10[%dma_start3A_223, %dma_start3A_224] : memref<10000x64xf32, #tpu.memory_space<vmem_shared>> -> memref<10000x64xf32, #tpu.memory_space<vmem_shared>>
        tpu.enqueue_indirect_dma source(%arg7 : memref<80x64xf32, #tpu.memory_space<vmem>>) target(%dma_start3A_225 : memref<10000x64xf32, #tpu.memory_space<vmem_shared>>) offsets(%dma_start3A_222 : memref<80xi32, #tpu.memory_space<vmem>>) semaphore(%arg16 : memref<!tpu.dma_semaphore, #tpu.memory_space<semaphore_mem>>) {add = true}
      } else {
      }
      %mul3A_158 = arith.constant 3 : i32
      %mul3A_159 = arith.muli %mul3A_158, %scan3A_138 : i32
      %add3A_160 = arith.constant 1 : i32
      %add3A_161 = arith.addi %mul3A_159, %add3A_160 : i32
      %ge3A_162 = arith.constant 2 : i32
      %ge3A_163 = arith.cmpi sge, %add3A_161, %ge3A_162 : i32
      %lt3A_164 = arith.constant 125 : i32
      %lt3A_165 = arith.cmpi slt, %add3A_161, %lt3A_164 : i32
      %and3A_166 = arith.andi %ge3A_163, %lt3A_165 : i1
      %convert_element_type3A_167 = arith.extui %and3A_166 : i1 to i32
      %cond3A_168 = arith.constant 0 : i32
      %cond3A_169 = arith.cmpi ne, %convert_element_type3A_167, %cond3A_168 : i32
      scf.if %cond3A_169 {
        %sub3A = arith.constant 2 : i32
        %sub3A_206 = arith.subi %add3A_161, %sub3A : i32
        %dma_wait3A_207 = arith.constant 0 : i32
        %dma_wait3A_208 = arith.constant 0 : i32
        %dma_wait3A_209 = tpu.memref_slice %arg6[%scan3A_99, %dma_wait3A_207, %dma_wait3A_208] : memref<2x125x80xi32, #tpu.memory_space<vmem>> -> memref<1x125x80xi32, #tpu.memory_space<vmem>>
        %dma_wait3A_210 = tpu.memref_squeeze %dma_wait3A_209 : memref<1x125x80xi32, #tpu.memory_space<vmem>> -> memref<125x80xi32, #tpu.memory_space<vmem>>
        %dma_wait3A_211 = arith.constant 0 : i32
        %dma_wait3A_212 = tpu.memref_slice %dma_wait3A_210[%sub3A_206, %dma_wait3A_211] : memref<125x80xi32, #tpu.memory_space<vmem>> -> memref<1x80xi32, #tpu.memory_space<vmem>>
        %dma_wait3A_213 = tpu.memref_squeeze %dma_wait3A_212 : memref<1x80xi32, #tpu.memory_space<vmem>> -> memref<80xi32, #tpu.memory_space<vmem>>
        %dma_wait3A_214 = arith.constant 0 : i32
        %dma_wait3A_215 = arith.constant 0 : i32
        %dma_wait3A_216 = tpu.memref_slice %arg10[%dma_wait3A_214, %dma_wait3A_215] : memref<10000x64xf32, #tpu.memory_space<vmem_shared>> -> memref<10000x64xf32, #tpu.memory_space<vmem_shared>>
        tpu.wait_indirect_dma semaphore(%arg18 : memref<!tpu.dma_semaphore, #tpu.memory_space<semaphore_mem>>) src(%arg9 : memref<80x64xf32, #tpu.memory_space<vmem>>) dst(%dma_wait3A_216 : memref<10000x64xf32, #tpu.memory_space<vmem_shared>>)
      } else {
      }
      %add3A_170 = arith.constant 1 : i32
      %add3A_171 = arith.addi %add3A_161, %add3A_170 : i32
      %lt3A_172 = arith.constant 125 : i32
      %lt3A_173 = arith.cmpi slt, %add3A_171, %lt3A_172 : i32
      %convert_element_type3A_174 = arith.extui %lt3A_173 : i1 to i32
      %cond3A_175 = arith.constant 0 : i32
      %cond3A_176 = arith.cmpi ne, %convert_element_type3A_174, %cond3A_175 : i32
      scf.if %cond3A_176 {
        %add3A_206 = arith.constant 1 : i32
        %add3A_207 = arith.addi %add3A_161, %add3A_206 : i32
        %dma_start3A_208 = arith.constant 0 : i32
        %dma_start3A_209 = arith.constant 0 : i32
        %dma_start3A_210 = tpu.memref_slice %arg6[%scan3A_100, %dma_start3A_208, %dma_start3A_209] : memref<2x125x80xi32, #tpu.memory_space<vmem>> -> memref<1x125x80xi32, #tpu.memory_space<vmem>>
        %dma_start3A_211 = tpu.memref_squeeze %dma_start3A_210 : memref<1x125x80xi32, #tpu.memory_space<vmem>> -> memref<125x80xi32, #tpu.memory_space<vmem>>
        %dma_start3A_212 = arith.constant 0 : i32
        %dma_start3A_213 = tpu.memref_slice %dma_start3A_211[%add3A_207, %dma_start3A_212] : memref<125x80xi32, #tpu.memory_space<vmem>> -> memref<1x80xi32, #tpu.memory_space<vmem>>
        %dma_start3A_214 = tpu.memref_squeeze %dma_start3A_213 : memref<1x80xi32, #tpu.memory_space<vmem>> -> memref<80xi32, #tpu.memory_space<vmem>>
        %dma_start3A_215 = arith.constant 0 : i32
        %dma_start3A_216 = arith.constant 0 : i32
        %dma_start3A_217 = tpu.memref_slice %arg3[%dma_start3A_215, %dma_start3A_216] : memref<10240x64xf32, #tpu.memory_space<hbm>> -> memref<10240x64xf32, #tpu.memory_space<hbm>>
        tpu.enqueue_indirect_dma source(%dma_start3A_217 : memref<10240x64xf32, #tpu.memory_space<hbm>>) target(%arg9 : memref<80x64xf32, #tpu.memory_space<vmem>>) offsets(%dma_start3A_214 : memref<80xi32, #tpu.memory_space<vmem>>) semaphore(%arg15 : memref<!tpu.dma_semaphore, #tpu.memory_space<semaphore_mem>>)
      } else {
      }
      %lt3A_177 = arith.constant 125 : i32
      %lt3A_178 = arith.cmpi slt, %add3A_161, %lt3A_177 : i32
      %convert_element_type3A_179 = arith.extui %lt3A_178 : i1 to i32
      %cond3A_180 = arith.constant 0 : i32
      %cond3A_181 = arith.cmpi ne, %convert_element_type3A_179, %cond3A_180 : i32
      scf.if %cond3A_181 {
        %dma_wait3A_206 = arith.constant 0 : i32
        %dma_wait3A_207 = arith.constant 0 : i32
        %dma_wait3A_208 = tpu.memref_slice %arg6[%scan3A_100, %dma_wait3A_206, %dma_wait3A_207] : memref<2x125x80xi32, #tpu.memory_space<vmem>> -> memref<1x125x80xi32, #tpu.memory_space<vmem>>
        %dma_wait3A_209 = tpu.memref_squeeze %dma_wait3A_208 : memref<1x125x80xi32, #tpu.memory_space<vmem>> -> memref<125x80xi32, #tpu.memory_space<vmem>>
        %dma_wait3A_210 = arith.constant 0 : i32
        %dma_wait3A_211 = tpu.memref_slice %dma_wait3A_209[%add3A_161, %dma_wait3A_210] : memref<125x80xi32, #tpu.memory_space<vmem>> -> memref<1x80xi32, #tpu.memory_space<vmem>>
        %dma_wait3A_212 = tpu.memref_squeeze %dma_wait3A_211 : memref<1x80xi32, #tpu.memory_space<vmem>> -> memref<80xi32, #tpu.memory_space<vmem>>
        %dma_wait3A_213 = arith.constant 0 : i32
        %dma_wait3A_214 = arith.constant 0 : i32
        %dma_wait3A_215 = tpu.memref_slice %arg3[%dma_wait3A_213, %dma_wait3A_214] : memref<10240x64xf32, #tpu.memory_space<hbm>> -> memref<10240x64xf32, #tpu.memory_space<hbm>>
        tpu.wait_indirect_dma semaphore(%arg14 : memref<!tpu.dma_semaphore, #tpu.memory_space<semaphore_mem>>) src(%dma_wait3A_215 : memref<10240x64xf32, #tpu.memory_space<hbm>>) dst(%arg8 : memref<80x64xf32, #tpu.memory_space<vmem>>)
        %dma_start3A_216 = arith.constant 0 : i32
        %dma_start3A_217 = arith.constant 0 : i32
        %dma_start3A_218 = tpu.memref_slice %arg6[%scan3A_99, %dma_start3A_216, %dma_start3A_217] : memref<2x125x80xi32, #tpu.memory_space<vmem>> -> memref<1x125x80xi32, #tpu.memory_space<vmem>>
        %dma_start3A_219 = tpu.memref_squeeze %dma_start3A_218 : memref<1x125x80xi32, #tpu.memory_space<vmem>> -> memref<125x80xi32, #tpu.memory_space<vmem>>
        %dma_start3A_220 = arith.constant 0 : i32
        %dma_start3A_221 = tpu.memref_slice %dma_start3A_219[%add3A_161, %dma_start3A_220] : memref<125x80xi32, #tpu.memory_space<vmem>> -> memref<1x80xi32, #tpu.memory_space<vmem>>
        %dma_start3A_222 = tpu.memref_squeeze %dma_start3A_221 : memref<1x80xi32, #tpu.memory_space<vmem>> -> memref<80xi32, #tpu.memory_space<vmem>>
        %dma_start3A_223 = arith.constant 0 : i32
        %dma_start3A_224 = arith.constant 0 : i32
        %dma_start3A_225 = tpu.memref_slice %arg10[%dma_start3A_223, %dma_start3A_224] : memref<10000x64xf32, #tpu.memory_space<vmem_shared>> -> memref<10000x64xf32, #tpu.memory_space<vmem_shared>>
        tpu.enqueue_indirect_dma source(%arg8 : memref<80x64xf32, #tpu.memory_space<vmem>>) target(%dma_start3A_225 : memref<10000x64xf32, #tpu.memory_space<vmem_shared>>) offsets(%dma_start3A_222 : memref<80xi32, #tpu.memory_space<vmem>>) semaphore(%arg17 : memref<!tpu.dma_semaphore, #tpu.memory_space<semaphore_mem>>) {add = true}
      } else {
      }
      %mul3A_182 = arith.constant 3 : i32
      %mul3A_183 = arith.muli %mul3A_182, %scan3A_138 : i32
      %add3A_184 = arith.constant 2 : i32
      %add3A_185 = arith.addi %mul3A_183, %add3A_184 : i32
      %ge3A_186 = arith.constant 2 : i32
      %ge3A_187 = arith.cmpi sge, %add3A_185, %ge3A_186 : i32
      %lt3A_188 = arith.constant 125 : i32
      %lt3A_189 = arith.cmpi slt, %add3A_185, %lt3A_188 : i32
      %and3A_190 = arith.andi %ge3A_187, %lt3A_189 : i1
      %convert_element_type3A_191 = arith.extui %and3A_190 : i1 to i32
      %cond3A_192 = arith.constant 0 : i32
      %cond3A_193 = arith.cmpi ne, %convert_element_type3A_191, %cond3A_192 : i32
      scf.if %cond3A_193 {
        %sub3A = arith.constant 2 : i32
        %sub3A_206 = arith.subi %add3A_185, %sub3A : i32
        %dma_wait3A_207 = arith.constant 0 : i32
        %dma_wait3A_208 = arith.constant 0 : i32
        %dma_wait3A_209 = tpu.memref_slice %arg6[%scan3A_99, %dma_wait3A_207, %dma_wait3A_208] : memref<2x125x80xi32, #tpu.memory_space<vmem>> -> memref<1x125x80xi32, #tpu.memory_space<vmem>>
        %dma_wait3A_210 = tpu.memref_squeeze %dma_wait3A_209 : memref<1x125x80xi32, #tpu.memory_space<vmem>> -> memref<125x80xi32, #tpu.memory_space<vmem>>
        %dma_wait3A_211 = arith.constant 0 : i32
        %dma_wait3A_212 = tpu.memref_slice %dma_wait3A_210[%sub3A_206, %dma_wait3A_211] : memref<125x80xi32, #tpu.memory_space<vmem>> -> memref<1x80xi32, #tpu.memory_space<vmem>>
        %dma_wait3A_213 = tpu.memref_squeeze %dma_wait3A_212 : memref<1x80xi32, #tpu.memory_space<vmem>> -> memref<80xi32, #tpu.memory_space<vmem>>
        %dma_wait3A_214 = arith.constant 0 : i32
        %dma_wait3A_215 = arith.constant 0 : i32
        %dma_wait3A_216 = tpu.memref_slice %arg10[%dma_wait3A_214, %dma_wait3A_215] : memref<10000x64xf32, #tpu.memory_space<vmem_shared>> -> memref<10000x64xf32, #tpu.memory_space<vmem_shared>>
        tpu.wait_indirect_dma semaphore(%arg16 : memref<!tpu.dma_semaphore, #tpu.memory_space<semaphore_mem>>) src(%arg7 : memref<80x64xf32, #tpu.memory_space<vmem>>) dst(%dma_wait3A_216 : memref<10000x64xf32, #tpu.memory_space<vmem_shared>>)
      } else {
      }
      %add3A_194 = arith.constant 1 : i32
      %add3A_195 = arith.addi %add3A_185, %add3A_194 : i32
      %lt3A_196 = arith.constant 125 : i32
      %lt3A_197 = arith.cmpi slt, %add3A_195, %lt3A_196 : i32
      %convert_element_type3A_198 = arith.extui %lt3A_197 : i1 to i32
      %cond3A_199 = arith.constant 0 : i32
      %cond3A_200 = arith.cmpi ne, %convert_element_type3A_198, %cond3A_199 : i32
      scf.if %cond3A_200 {
        %add3A_206 = arith.constant 1 : i32
        %add3A_207 = arith.addi %add3A_185, %add3A_206 : i32
        %dma_start3A_208 = arith.constant 0 : i32
        %dma_start3A_209 = arith.constant 0 : i32
        %dma_start3A_210 = tpu.memref_slice %arg6[%scan3A_100, %dma_start3A_208, %dma_start3A_209] : memref<2x125x80xi32, #tpu.memory_space<vmem>> -> memref<1x125x80xi32, #tpu.memory_space<vmem>>
        %dma_start3A_211 = tpu.memref_squeeze %dma_start3A_210 : memref<1x125x80xi32, #tpu.memory_space<vmem>> -> memref<125x80xi32, #tpu.memory_space<vmem>>
        %dma_start3A_212 = arith.constant 0 : i32
        %dma_start3A_213 = tpu.memref_slice %dma_start3A_211[%add3A_207, %dma_start3A_212] : memref<125x80xi32, #tpu.memory_space<vmem>> -> memref<1x80xi32, #tpu.memory_space<vmem>>
        %dma_start3A_214 = tpu.memref_squeeze %dma_start3A_213 : memref<1x80xi32, #tpu.memory_space<vmem>> -> memref<80xi32, #tpu.memory_space<vmem>>
        %dma_start3A_215 = arith.constant 0 : i32
        %dma_start3A_216 = arith.constant 0 : i32
        %dma_start3A_217 = tpu.memref_slice %arg3[%dma_start3A_215, %dma_start3A_216] : memref<10240x64xf32, #tpu.memory_space<hbm>> -> memref<10240x64xf32, #tpu.memory_space<hbm>>
        tpu.enqueue_indirect_dma source(%dma_start3A_217 : memref<10240x64xf32, #tpu.memory_space<hbm>>) target(%arg7 : memref<80x64xf32, #tpu.memory_space<vmem>>) offsets(%dma_start3A_214 : memref<80xi32, #tpu.memory_space<vmem>>) semaphore(%arg13 : memref<!tpu.dma_semaphore, #tpu.memory_space<semaphore_mem>>)
      } else {
      }
      %lt3A_201 = arith.constant 125 : i32
      %lt3A_202 = arith.cmpi slt, %add3A_185, %lt3A_201 : i32
      %convert_element_type3A_203 = arith.extui %lt3A_202 : i1 to i32
      %cond3A_204 = arith.constant 0 : i32
      %cond3A_205 = arith.cmpi ne, %convert_element_type3A_203, %cond3A_204 : i32
      scf.if %cond3A_205 {
        %dma_wait3A_206 = arith.constant 0 : i32
        %dma_wait3A_207 = arith.constant 0 : i32
        %dma_wait3A_208 = tpu.memref_slice %arg6[%scan3A_100, %dma_wait3A_206, %dma_wait3A_207] : memref<2x125x80xi32, #tpu.memory_space<vmem>> -> memref<1x125x80xi32, #tpu.memory_space<vmem>>
        %dma_wait3A_209 = tpu.memref_squeeze %dma_wait3A_208 : memref<1x125x80xi32, #tpu.memory_space<vmem>> -> memref<125x80xi32, #tpu.memory_space<vmem>>
        %dma_wait3A_210 = arith.constant 0 : i32
        %dma_wait3A_211 = tpu.memref_slice %dma_wait3A_209[%add3A_185, %dma_wait3A_210] : memref<125x80xi32, #tpu.memory_space<vmem>> -> memref<1x80xi32, #tpu.memory_space<vmem>>
        %dma_wait3A_212 = tpu.memref_squeeze %dma_wait3A_211 : memref<1x80xi32, #tpu.memory_space<vmem>> -> memref<80xi32, #tpu.memory_space<vmem>>
        %dma_wait3A_213 = arith.constant 0 : i32
        %dma_wait3A_214 = arith.constant 0 : i32
        %dma_wait3A_215 = tpu.memref_slice %arg3[%dma_wait3A_213, %dma_wait3A_214] : memref<10240x64xf32, #tpu.memory_space<hbm>> -> memref<10240x64xf32, #tpu.memory_space<hbm>>
        tpu.wait_indirect_dma semaphore(%arg15 : memref<!tpu.dma_semaphore, #tpu.memory_space<semaphore_mem>>) src(%dma_wait3A_215 : memref<10240x64xf32, #tpu.memory_space<hbm>>) dst(%arg9 : memref<80x64xf32, #tpu.memory_space<vmem>>)
        %dma_start3A_216 = arith.constant 0 : i32
        %dma_start3A_217 = arith.constant 0 : i32
        %dma_start3A_218 = tpu.memref_slice %arg6[%scan3A_99, %dma_start3A_216, %dma_start3A_217] : memref<2x125x80xi32, #tpu.memory_space<vmem>> -> memref<1x125x80xi32, #tpu.memory_space<vmem>>
        %dma_start3A_219 = tpu.memref_squeeze %dma_start3A_218 : memref<1x125x80xi32, #tpu.memory_space<vmem>> -> memref<125x80xi32, #tpu.memory_space<vmem>>
        %dma_start3A_220 = arith.constant 0 : i32
        %dma_start3A_221 = tpu.memref_slice %dma_start3A_219[%add3A_185, %dma_start3A_220] : memref<125x80xi32, #tpu.memory_space<vmem>> -> memref<1x80xi32, #tpu.memory_space<vmem>>
        %dma_start3A_222 = tpu.memref_squeeze %dma_start3A_221 : memref<1x80xi32, #tpu.memory_space<vmem>> -> memref<80xi32, #tpu.memory_space<vmem>>
        %dma_start3A_223 = arith.constant 0 : i32
        %dma_start3A_224 = arith.constant 0 : i32
        %dma_start3A_225 = tpu.memref_slice %arg10[%dma_start3A_223, %dma_start3A_224] : memref<10000x64xf32, #tpu.memory_space<vmem_shared>> -> memref<10000x64xf32, #tpu.memory_space<vmem_shared>>
        tpu.enqueue_indirect_dma source(%arg9 : memref<80x64xf32, #tpu.memory_space<vmem>>) target(%dma_start3A_225 : memref<10000x64xf32, #tpu.memory_space<vmem_shared>>) offsets(%dma_start3A_222 : memref<80xi32, #tpu.memory_space<vmem>>) semaphore(%arg18 : memref<!tpu.dma_semaphore, #tpu.memory_space<semaphore_mem>>) {add = true}
      } else {
      }
    }
    %scan3A_105 = arith.constant 42 : i32
    %dma_wait3A_106 = arith.constant 1 : i32
    %dma_wait3A_107 = arith.constant 123 : i32
    %dma_wait3A_108 = arith.constant 0 : i32
    %dma_wait3A_109 = arith.constant 0 : i32
    %dma_wait3A_110 = tpu.memref_slice %arg6[%dma_wait3A_106, %dma_wait3A_108, %dma_wait3A_109] : memref<2x125x80xi32, #tpu.memory_space<vmem>> -> memref<1x125x80xi32, #tpu.memory_space<vmem>>
    %dma_wait3A_111 = tpu.memref_squeeze %dma_wait3A_110 : memref<1x125x80xi32, #tpu.memory_space<vmem>> -> memref<125x80xi32, #tpu.memory_space<vmem>>
    %dma_wait3A_112 = arith.constant 0 : i32
    %dma_wait3A_113 = tpu.memref_slice %dma_wait3A_111[%dma_wait3A_107, %dma_wait3A_112] : memref<125x80xi32, #tpu.memory_space<vmem>> -> memref<1x80xi32, #tpu.memory_space<vmem>>
    %dma_wait3A_114 = tpu.memref_squeeze %dma_wait3A_113 : memref<1x80xi32, #tpu.memory_space<vmem>> -> memref<80xi32, #tpu.memory_space<vmem>>
    %dma_wait3A_115 = arith.constant 0 : i32
    %dma_wait3A_116 = arith.constant 0 : i32
    %dma_wait3A_117 = tpu.memref_slice %arg10[%dma_wait3A_115, %dma_wait3A_116] : memref<10000x64xf32, #tpu.memory_space<vmem_shared>> -> memref<10000x64xf32, #tpu.memory_space<vmem_shared>>
    tpu.wait_indirect_dma semaphore(%arg16 : memref<!tpu.dma_semaphore, #tpu.memory_space<semaphore_mem>>) src(%arg7 : memref<80x64xf32, #tpu.memory_space<vmem>>) dst(%dma_wait3A_117 : memref<10000x64xf32, #tpu.memory_space<vmem_shared>>)
    %dma_wait3A_118 = arith.constant 1 : i32
    %dma_wait3A_119 = arith.constant 124 : i32
    %dma_wait3A_120 = arith.constant 0 : i32
    %dma_wait3A_121 = arith.constant 0 : i32
    %dma_wait3A_122 = tpu.memref_slice %arg6[%dma_wait3A_118, %dma_wait3A_120, %dma_wait3A_121] : memref<2x125x80xi32, #tpu.memory_space<vmem>> -> memref<1x125x80xi32, #tpu.memory_space<vmem>>
    %dma_wait3A_123 = tpu.memref_squeeze %dma_wait3A_122 : memref<1x125x80xi32, #tpu.memory_space<vmem>> -> memref<125x80xi32, #tpu.memory_space<vmem>>
    %dma_wait3A_124 = arith.constant 0 : i32
    %dma_wait3A_125 = tpu.memref_slice %dma_wait3A_123[%dma_wait3A_119, %dma_wait3A_124] : memref<125x80xi32, #tpu.memory_space<vmem>> -> memref<1x80xi32, #tpu.memory_space<vmem>>
    %dma_wait3A_126 = tpu.memref_squeeze %dma_wait3A_125 : memref<1x80xi32, #tpu.memory_space<vmem>> -> memref<80xi32, #tpu.memory_space<vmem>>
    %dma_wait3A_127 = arith.constant 0 : i32
    %dma_wait3A_128 = arith.constant 0 : i32
    %dma_wait3A_129 = tpu.memref_slice %arg10[%dma_wait3A_127, %dma_wait3A_128] : memref<10000x64xf32, #tpu.memory_space<vmem_shared>> -> memref<10000x64xf32, #tpu.memory_space<vmem_shared>>
    tpu.wait_indirect_dma semaphore(%arg17 : memref<!tpu.dma_semaphore, #tpu.memory_space<semaphore_mem>>) src(%arg8 : memref<80x64xf32, #tpu.memory_space<vmem>>) dst(%dma_wait3A_129 : memref<10000x64xf32, #tpu.memory_space<vmem_shared>>)
    %barrier3A_130 = arith.constant 0 : index
    tpu.barrier barrier_id(%barrier3A_130)
    %mul3A_131 = arith.constant 625 : i32
    %mul3A_132 = arith.muli %arg1, %mul3A_131 : i32
    %mul3A_133 = arith.constant 10240 : i32
    %mul3A_134 = arith.muli %arg0, %mul3A_133 : i32
    %mul3A_135 = arith.constant 625 : i32
    %mul3A_136 = arith.muli %arg1, %mul3A_135 : i32
    %add3A_137 = arith.addi %mul3A_134, %mul3A_136 : i32
    "tpu.region"() ({
      %run_scoped3A = tpu.sem_alloc : memref<!tpu.dma_semaphore, #tpu.memory_space<semaphore_mem>>
      %dma_start3A_138 = arith.constant 0 : i32
      %dma_start3A_139 = tpu.memref_slice %arg5[%add3A_137, %dma_start3A_138] : memref<20480x64xf32, #tpu.memory_space<hbm>> -> memref<625x64xf32, #tpu.memory_space<hbm>>
      %dma_start3A_140 = arith.constant 0 : i32
      %dma_start3A_141 = tpu.memref_slice %arg10[%mul3A_132, %dma_start3A_140] : memref<10000x64xf32, #tpu.memory_space<vmem_shared>> -> memref<625x64xf32, #tpu.memory_space<vmem_shared>>
      tpu.enqueue_dma source(%dma_start3A_141 : memref<625x64xf32, #tpu.memory_space<vmem_shared>>) target(%dma_start3A_139 : memref<625x64xf32, #tpu.memory_space<hbm>>) target_semaphore(%run_scoped3A : memref<!tpu.dma_semaphore, #tpu.memory_space<semaphore_mem>>)
      %dma_wait3A_142 = arith.constant 0 : i32
      %dma_wait3A_143 = tpu.memref_slice %arg5[%add3A_137, %dma_wait3A_142] : memref<20480x64xf32, #tpu.memory_space<hbm>> -> memref<625x64xf32, #tpu.memory_space<hbm>>
      %dma_wait3A_144 = arith.constant 0 : i32
      %dma_wait3A_145 = tpu.memref_slice %arg10[%mul3A_132, %dma_wait3A_144] : memref<10000x64xf32, #tpu.memory_space<vmem_shared>> -> memref<625x64xf32, #tpu.memory_space<vmem_shared>>
      tpu.wait_dma2 semaphore(%run_scoped3A : memref<!tpu.dma_semaphore, #tpu.memory_space<semaphore_mem>>) src(%dma_wait3A_145 : memref<625x64xf32, #tpu.memory_space<vmem_shared>>) dst(%dma_wait3A_143 : memref<625x64xf32, #tpu.memory_space<hbm>>)
      tpu.yield
    }) : () -> ()
    return
  }
}

#map = affine_map<(d0, d1) -> (0, 0, 0, 0)>
#map1 = affine_map<(d0, d1) -> (0)>
module attributes {stable_mosaic.version = 14 : i64} {
  func.func @_sc_degree(%arg0: i32, %arg1: i32, %arg2: memref<2x32x125x80xi32, #tpu.memory_space<hbm>>, %arg3: memref<80xf32, #tpu.memory_space<hbm>>, %arg4: memref<1000xf32, #tpu.memory_space<hbm>>, %arg5: memref<40960xf32, #tpu.memory_space<hbm>>, %arg6: memref<2x125x80xi32, #tpu.memory_space<vmem>>, %arg7: memref<80xf32, #tpu.memory_space<vmem>>, %arg8: memref<10000xf32, #tpu.memory_space<vmem_shared>>, %arg9: memref<10000xf32, #tpu.memory_space<vmem_shared>>, %arg10: memref<!tpu.dma_semaphore, #tpu.memory_space<semaphore_mem>>, %arg11: memref<!tpu.dma_semaphore, #tpu.memory_space<semaphore_mem>>, %arg12: memref<!tpu.dma_semaphore, #tpu.memory_space<semaphore_mem>>, %arg13: memref<!tpu.dma_semaphore, #tpu.memory_space<semaphore_mem>>) attributes {dimension_semantics = [#tpu.dimension_semantics<core_parallel>, #tpu.dimension_semantics<subcore_parallel>], iteration_bounds = array<i64: 2, 16>, scalar_prefetch = 0 : i64, scratch_operands = 8 : i64, tpu.core_type = #tpu.core_type<sc_vector_subcore>, window_params = [{transform_indices = #map}, {transform_indices = #map1}, {transform_indices = #map1}, {transform_indices = #map1}]} {
    %mul3A = arith.constant 16 : i32
    %mul3A_0 = arith.muli %arg0, %mul3A : i32
    %add3A = arith.addi %mul3A_0, %arg1 : i32
    "tpu.region"() ({
      %run_scoped3A_71 = tpu.sem_alloc : memref<!tpu.dma_semaphore, #tpu.memory_space<semaphore_mem>>
      tpu.enqueue_dma source(%arg3 : memref<80xf32, #tpu.memory_space<hbm>>) target(%arg7 : memref<80xf32, #tpu.memory_space<vmem>>) target_semaphore(%run_scoped3A_71 : memref<!tpu.dma_semaphore, #tpu.memory_space<semaphore_mem>>)
      tpu.wait_dma2 semaphore(%run_scoped3A_71 : memref<!tpu.dma_semaphore, #tpu.memory_space<semaphore_mem>>) src(%arg3 : memref<80xf32, #tpu.memory_space<hbm>>) dst(%arg7 : memref<80xf32, #tpu.memory_space<vmem>>)
      tpu.yield
    }) : () -> ()
    %lt3A = arith.constant 10 : i32
    %lt3A_1 = arith.cmpi slt, %arg1, %lt3A : i32
    %convert_element_type3A = arith.extui %lt3A_1 : i1 to i32
    %cond3A = arith.constant 0 : i32
    %cond3A_2 = arith.cmpi ne, %convert_element_type3A, %cond3A : i32
    scf.if %cond3A_2 {
      %mul3A_71 = arith.constant 1000 : i32
      %mul3A_72 = arith.muli %arg1, %mul3A_71 : i32
      "tpu.region"() ({
        %run_scoped3A_75 = tpu.sem_alloc : memref<!tpu.dma_semaphore, #tpu.memory_space<semaphore_mem>>
        %dma_start3A_76 = tpu.memref_slice %arg8[%mul3A_72] : memref<10000xf32, #tpu.memory_space<vmem_shared>> -> memref<1000xf32, #tpu.memory_space<vmem_shared>>
        tpu.enqueue_dma source(%arg4 : memref<1000xf32, #tpu.memory_space<hbm>>) target(%dma_start3A_76 : memref<1000xf32, #tpu.memory_space<vmem_shared>>) target_semaphore(%run_scoped3A_75 : memref<!tpu.dma_semaphore, #tpu.memory_space<semaphore_mem>>)
        %dma_wait3A_77 = tpu.memref_slice %arg8[%mul3A_72] : memref<10000xf32, #tpu.memory_space<vmem_shared>> -> memref<1000xf32, #tpu.memory_space<vmem_shared>>
        tpu.wait_dma2 semaphore(%run_scoped3A_75 : memref<!tpu.dma_semaphore, #tpu.memory_space<semaphore_mem>>) src(%arg4 : memref<1000xf32, #tpu.memory_space<hbm>>) dst(%dma_wait3A_77 : memref<1000xf32, #tpu.memory_space<vmem_shared>>)
        tpu.yield
      }) : () -> ()
      %mul3A_73 = arith.constant 1000 : i32
      %mul3A_74 = arith.muli %arg1, %mul3A_73 : i32
      "tpu.region"() ({
        %run_scoped3A_75 = tpu.sem_alloc : memref<!tpu.dma_semaphore, #tpu.memory_space<semaphore_mem>>
        %dma_start3A_76 = tpu.memref_slice %arg9[%mul3A_74] : memref<10000xf32, #tpu.memory_space<vmem_shared>> -> memref<1000xf32, #tpu.memory_space<vmem_shared>>
        tpu.enqueue_dma source(%arg4 : memref<1000xf32, #tpu.memory_space<hbm>>) target(%dma_start3A_76 : memref<1000xf32, #tpu.memory_space<vmem_shared>>) target_semaphore(%run_scoped3A_75 : memref<!tpu.dma_semaphore, #tpu.memory_space<semaphore_mem>>)
        %dma_wait3A_77 = tpu.memref_slice %arg9[%mul3A_74] : memref<10000xf32, #tpu.memory_space<vmem_shared>> -> memref<1000xf32, #tpu.memory_space<vmem_shared>>
        tpu.wait_dma2 semaphore(%run_scoped3A_75 : memref<!tpu.dma_semaphore, #tpu.memory_space<semaphore_mem>>) src(%arg4 : memref<1000xf32, #tpu.memory_space<hbm>>) dst(%dma_wait3A_77 : memref<1000xf32, #tpu.memory_space<vmem_shared>>)
        tpu.yield
      }) : () -> ()
    } else {
    }
    %run_scoped3A = arith.constant 0 : i32
    %run_scoped3A_3 = arith.constant 0 : i32
    "tpu.region"() ({
      %run_scoped3A_71 = tpu.sem_alloc : memref<!tpu.dma_semaphore, #tpu.memory_space<semaphore_mem>>
      %dma_start3A_72 = arith.constant 0 : i32
      %dma_start3A_73 = arith.constant 0 : i32
      %dma_start3A_74 = tpu.memref_slice %arg6[%run_scoped3A_3, %dma_start3A_72, %dma_start3A_73] : memref<2x125x80xi32, #tpu.memory_space<vmem>> -> memref<1x125x80xi32, #tpu.memory_space<vmem>>
      %dma_start3A_75 = tpu.memref_squeeze %dma_start3A_74 : memref<1x125x80xi32, #tpu.memory_space<vmem>> -> memref<125x80xi32, #tpu.memory_space<vmem>>
      %dma_start3A_76 = arith.constant 0 : i32
      %dma_start3A_77 = arith.constant 0 : i32
      %dma_start3A_78 = tpu.memref_slice %arg2[%run_scoped3A, %add3A, %dma_start3A_76, %dma_start3A_77] : memref<2x32x125x80xi32, #tpu.memory_space<hbm>> -> memref<1x1x125x80xi32, #tpu.memory_space<hbm>>
      %dma_start3A_79 = tpu.memref_squeeze %dma_start3A_78 : memref<1x1x125x80xi32, #tpu.memory_space<hbm>> -> memref<125x80xi32, #tpu.memory_space<hbm>>
      %dma_start3A_80 = arith.constant 0 : i32
      %dma_start3A_81 = arith.constant 0 : i32
      %dma_start3A_82 = tpu.memref_slice %arg6[%run_scoped3A_3, %dma_start3A_80, %dma_start3A_81] : memref<2x125x80xi32, #tpu.memory_space<vmem>> -> memref<1x125x80xi32, #tpu.memory_space<vmem>>
      %dma_start3A_83 = tpu.memref_squeeze %dma_start3A_82 : memref<1x125x80xi32, #tpu.memory_space<vmem>> -> memref<125x80xi32, #tpu.memory_space<vmem>>
      %dma_start3A_84 = arith.constant 0 : i32
      %dma_start3A_85 = arith.constant 0 : i32
      %dma_start3A_86 = tpu.memref_slice %arg2[%run_scoped3A, %add3A, %dma_start3A_84, %dma_start3A_85] : memref<2x32x125x80xi32, #tpu.memory_space<hbm>> -> memref<1x1x125x80xi32, #tpu.memory_space<hbm>>
      %dma_start3A_87 = tpu.memref_squeeze %dma_start3A_86 : memref<1x1x125x80xi32, #tpu.memory_space<hbm>> -> memref<125x80xi32, #tpu.memory_space<hbm>>
      tpu.enqueue_dma source(%dma_start3A_87 : memref<125x80xi32, #tpu.memory_space<hbm>>) target(%dma_start3A_83 : memref<125x80xi32, #tpu.memory_space<vmem>>) target_semaphore(%run_scoped3A_71 : memref<!tpu.dma_semaphore, #tpu.memory_space<semaphore_mem>>)
      %dma_wait3A_88 = arith.constant 0 : i32
      %dma_wait3A_89 = arith.constant 0 : i32
      %dma_wait3A_90 = tpu.memref_slice %arg6[%run_scoped3A_3, %dma_wait3A_88, %dma_wait3A_89] : memref<2x125x80xi32, #tpu.memory_space<vmem>> -> memref<1x125x80xi32, #tpu.memory_space<vmem>>
      %dma_wait3A_91 = tpu.memref_squeeze %dma_wait3A_90 : memref<1x125x80xi32, #tpu.memory_space<vmem>> -> memref<125x80xi32, #tpu.memory_space<vmem>>
      %dma_wait3A_92 = arith.constant 0 : i32
      %dma_wait3A_93 = arith.constant 0 : i32
      %dma_wait3A_94 = tpu.memref_slice %arg2[%run_scoped3A, %add3A, %dma_wait3A_92, %dma_wait3A_93] : memref<2x32x125x80xi32, #tpu.memory_space<hbm>> -> memref<1x1x125x80xi32, #tpu.memory_space<hbm>>
      %dma_wait3A_95 = tpu.memref_squeeze %dma_wait3A_94 : memref<1x1x125x80xi32, #tpu.memory_space<hbm>> -> memref<125x80xi32, #tpu.memory_space<hbm>>
      %dma_wait3A_96 = arith.constant 0 : i32
      %dma_wait3A_97 = arith.constant 0 : i32
      %dma_wait3A_98 = tpu.memref_slice %arg6[%run_scoped3A_3, %dma_wait3A_96, %dma_wait3A_97] : memref<2x125x80xi32, #tpu.memory_space<vmem>> -> memref<1x125x80xi32, #tpu.memory_space<vmem>>
      %dma_wait3A_99 = tpu.memref_squeeze %dma_wait3A_98 : memref<1x125x80xi32, #tpu.memory_space<vmem>> -> memref<125x80xi32, #tpu.memory_space<vmem>>
      %dma_wait3A_100 = arith.constant 0 : i32
      %dma_wait3A_101 = arith.constant 0 : i32
      %dma_wait3A_102 = tpu.memref_slice %arg2[%run_scoped3A, %add3A, %dma_wait3A_100, %dma_wait3A_101] : memref<2x32x125x80xi32, #tpu.memory_space<hbm>> -> memref<1x1x125x80xi32, #tpu.memory_space<hbm>>
      %dma_wait3A_103 = tpu.memref_squeeze %dma_wait3A_102 : memref<1x1x125x80xi32, #tpu.memory_space<hbm>> -> memref<125x80xi32, #tpu.memory_space<hbm>>
      tpu.wait_dma2 semaphore(%run_scoped3A_71 : memref<!tpu.dma_semaphore, #tpu.memory_space<semaphore_mem>>) src(%dma_wait3A_103 : memref<125x80xi32, #tpu.memory_space<hbm>>) dst(%dma_wait3A_99 : memref<125x80xi32, #tpu.memory_space<vmem>>)
      tpu.yield
    }) : () -> ()
    %run_scoped3A_4 = arith.constant 1 : i32
    %run_scoped3A_5 = arith.constant 1 : i32
    "tpu.region"() ({
      %run_scoped3A_71 = tpu.sem_alloc : memref<!tpu.dma_semaphore, #tpu.memory_space<semaphore_mem>>
      %dma_start3A_72 = arith.constant 0 : i32
      %dma_start3A_73 = arith.constant 0 : i32
      %dma_start3A_74 = tpu.memref_slice %arg6[%run_scoped3A_5, %dma_start3A_72, %dma_start3A_73] : memref<2x125x80xi32, #tpu.memory_space<vmem>> -> memref<1x125x80xi32, #tpu.memory_space<vmem>>
      %dma_start3A_75 = tpu.memref_squeeze %dma_start3A_74 : memref<1x125x80xi32, #tpu.memory_space<vmem>> -> memref<125x80xi32, #tpu.memory_space<vmem>>
      %dma_start3A_76 = arith.constant 0 : i32
      %dma_start3A_77 = arith.constant 0 : i32
      %dma_start3A_78 = tpu.memref_slice %arg2[%run_scoped3A_4, %add3A, %dma_start3A_76, %dma_start3A_77] : memref<2x32x125x80xi32, #tpu.memory_space<hbm>> -> memref<1x1x125x80xi32, #tpu.memory_space<hbm>>
      %dma_start3A_79 = tpu.memref_squeeze %dma_start3A_78 : memref<1x1x125x80xi32, #tpu.memory_space<hbm>> -> memref<125x80xi32, #tpu.memory_space<hbm>>
      %dma_start3A_80 = arith.constant 0 : i32
      %dma_start3A_81 = arith.constant 0 : i32
      %dma_start3A_82 = tpu.memref_slice %arg6[%run_scoped3A_5, %dma_start3A_80, %dma_start3A_81] : memref<2x125x80xi32, #tpu.memory_space<vmem>> -> memref<1x125x80xi32, #tpu.memory_space<vmem>>
      %dma_start3A_83 = tpu.memref_squeeze %dma_start3A_82 : memref<1x125x80xi32, #tpu.memory_space<vmem>> -> memref<125x80xi32, #tpu.memory_space<vmem>>
      %dma_start3A_84 = arith.constant 0 : i32
      %dma_start3A_85 = arith.constant 0 : i32
      %dma_start3A_86 = tpu.memref_slice %arg2[%run_scoped3A_4, %add3A, %dma_start3A_84, %dma_start3A_85] : memref<2x32x125x80xi32, #tpu.memory_space<hbm>> -> memref<1x1x125x80xi32, #tpu.memory_space<hbm>>
      %dma_start3A_87 = tpu.memref_squeeze %dma_start3A_86 : memref<1x1x125x80xi32, #tpu.memory_space<hbm>> -> memref<125x80xi32, #tpu.memory_space<hbm>>
      tpu.enqueue_dma source(%dma_start3A_87 : memref<125x80xi32, #tpu.memory_space<hbm>>) target(%dma_start3A_83 : memref<125x80xi32, #tpu.memory_space<vmem>>) target_semaphore(%run_scoped3A_71 : memref<!tpu.dma_semaphore, #tpu.memory_space<semaphore_mem>>)
      %dma_wait3A_88 = arith.constant 0 : i32
      %dma_wait3A_89 = arith.constant 0 : i32
      %dma_wait3A_90 = tpu.memref_slice %arg6[%run_scoped3A_5, %dma_wait3A_88, %dma_wait3A_89] : memref<2x125x80xi32, #tpu.memory_space<vmem>> -> memref<1x125x80xi32, #tpu.memory_space<vmem>>
      %dma_wait3A_91 = tpu.memref_squeeze %dma_wait3A_90 : memref<1x125x80xi32, #tpu.memory_space<vmem>> -> memref<125x80xi32, #tpu.memory_space<vmem>>
      %dma_wait3A_92 = arith.constant 0 : i32
      %dma_wait3A_93 = arith.constant 0 : i32
      %dma_wait3A_94 = tpu.memref_slice %arg2[%run_scoped3A_4, %add3A, %dma_wait3A_92, %dma_wait3A_93] : memref<2x32x125x80xi32, #tpu.memory_space<hbm>> -> memref<1x1x125x80xi32, #tpu.memory_space<hbm>>
      %dma_wait3A_95 = tpu.memref_squeeze %dma_wait3A_94 : memref<1x1x125x80xi32, #tpu.memory_space<hbm>> -> memref<125x80xi32, #tpu.memory_space<hbm>>
      %dma_wait3A_96 = arith.constant 0 : i32
      %dma_wait3A_97 = arith.constant 0 : i32
      %dma_wait3A_98 = tpu.memref_slice %arg6[%run_scoped3A_5, %dma_wait3A_96, %dma_wait3A_97] : memref<2x125x80xi32, #tpu.memory_space<vmem>> -> memref<1x125x80xi32, #tpu.memory_space<vmem>>
      %dma_wait3A_99 = tpu.memref_squeeze %dma_wait3A_98 : memref<1x125x80xi32, #tpu.memory_space<vmem>> -> memref<125x80xi32, #tpu.memory_space<vmem>>
      %dma_wait3A_100 = arith.constant 0 : i32
      %dma_wait3A_101 = arith.constant 0 : i32
      %dma_wait3A_102 = tpu.memref_slice %arg2[%run_scoped3A_4, %add3A, %dma_wait3A_100, %dma_wait3A_101] : memref<2x32x125x80xi32, #tpu.memory_space<hbm>> -> memref<1x1x125x80xi32, #tpu.memory_space<hbm>>
      %dma_wait3A_103 = tpu.memref_squeeze %dma_wait3A_102 : memref<1x1x125x80xi32, #tpu.memory_space<hbm>> -> memref<125x80xi32, #tpu.memory_space<hbm>>
      tpu.wait_dma2 semaphore(%run_scoped3A_71 : memref<!tpu.dma_semaphore, #tpu.memory_space<semaphore_mem>>) src(%dma_wait3A_103 : memref<125x80xi32, #tpu.memory_space<hbm>>) dst(%dma_wait3A_99 : memref<125x80xi32, #tpu.memory_space<vmem>>)
      tpu.yield
    }) : () -> ()
    %barrier3A = arith.constant 0 : index
    tpu.barrier barrier_id(%barrier3A)
    %dma_start3A = arith.constant 0 : i32
    %dma_start3A_6 = arith.constant 0 : i32
    %dma_start3A_7 = arith.constant 0 : i32
    %dma_start3A_8 = tpu.memref_slice %arg6[%dma_start3A, %dma_start3A_6, %dma_start3A_7] : memref<2x125x80xi32, #tpu.memory_space<vmem>> -> memref<1x1x80xi32, #tpu.memory_space<vmem>>
    %dma_start3A_9 = tpu.memref_squeeze %dma_start3A_8 : memref<1x1x80xi32, #tpu.memory_space<vmem>> -> memref<80xi32, #tpu.memory_space<vmem>>
    %dma_start3A_10 = arith.constant 0 : i32
    %dma_start3A_11 = tpu.memref_slice %arg8[%dma_start3A_10] : memref<10000xf32, #tpu.memory_space<vmem_shared>> -> memref<10000xf32, #tpu.memory_space<vmem_shared>>
    tpu.enqueue_indirect_dma source(%arg7 : memref<80xf32, #tpu.memory_space<vmem>>) target(%dma_start3A_11 : memref<10000xf32, #tpu.memory_space<vmem_shared>>) offsets(%dma_start3A_9 : memref<80xi32, #tpu.memory_space<vmem>>) semaphore(%arg10 : memref<!tpu.dma_semaphore, #tpu.memory_space<semaphore_mem>>) {add = true}
    %dma_start3A_12 = arith.constant 1 : i32
    %dma_start3A_13 = arith.constant 0 : i32
    %dma_start3A_14 = arith.constant 0 : i32
    %dma_start3A_15 = tpu.memref_slice %arg6[%dma_start3A_12, %dma_start3A_13, %dma_start3A_14] : memref<2x125x80xi32, #tpu.memory_space<vmem>> -> memref<1x1x80xi32, #tpu.memory_space<vmem>>
    %dma_start3A_16 = tpu.memref_squeeze %dma_start3A_15 : memref<1x1x80xi32, #tpu.memory_space<vmem>> -> memref<80xi32, #tpu.memory_space<vmem>>
    %dma_start3A_17 = arith.constant 0 : i32
    %dma_start3A_18 = tpu.memref_slice %arg9[%dma_start3A_17] : memref<10000xf32, #tpu.memory_space<vmem_shared>> -> memref<10000xf32, #tpu.memory_space<vmem_shared>>
    tpu.enqueue_indirect_dma source(%arg7 : memref<80xf32, #tpu.memory_space<vmem>>) target(%dma_start3A_18 : memref<10000xf32, #tpu.memory_space<vmem_shared>>) offsets(%dma_start3A_16 : memref<80xi32, #tpu.memory_space<vmem>>) semaphore(%arg11 : memref<!tpu.dma_semaphore, #tpu.memory_space<semaphore_mem>>) {add = true}
    %dma_start3A_19 = arith.constant 0 : i32
    %dma_start3A_20 = arith.constant 1 : i32
    %dma_start3A_21 = arith.constant 0 : i32
    %dma_start3A_22 = tpu.memref_slice %arg6[%dma_start3A_19, %dma_start3A_20, %dma_start3A_21] : memref<2x125x80xi32, #tpu.memory_space<vmem>> -> memref<1x1x80xi32, #tpu.memory_space<vmem>>
    %dma_start3A_23 = tpu.memref_squeeze %dma_start3A_22 : memref<1x1x80xi32, #tpu.memory_space<vmem>> -> memref<80xi32, #tpu.memory_space<vmem>>
    %dma_start3A_24 = arith.constant 0 : i32
    %dma_start3A_25 = tpu.memref_slice %arg8[%dma_start3A_24] : memref<10000xf32, #tpu.memory_space<vmem_shared>> -> memref<10000xf32, #tpu.memory_space<vmem_shared>>
    tpu.enqueue_indirect_dma source(%arg7 : memref<80xf32, #tpu.memory_space<vmem>>) target(%dma_start3A_25 : memref<10000xf32, #tpu.memory_space<vmem_shared>>) offsets(%dma_start3A_23 : memref<80xi32, #tpu.memory_space<vmem>>) semaphore(%arg12 : memref<!tpu.dma_semaphore, #tpu.memory_space<semaphore_mem>>) {add = true}
    %dma_start3A_26 = arith.constant 1 : i32
    %dma_start3A_27 = arith.constant 1 : i32
    %dma_start3A_28 = arith.constant 0 : i32
    %dma_start3A_29 = tpu.memref_slice %arg6[%dma_start3A_26, %dma_start3A_27, %dma_start3A_28] : memref<2x125x80xi32, #tpu.memory_space<vmem>> -> memref<1x1x80xi32, #tpu.memory_space<vmem>>
    %dma_start3A_30 = tpu.memref_squeeze %dma_start3A_29 : memref<1x1x80xi32, #tpu.memory_space<vmem>> -> memref<80xi32, #tpu.memory_space<vmem>>
    %dma_start3A_31 = arith.constant 0 : i32
    %dma_start3A_32 = tpu.memref_slice %arg9[%dma_start3A_31] : memref<10000xf32, #tpu.memory_space<vmem_shared>> -> memref<10000xf32, #tpu.memory_space<vmem_shared>>
    tpu.enqueue_indirect_dma source(%arg7 : memref<80xf32, #tpu.memory_space<vmem>>) target(%dma_start3A_32 : memref<10000xf32, #tpu.memory_space<vmem_shared>>) offsets(%dma_start3A_30 : memref<80xi32, #tpu.memory_space<vmem>>) semaphore(%arg13 : memref<!tpu.dma_semaphore, #tpu.memory_space<semaphore_mem>>) {add = true}
    %scan3A = arith.constant 0 : i32
    %scan3A_33 = arith.constant 0 : i32
    %scan3A_34 = arith.constant 63 : i32
    %scan3A_35 = arith.addi %scan3A_33, %scan3A_34 : i32
    %scan3A_36 = arith.constant 1 : i32
    scf.for %scan3A_71 = %scan3A_33 to %scan3A_35 step %scan3A_36  : i32 {
      %mul3A_72 = arith.constant 2 : i32
      %mul3A_73 = arith.muli %mul3A_72, %scan3A_71 : i32
      %add3A_74 = arith.constant 0 : i32
      %add3A_75 = arith.addi %mul3A_73, %add3A_74 : i32
      %add3A_76 = arith.constant 2 : i32
      %add3A_77 = arith.addi %add3A_75, %add3A_76 : i32
      %lt3A_78 = arith.constant 125 : i32
      %lt3A_79 = arith.cmpi slt, %add3A_77, %lt3A_78 : i32
      %convert_element_type3A_80 = arith.extui %lt3A_79 : i1 to i32
      %cond3A_81 = arith.constant 0 : i32
      %cond3A_82 = arith.cmpi ne, %convert_element_type3A_80, %cond3A_81 : i32
      scf.if %cond3A_82 {
        %dma_wait3A_94 = arith.constant 0 : i32
        %dma_wait3A_95 = arith.constant 0 : i32
        %dma_wait3A_96 = tpu.memref_slice %arg6[%dma_wait3A_94, %add3A_75, %dma_wait3A_95] : memref<2x125x80xi32, #tpu.memory_space<vmem>> -> memref<1x1x80xi32, #tpu.memory_space<vmem>>
        %dma_wait3A_97 = tpu.memref_squeeze %dma_wait3A_96 : memref<1x1x80xi32, #tpu.memory_space<vmem>> -> memref<80xi32, #tpu.memory_space<vmem>>
        %dma_wait3A_98 = arith.constant 0 : i32
        %dma_wait3A_99 = tpu.memref_slice %arg8[%dma_wait3A_98] : memref<10000xf32, #tpu.memory_space<vmem_shared>> -> memref<10000xf32, #tpu.memory_space<vmem_shared>>
        tpu.wait_indirect_dma semaphore(%arg10 : memref<!tpu.dma_semaphore, #tpu.memory_space<semaphore_mem>>) src(%arg7 : memref<80xf32, #tpu.memory_space<vmem>>) dst(%dma_wait3A_99 : memref<10000xf32, #tpu.memory_space<vmem_shared>>)
        %add3A_100 = arith.constant 2 : i32
        %add3A_101 = arith.addi %add3A_75, %add3A_100 : i32
        %dma_start3A_102 = arith.constant 0 : i32
        %dma_start3A_103 = arith.constant 0 : i32
        %dma_start3A_104 = tpu.memref_slice %arg6[%dma_start3A_102, %add3A_101, %dma_start3A_103] : memref<2x125x80xi32, #tpu.memory_space<vmem>> -> memref<1x1x80xi32, #tpu.memory_space<vmem>>
        %dma_start3A_105 = tpu.memref_squeeze %dma_start3A_104 : memref<1x1x80xi32, #tpu.memory_space<vmem>> -> memref<80xi32, #tpu.memory_space<vmem>>
        %dma_start3A_106 = arith.constant 0 : i32
        %dma_start3A_107 = tpu.memref_slice %arg8[%dma_start3A_106] : memref<10000xf32, #tpu.memory_space<vmem_shared>> -> memref<10000xf32, #tpu.memory_space<vmem_shared>>
        tpu.enqueue_indirect_dma source(%arg7 : memref<80xf32, #tpu.memory_space<vmem>>) target(%dma_start3A_107 : memref<10000xf32, #tpu.memory_space<vmem_shared>>) offsets(%dma_start3A_105 : memref<80xi32, #tpu.memory_space<vmem>>) semaphore(%arg10 : memref<!tpu.dma_semaphore, #tpu.memory_space<semaphore_mem>>) {add = true}
        %dma_wait3A_108 = arith.constant 1 : i32
        %dma_wait3A_109 = arith.constant 0 : i32
        %dma_wait3A_110 = tpu.memref_slice %arg6[%dma_wait3A_108, %add3A_75, %dma_wait3A_109] : memref<2x125x80xi32, #tpu.memory_space<vmem>> -> memref<1x1x80xi32, #tpu.memory_space<vmem>>
        %dma_wait3A_111 = tpu.memref_squeeze %dma_wait3A_110 : memref<1x1x80xi32, #tpu.memory_space<vmem>> -> memref<80xi32, #tpu.memory_space<vmem>>
        %dma_wait3A_112 = arith.constant 0 : i32
        %dma_wait3A_113 = tpu.memref_slice %arg9[%dma_wait3A_112] : memref<10000xf32, #tpu.memory_space<vmem_shared>> -> memref<10000xf32, #tpu.memory_space<vmem_shared>>
        tpu.wait_indirect_dma semaphore(%arg11 : memref<!tpu.dma_semaphore, #tpu.memory_space<semaphore_mem>>) src(%arg7 : memref<80xf32, #tpu.memory_space<vmem>>) dst(%dma_wait3A_113 : memref<10000xf32, #tpu.memory_space<vmem_shared>>)
        %add3A_114 = arith.constant 2 : i32
        %add3A_115 = arith.addi %add3A_75, %add3A_114 : i32
        %dma_start3A_116 = arith.constant 1 : i32
        %dma_start3A_117 = arith.constant 0 : i32
        %dma_start3A_118 = tpu.memref_slice %arg6[%dma_start3A_116, %add3A_115, %dma_start3A_117] : memref<2x125x80xi32, #tpu.memory_space<vmem>> -> memref<1x1x80xi32, #tpu.memory_space<vmem>>
        %dma_start3A_119 = tpu.memref_squeeze %dma_start3A_118 : memref<1x1x80xi32, #tpu.memory_space<vmem>> -> memref<80xi32, #tpu.memory_space<vmem>>
        %dma_start3A_120 = arith.constant 0 : i32
        %dma_start3A_121 = tpu.memref_slice %arg9[%dma_start3A_120] : memref<10000xf32, #tpu.memory_space<vmem_shared>> -> memref<10000xf32, #tpu.memory_space<vmem_shared>>
        tpu.enqueue_indirect_dma source(%arg7 : memref<80xf32, #tpu.memory_space<vmem>>) target(%dma_start3A_121 : memref<10000xf32, #tpu.memory_space<vmem_shared>>) offsets(%dma_start3A_119 : memref<80xi32, #tpu.memory_space<vmem>>) semaphore(%arg11 : memref<!tpu.dma_semaphore, #tpu.memory_space<semaphore_mem>>) {add = true}
      } else {
      }
      %mul3A_83 = arith.constant 2 : i32
      %mul3A_84 = arith.muli %mul3A_83, %scan3A_71 : i32
      %add3A_85 = arith.constant 1 : i32
      %add3A_86 = arith.addi %mul3A_84, %add3A_85 : i32
      %add3A_87 = arith.constant 2 : i32
      %add3A_88 = arith.addi %add3A_86, %add3A_87 : i32
      %lt3A_89 = arith.constant 125 : i32
      %lt3A_90 = arith.cmpi slt, %add3A_88, %lt3A_89 : i32
      %convert_element_type3A_91 = arith.extui %lt3A_90 : i1 to i32
      %cond3A_92 = arith.constant 0 : i32
      %cond3A_93 = arith.cmpi ne, %convert_element_type3A_91, %cond3A_92 : i32
      scf.if %cond3A_93 {
        %dma_wait3A_94 = arith.constant 0 : i32
        %dma_wait3A_95 = arith.constant 0 : i32
        %dma_wait3A_96 = tpu.memref_slice %arg6[%dma_wait3A_94, %add3A_86, %dma_wait3A_95] : memref<2x125x80xi32, #tpu.memory_space<vmem>> -> memref<1x1x80xi32, #tpu.memory_space<vmem>>
        %dma_wait3A_97 = tpu.memref_squeeze %dma_wait3A_96 : memref<1x1x80xi32, #tpu.memory_space<vmem>> -> memref<80xi32, #tpu.memory_space<vmem>>
        %dma_wait3A_98 = arith.constant 0 : i32
        %dma_wait3A_99 = tpu.memref_slice %arg8[%dma_wait3A_98] : memref<10000xf32, #tpu.memory_space<vmem_shared>> -> memref<10000xf32, #tpu.memory_space<vmem_shared>>
        tpu.wait_indirect_dma semaphore(%arg12 : memref<!tpu.dma_semaphore, #tpu.memory_space<semaphore_mem>>) src(%arg7 : memref<80xf32, #tpu.memory_space<vmem>>) dst(%dma_wait3A_99 : memref<10000xf32, #tpu.memory_space<vmem_shared>>)
        %add3A_100 = arith.constant 2 : i32
        %add3A_101 = arith.addi %add3A_86, %add3A_100 : i32
        %dma_start3A_102 = arith.constant 0 : i32
        %dma_start3A_103 = arith.constant 0 : i32
        %dma_start3A_104 = tpu.memref_slice %arg6[%dma_start3A_102, %add3A_101, %dma_start3A_103] : memref<2x125x80xi32, #tpu.memory_space<vmem>> -> memref<1x1x80xi32, #tpu.memory_space<vmem>>
        %dma_start3A_105 = tpu.memref_squeeze %dma_start3A_104 : memref<1x1x80xi32, #tpu.memory_space<vmem>> -> memref<80xi32, #tpu.memory_space<vmem>>
        %dma_start3A_106 = arith.constant 0 : i32
        %dma_start3A_107 = tpu.memref_slice %arg8[%dma_start3A_106] : memref<10000xf32, #tpu.memory_space<vmem_shared>> -> memref<10000xf32, #tpu.memory_space<vmem_shared>>
        tpu.enqueue_indirect_dma source(%arg7 : memref<80xf32, #tpu.memory_space<vmem>>) target(%dma_start3A_107 : memref<10000xf32, #tpu.memory_space<vmem_shared>>) offsets(%dma_start3A_105 : memref<80xi32, #tpu.memory_space<vmem>>) semaphore(%arg12 : memref<!tpu.dma_semaphore, #tpu.memory_space<semaphore_mem>>) {add = true}
        %dma_wait3A_108 = arith.constant 1 : i32
        %dma_wait3A_109 = arith.constant 0 : i32
        %dma_wait3A_110 = tpu.memref_slice %arg6[%dma_wait3A_108, %add3A_86, %dma_wait3A_109] : memref<2x125x80xi32, #tpu.memory_space<vmem>> -> memref<1x1x80xi32, #tpu.memory_space<vmem>>
        %dma_wait3A_111 = tpu.memref_squeeze %dma_wait3A_110 : memref<1x1x80xi32, #tpu.memory_space<vmem>> -> memref<80xi32, #tpu.memory_space<vmem>>
        %dma_wait3A_112 = arith.constant 0 : i32
        %dma_wait3A_113 = tpu.memref_slice %arg9[%dma_wait3A_112] : memref<10000xf32, #tpu.memory_space<vmem_shared>> -> memref<10000xf32, #tpu.memory_space<vmem_shared>>
        tpu.wait_indirect_dma semaphore(%arg13 : memref<!tpu.dma_semaphore, #tpu.memory_space<semaphore_mem>>) src(%arg7 : memref<80xf32, #tpu.memory_space<vmem>>) dst(%dma_wait3A_113 : memref<10000xf32, #tpu.memory_space<vmem_shared>>)
        %add3A_114 = arith.constant 2 : i32
        %add3A_115 = arith.addi %add3A_86, %add3A_114 : i32
        %dma_start3A_116 = arith.constant 1 : i32
        %dma_start3A_117 = arith.constant 0 : i32
        %dma_start3A_118 = tpu.memref_slice %arg6[%dma_start3A_116, %add3A_115, %dma_start3A_117] : memref<2x125x80xi32, #tpu.memory_space<vmem>> -> memref<1x1x80xi32, #tpu.memory_space<vmem>>
        %dma_start3A_119 = tpu.memref_squeeze %dma_start3A_118 : memref<1x1x80xi32, #tpu.memory_space<vmem>> -> memref<80xi32, #tpu.memory_space<vmem>>
        %dma_start3A_120 = arith.constant 0 : i32
        %dma_start3A_121 = tpu.memref_slice %arg9[%dma_start3A_120] : memref<10000xf32, #tpu.memory_space<vmem_shared>> -> memref<10000xf32, #tpu.memory_space<vmem_shared>>
        tpu.enqueue_indirect_dma source(%arg7 : memref<80xf32, #tpu.memory_space<vmem>>) target(%dma_start3A_121 : memref<10000xf32, #tpu.memory_space<vmem_shared>>) offsets(%dma_start3A_119 : memref<80xi32, #tpu.memory_space<vmem>>) semaphore(%arg13 : memref<!tpu.dma_semaphore, #tpu.memory_space<semaphore_mem>>) {add = true}
      } else {
      }
    }
    %scan3A_37 = arith.constant 63 : i32
    %dma_wait3A = arith.constant 0 : i32
    %dma_wait3A_38 = arith.constant 123 : i32
    %dma_wait3A_39 = arith.constant 0 : i32
    %dma_wait3A_40 = tpu.memref_slice %arg6[%dma_wait3A, %dma_wait3A_38, %dma_wait3A_39] : memref<2x125x80xi32, #tpu.memory_space<vmem>> -> memref<1x1x80xi32, #tpu.memory_space<vmem>>
    %dma_wait3A_41 = tpu.memref_squeeze %dma_wait3A_40 : memref<1x1x80xi32, #tpu.memory_space<vmem>> -> memref<80xi32, #tpu.memory_space<vmem>>
    %dma_wait3A_42 = arith.constant 0 : i32
    %dma_wait3A_43 = tpu.memref_slice %arg8[%dma_wait3A_42] : memref<10000xf32, #tpu.memory_space<vmem_shared>> -> memref<10000xf32, #tpu.memory_space<vmem_shared>>
    tpu.wait_indirect_dma semaphore(%arg12 : memref<!tpu.dma_semaphore, #tpu.memory_space<semaphore_mem>>) src(%arg7 : memref<80xf32, #tpu.memory_space<vmem>>) dst(%dma_wait3A_43 : memref<10000xf32, #tpu.memory_space<vmem_shared>>)
    %dma_wait3A_44 = arith.constant 1 : i32
    %dma_wait3A_45 = arith.constant 123 : i32
    %dma_wait3A_46 = arith.constant 0 : i32
    %dma_wait3A_47 = tpu.memref_slice %arg6[%dma_wait3A_44, %dma_wait3A_45, %dma_wait3A_46] : memref<2x125x80xi32, #tpu.memory_space<vmem>> -> memref<1x1x80xi32, #tpu.memory_space<vmem>>
    %dma_wait3A_48 = tpu.memref_squeeze %dma_wait3A_47 : memref<1x1x80xi32, #tpu.memory_space<vmem>> -> memref<80xi32, #tpu.memory_space<vmem>>
    %dma_wait3A_49 = arith.constant 0 : i32
    %dma_wait3A_50 = tpu.memref_slice %arg9[%dma_wait3A_49] : memref<10000xf32, #tpu.memory_space<vmem_shared>> -> memref<10000xf32, #tpu.memory_space<vmem_shared>>
    tpu.wait_indirect_dma semaphore(%arg13 : memref<!tpu.dma_semaphore, #tpu.memory_space<semaphore_mem>>) src(%arg7 : memref<80xf32, #tpu.memory_space<vmem>>) dst(%dma_wait3A_50 : memref<10000xf32, #tpu.memory_space<vmem_shared>>)
    %dma_wait3A_51 = arith.constant 0 : i32
    %dma_wait3A_52 = arith.constant 124 : i32
    %dma_wait3A_53 = arith.constant 0 : i32
    %dma_wait3A_54 = tpu.memref_slice %arg6[%dma_wait3A_51, %dma_wait3A_52, %dma_wait3A_53] : memref<2x125x80xi32, #tpu.memory_space<vmem>> -> memref<1x1x80xi32, #tpu.memory_space<vmem>>
    %dma_wait3A_55 = tpu.memref_squeeze %dma_wait3A_54 : memref<1x1x80xi32, #tpu.memory_space<vmem>> -> memref<80xi32, #tpu.memory_space<vmem>>
    %dma_wait3A_56 = arith.constant 0 : i32
    %dma_wait3A_57 = tpu.memref_slice %arg8[%dma_wait3A_56] : memref<10000xf32, #tpu.memory_space<vmem_shared>> -> memref<10000xf32, #tpu.memory_space<vmem_shared>>
    tpu.wait_indirect_dma semaphore(%arg10 : memref<!tpu.dma_semaphore, #tpu.memory_space<semaphore_mem>>) src(%arg7 : memref<80xf32, #tpu.memory_space<vmem>>) dst(%dma_wait3A_57 : memref<10000xf32, #tpu.memory_space<vmem_shared>>)
    %dma_wait3A_58 = arith.constant 1 : i32
    %dma_wait3A_59 = arith.constant 124 : i32
    %dma_wait3A_60 = arith.constant 0 : i32
    %dma_wait3A_61 = tpu.memref_slice %arg6[%dma_wait3A_58, %dma_wait3A_59, %dma_wait3A_60] : memref<2x125x80xi32, #tpu.memory_space<vmem>> -> memref<1x1x80xi32, #tpu.memory_space<vmem>>
    %dma_wait3A_62 = tpu.memref_squeeze %dma_wait3A_61 : memref<1x1x80xi32, #tpu.memory_space<vmem>> -> memref<80xi32, #tpu.memory_space<vmem>>
    %dma_wait3A_63 = arith.constant 0 : i32
    %dma_wait3A_64 = tpu.memref_slice %arg9[%dma_wait3A_63] : memref<10000xf32, #tpu.memory_space<vmem_shared>> -> memref<10000xf32, #tpu.memory_space<vmem_shared>>
    tpu.wait_indirect_dma semaphore(%arg11 : memref<!tpu.dma_semaphore, #tpu.memory_space<semaphore_mem>>) src(%arg7 : memref<80xf32, #tpu.memory_space<vmem>>) dst(%dma_wait3A_64 : memref<10000xf32, #tpu.memory_space<vmem_shared>>)
    %barrier3A_65 = arith.constant 0 : index
    tpu.barrier barrier_id(%barrier3A_65)
    %lt3A_66 = arith.constant 10 : i32
    %lt3A_67 = arith.cmpi slt, %arg1, %lt3A_66 : i32
    %convert_element_type3A_68 = arith.extui %lt3A_67 : i1 to i32
    %cond3A_69 = arith.constant 0 : i32
    %cond3A_70 = arith.cmpi ne, %convert_element_type3A_68, %cond3A_69 : i32
    scf.if %cond3A_70 {
      %mul3A_71 = arith.constant 1000 : i32
      %mul3A_72 = arith.muli %arg1, %mul3A_71 : i32
      %mul3A_73 = arith.constant 2 : i32
      %mul3A_74 = arith.muli %arg0, %mul3A_73 : i32
      %mul3A_75 = arith.constant 10240 : i32
      %mul3A_76 = arith.muli %mul3A_74, %mul3A_75 : i32
      %mul3A_77 = arith.constant 1000 : i32
      %mul3A_78 = arith.muli %arg1, %mul3A_77 : i32
      %add3A_79 = arith.addi %mul3A_76, %mul3A_78 : i32
      "tpu.region"() ({
        %run_scoped3A_91 = tpu.sem_alloc : memref<!tpu.dma_semaphore, #tpu.memory_space<semaphore_mem>>
        %dma_start3A_92 = tpu.memref_slice %arg5[%add3A_79] : memref<40960xf32, #tpu.memory_space<hbm>> -> memref<1000xf32, #tpu.memory_space<hbm>>
        %dma_start3A_93 = tpu.memref_slice %arg8[%mul3A_72] : memref<10000xf32, #tpu.memory_space<vmem_shared>> -> memref<1000xf32, #tpu.memory_space<vmem_shared>>
        tpu.enqueue_dma source(%dma_start3A_93 : memref<1000xf32, #tpu.memory_space<vmem_shared>>) target(%dma_start3A_92 : memref<1000xf32, #tpu.memory_space<hbm>>) target_semaphore(%run_scoped3A_91 : memref<!tpu.dma_semaphore, #tpu.memory_space<semaphore_mem>>)
        %dma_wait3A_94 = tpu.memref_slice %arg5[%add3A_79] : memref<40960xf32, #tpu.memory_space<hbm>> -> memref<1000xf32, #tpu.memory_space<hbm>>
        %dma_wait3A_95 = tpu.memref_slice %arg8[%mul3A_72] : memref<10000xf32, #tpu.memory_space<vmem_shared>> -> memref<1000xf32, #tpu.memory_space<vmem_shared>>
        tpu.wait_dma2 semaphore(%run_scoped3A_91 : memref<!tpu.dma_semaphore, #tpu.memory_space<semaphore_mem>>) src(%dma_wait3A_95 : memref<1000xf32, #tpu.memory_space<vmem_shared>>) dst(%dma_wait3A_94 : memref<1000xf32, #tpu.memory_space<hbm>>)
        tpu.yield
      }) : () -> ()
      %mul3A_80 = arith.constant 1000 : i32
      %mul3A_81 = arith.muli %arg1, %mul3A_80 : i32
      %mul3A_82 = arith.constant 2 : i32
      %mul3A_83 = arith.muli %arg0, %mul3A_82 : i32
      %mul3A_84 = arith.constant 10240 : i32
      %mul3A_85 = arith.muli %mul3A_83, %mul3A_84 : i32
      %add3A_86 = arith.constant 10240 : i32
      %add3A_87 = arith.addi %mul3A_85, %add3A_86 : i32
      %mul3A_88 = arith.constant 1000 : i32
      %mul3A_89 = arith.muli %arg1, %mul3A_88 : i32
      %add3A_90 = arith.addi %add3A_87, %mul3A_89 : i32
      "tpu.region"() ({
        %run_scoped3A_91 = tpu.sem_alloc : memref<!tpu.dma_semaphore, #tpu.memory_space<semaphore_mem>>
        %dma_start3A_92 = tpu.memref_slice %arg5[%add3A_90] : memref<40960xf32, #tpu.memory_space<hbm>> -> memref<1000xf32, #tpu.memory_space<hbm>>
        %dma_start3A_93 = tpu.memref_slice %arg9[%mul3A_81] : memref<10000xf32, #tpu.memory_space<vmem_shared>> -> memref<1000xf32, #tpu.memory_space<vmem_shared>>
        tpu.enqueue_dma source(%dma_start3A_93 : memref<1000xf32, #tpu.memory_space<vmem_shared>>) target(%dma_start3A_92 : memref<1000xf32, #tpu.memory_space<hbm>>) target_semaphore(%run_scoped3A_91 : memref<!tpu.dma_semaphore, #tpu.memory_space<semaphore_mem>>)
        %dma_wait3A_94 = tpu.memref_slice %arg5[%add3A_90] : memref<40960xf32, #tpu.memory_space<hbm>> -> memref<1000xf32, #tpu.memory_space<hbm>>
        %dma_wait3A_95 = tpu.memref_slice %arg9[%mul3A_81] : memref<10000xf32, #tpu.memory_space<vmem_shared>> -> memref<1000xf32, #tpu.memory_space<vmem_shared>>
        tpu.wait_dma2 semaphore(%run_scoped3A_91 : memref<!tpu.dma_semaphore, #tpu.memory_space<semaphore_mem>>) src(%dma_wait3A_95 : memref<1000xf32, #tpu.memory_space<vmem_shared>>) dst(%dma_wait3A_94 : memref<1000xf32, #tpu.memory_space<hbm>>)
        tpu.yield
      }) : () -> ()
    } else {
    }
    return
  }
}

#map = affine_map<(d0, d1) -> (0, 0, 0, 0)>
#map1 = affine_map<(d0, d1) -> (0, 0)>
#map2 = affine_map<(d0, d1) -> (0, 0, 0)>
module attributes {stable_mosaic.version = 14 : i64} {
  func.func @body(%arg0: i32, %arg1: i32, %arg2: memref<2x32x125x80xi32, #tpu.memory_space<hbm>>, %arg3: memref<10240x128xf32, #tpu.memory_space<hbm>>, %arg4: memref<16x625x128xf32, #tpu.memory_space<hbm>>, %arg5: memref<20480x128xf32, #tpu.memory_space<hbm>>, %arg6: memref<2x125x80xi32, #tpu.memory_space<vmem>>, %arg7: memref<80x128xf32, #tpu.memory_space<vmem>>, %arg8: memref<80x128xf32, #tpu.memory_space<vmem>>, %arg9: memref<80x128xf32, #tpu.memory_space<vmem>>, %arg10: memref<10000x128xf32, #tpu.memory_space<vmem_shared>>, %arg11: memref<!tpu.dma_semaphore, #tpu.memory_space<semaphore_mem>>, %arg12: memref<!tpu.dma_semaphore, #tpu.memory_space<semaphore_mem>>, %arg13: memref<!tpu.dma_semaphore, #tpu.memory_space<semaphore_mem>>, %arg14: memref<!tpu.dma_semaphore, #tpu.memory_space<semaphore_mem>>, %arg15: memref<!tpu.dma_semaphore, #tpu.memory_space<semaphore_mem>>, %arg16: memref<!tpu.dma_semaphore, #tpu.memory_space<semaphore_mem>>, %arg17: memref<!tpu.dma_semaphore, #tpu.memory_space<semaphore_mem>>, %arg18: memref<!tpu.dma_semaphore, #tpu.memory_space<semaphore_mem>>) attributes {dimension_semantics = [#tpu.dimension_semantics<core_parallel>, #tpu.dimension_semantics<subcore_parallel>], iteration_bounds = array<i64: 2, 16>, scalar_prefetch = 0 : i64, scratch_operands = 13 : i64, tpu.core_type = #tpu.core_type<sc_vector_subcore>, window_params = [{transform_indices = #map}, {transform_indices = #map1}, {transform_indices = #map2}, {transform_indices = #map1}]} {
    %mul3A = arith.constant 16 : i32
    %mul3A_0 = arith.muli %arg0, %mul3A : i32
    %add3A = arith.addi %mul3A_0, %arg1 : i32
    %mul3A_1 = arith.constant 625 : i32
    %mul3A_2 = arith.muli %arg1, %mul3A_1 : i32
    %dma_start3A = arith.constant 0 : i32
    %dma_start3A_3 = tpu.memref_slice %arg10[%mul3A_2, %dma_start3A] : memref<10000x128xf32, #tpu.memory_space<vmem_shared>> -> memref<625x128xf32, #tpu.memory_space<vmem_shared>>
    %dma_start3A_4 = arith.constant 0 : i32
    %dma_start3A_5 = arith.constant 0 : i32
    %dma_start3A_6 = tpu.memref_slice %arg4[%arg1, %dma_start3A_4, %dma_start3A_5] : memref<16x625x128xf32, #tpu.memory_space<hbm>> -> memref<1x625x128xf32, #tpu.memory_space<hbm>>
    %dma_start3A_7 = tpu.memref_squeeze %dma_start3A_6 : memref<1x625x128xf32, #tpu.memory_space<hbm>> -> memref<625x128xf32, #tpu.memory_space<hbm>>
    tpu.enqueue_dma source(%dma_start3A_7 : memref<625x128xf32, #tpu.memory_space<hbm>>) target(%dma_start3A_3 : memref<625x128xf32, #tpu.memory_space<vmem_shared>>) target_semaphore(%arg11 : memref<!tpu.dma_semaphore, #tpu.memory_space<semaphore_mem>>)
    %dma_start3A_8 = arith.constant 0 : i32
    %dma_start3A_9 = arith.constant 0 : i32
    %dma_start3A_10 = arith.constant 0 : i32
    %dma_start3A_11 = arith.constant 0 : i32
    %dma_start3A_12 = tpu.memref_slice %arg6[%dma_start3A_9, %dma_start3A_10, %dma_start3A_11] : memref<2x125x80xi32, #tpu.memory_space<vmem>> -> memref<1x125x80xi32, #tpu.memory_space<vmem>>
    %dma_start3A_13 = tpu.memref_squeeze %dma_start3A_12 : memref<1x125x80xi32, #tpu.memory_space<vmem>> -> memref<125x80xi32, #tpu.memory_space<vmem>>
    %dma_start3A_14 = arith.constant 0 : i32
    %dma_start3A_15 = arith.constant 0 : i32
    %dma_start3A_16 = tpu.memref_slice %arg2[%dma_start3A_8, %add3A, %dma_start3A_14, %dma_start3A_15] : memref<2x32x125x80xi32, #tpu.memory_space<hbm>> -> memref<1x1x125x80xi32, #tpu.memory_space<hbm>>
    %dma_start3A_17 = tpu.memref_squeeze %dma_start3A_16 : memref<1x1x125x80xi32, #tpu.memory_space<hbm>> -> memref<125x80xi32, #tpu.memory_space<hbm>>
    %dma_start3A_18 = arith.constant 0 : i32
    %dma_start3A_19 = arith.constant 0 : i32
    %dma_start3A_20 = tpu.memref_slice %arg6[%dma_start3A_9, %dma_start3A_18, %dma_start3A_19] : memref<2x125x80xi32, #tpu.memory_space<vmem>> -> memref<1x125x80xi32, #tpu.memory_space<vmem>>
    %dma_start3A_21 = tpu.memref_squeeze %dma_start3A_20 : memref<1x125x80xi32, #tpu.memory_space<vmem>> -> memref<125x80xi32, #tpu.memory_space<vmem>>
    %dma_start3A_22 = arith.constant 0 : i32
    %dma_start3A_23 = arith.constant 0 : i32
    %dma_start3A_24 = tpu.memref_slice %arg2[%dma_start3A_8, %add3A, %dma_start3A_22, %dma_start3A_23] : memref<2x32x125x80xi32, #tpu.memory_space<hbm>> -> memref<1x1x125x80xi32, #tpu.memory_space<hbm>>
    %dma_start3A_25 = tpu.memref_squeeze %dma_start3A_24 : memref<1x1x125x80xi32, #tpu.memory_space<hbm>> -> memref<125x80xi32, #tpu.memory_space<hbm>>
    tpu.enqueue_dma source(%dma_start3A_25 : memref<125x80xi32, #tpu.memory_space<hbm>>) target(%dma_start3A_21 : memref<125x80xi32, #tpu.memory_space<vmem>>) target_semaphore(%arg12 : memref<!tpu.dma_semaphore, #tpu.memory_space<semaphore_mem>>)
    %dma_start3A_26 = arith.constant 1 : i32
    %dma_start3A_27 = arith.constant 1 : i32
    %dma_start3A_28 = arith.constant 0 : i32
    %dma_start3A_29 = arith.constant 0 : i32
    %dma_start3A_30 = tpu.memref_slice %arg6[%dma_start3A_27, %dma_start3A_28, %dma_start3A_29] : memref<2x125x80xi32, #tpu.memory_space<vmem>> -> memref<1x125x80xi32, #tpu.memory_space<vmem>>
    %dma_start3A_31 = tpu.memref_squeeze %dma_start3A_30 : memref<1x125x80xi32, #tpu.memory_space<vmem>> -> memref<125x80xi32, #tpu.memory_space<vmem>>
    %dma_start3A_32 = arith.constant 0 : i32
    %dma_start3A_33 = arith.constant 0 : i32
    %dma_start3A_34 = tpu.memref_slice %arg2[%dma_start3A_26, %add3A, %dma_start3A_32, %dma_start3A_33] : memref<2x32x125x80xi32, #tpu.memory_space<hbm>> -> memref<1x1x125x80xi32, #tpu.memory_space<hbm>>
    %dma_start3A_35 = tpu.memref_squeeze %dma_start3A_34 : memref<1x1x125x80xi32, #tpu.memory_space<hbm>> -> memref<125x80xi32, #tpu.memory_space<hbm>>
    %dma_start3A_36 = arith.constant 0 : i32
    %dma_start3A_37 = arith.constant 0 : i32
    %dma_start3A_38 = tpu.memref_slice %arg6[%dma_start3A_27, %dma_start3A_36, %dma_start3A_37] : memref<2x125x80xi32, #tpu.memory_space<vmem>> -> memref<1x125x80xi32, #tpu.memory_space<vmem>>
    %dma_start3A_39 = tpu.memref_squeeze %dma_start3A_38 : memref<1x125x80xi32, #tpu.memory_space<vmem>> -> memref<125x80xi32, #tpu.memory_space<vmem>>
    %dma_start3A_40 = arith.constant 0 : i32
    %dma_start3A_41 = arith.constant 0 : i32
    %dma_start3A_42 = tpu.memref_slice %arg2[%dma_start3A_26, %add3A, %dma_start3A_40, %dma_start3A_41] : memref<2x32x125x80xi32, #tpu.memory_space<hbm>> -> memref<1x1x125x80xi32, #tpu.memory_space<hbm>>
    %dma_start3A_43 = tpu.memref_squeeze %dma_start3A_42 : memref<1x1x125x80xi32, #tpu.memory_space<hbm>> -> memref<125x80xi32, #tpu.memory_space<hbm>>
    tpu.enqueue_dma source(%dma_start3A_43 : memref<125x80xi32, #tpu.memory_space<hbm>>) target(%dma_start3A_39 : memref<125x80xi32, #tpu.memory_space<vmem>>) target_semaphore(%arg12 : memref<!tpu.dma_semaphore, #tpu.memory_space<semaphore_mem>>)
    %dma_wait3A = arith.constant 0 : i32
    %dma_wait3A_44 = arith.constant 0 : i32
    %dma_wait3A_45 = arith.constant 0 : i32
    %dma_wait3A_46 = arith.constant 0 : i32
    %dma_wait3A_47 = tpu.memref_slice %arg6[%dma_wait3A_44, %dma_wait3A_45, %dma_wait3A_46] : memref<2x125x80xi32, #tpu.memory_space<vmem>> -> memref<1x125x80xi32, #tpu.memory_space<vmem>>
    %dma_wait3A_48 = tpu.memref_squeeze %dma_wait3A_47 : memref<1x125x80xi32, #tpu.memory_space<vmem>> -> memref<125x80xi32, #tpu.memory_space<vmem>>
    %dma_wait3A_49 = arith.constant 0 : i32
    %dma_wait3A_50 = arith.constant 0 : i32
    %dma_wait3A_51 = tpu.memref_slice %arg2[%dma_wait3A, %add3A, %dma_wait3A_49, %dma_wait3A_50] : memref<2x32x125x80xi32, #tpu.memory_space<hbm>> -> memref<1x1x125x80xi32, #tpu.memory_space<hbm>>
    %dma_wait3A_52 = tpu.memref_squeeze %dma_wait3A_51 : memref<1x1x125x80xi32, #tpu.memory_space<hbm>> -> memref<125x80xi32, #tpu.memory_space<hbm>>
    %dma_wait3A_53 = arith.constant 0 : i32
    %dma_wait3A_54 = arith.constant 0 : i32
    %dma_wait3A_55 = tpu.memref_slice %arg6[%dma_wait3A_44, %dma_wait3A_53, %dma_wait3A_54] : memref<2x125x80xi32, #tpu.memory_space<vmem>> -> memref<1x125x80xi32, #tpu.memory_space<vmem>>
    %dma_wait3A_56 = tpu.memref_squeeze %dma_wait3A_55 : memref<1x125x80xi32, #tpu.memory_space<vmem>> -> memref<125x80xi32, #tpu.memory_space<vmem>>
    %dma_wait3A_57 = arith.constant 0 : i32
    %dma_wait3A_58 = arith.constant 0 : i32
    %dma_wait3A_59 = tpu.memref_slice %arg2[%dma_wait3A, %add3A, %dma_wait3A_57, %dma_wait3A_58] : memref<2x32x125x80xi32, #tpu.memory_space<hbm>> -> memref<1x1x125x80xi32, #tpu.memory_space<hbm>>
    %dma_wait3A_60 = tpu.memref_squeeze %dma_wait3A_59 : memref<1x1x125x80xi32, #tpu.memory_space<hbm>> -> memref<125x80xi32, #tpu.memory_space<hbm>>
    tpu.wait_dma2 semaphore(%arg12 : memref<!tpu.dma_semaphore, #tpu.memory_space<semaphore_mem>>) src(%dma_wait3A_60 : memref<125x80xi32, #tpu.memory_space<hbm>>) dst(%dma_wait3A_56 : memref<125x80xi32, #tpu.memory_space<vmem>>)
    %dma_wait3A_61 = arith.constant 1 : i32
    %dma_wait3A_62 = arith.constant 1 : i32
    %dma_wait3A_63 = arith.constant 0 : i32
    %dma_wait3A_64 = arith.constant 0 : i32
    %dma_wait3A_65 = tpu.memref_slice %arg6[%dma_wait3A_62, %dma_wait3A_63, %dma_wait3A_64] : memref<2x125x80xi32, #tpu.memory_space<vmem>> -> memref<1x125x80xi32, #tpu.memory_space<vmem>>
    %dma_wait3A_66 = tpu.memref_squeeze %dma_wait3A_65 : memref<1x125x80xi32, #tpu.memory_space<vmem>> -> memref<125x80xi32, #tpu.memory_space<vmem>>
    %dma_wait3A_67 = arith.constant 0 : i32
    %dma_wait3A_68 = arith.constant 0 : i32
    %dma_wait3A_69 = tpu.memref_slice %arg2[%dma_wait3A_61, %add3A, %dma_wait3A_67, %dma_wait3A_68] : memref<2x32x125x80xi32, #tpu.memory_space<hbm>> -> memref<1x1x125x80xi32, #tpu.memory_space<hbm>>
    %dma_wait3A_70 = tpu.memref_squeeze %dma_wait3A_69 : memref<1x1x125x80xi32, #tpu.memory_space<hbm>> -> memref<125x80xi32, #tpu.memory_space<hbm>>
    %dma_wait3A_71 = arith.constant 0 : i32
    %dma_wait3A_72 = arith.constant 0 : i32
    %dma_wait3A_73 = tpu.memref_slice %arg6[%dma_wait3A_62, %dma_wait3A_71, %dma_wait3A_72] : memref<2x125x80xi32, #tpu.memory_space<vmem>> -> memref<1x125x80xi32, #tpu.memory_space<vmem>>
    %dma_wait3A_74 = tpu.memref_squeeze %dma_wait3A_73 : memref<1x125x80xi32, #tpu.memory_space<vmem>> -> memref<125x80xi32, #tpu.memory_space<vmem>>
    %dma_wait3A_75 = arith.constant 0 : i32
    %dma_wait3A_76 = arith.constant 0 : i32
    %dma_wait3A_77 = tpu.memref_slice %arg2[%dma_wait3A_61, %add3A, %dma_wait3A_75, %dma_wait3A_76] : memref<2x32x125x80xi32, #tpu.memory_space<hbm>> -> memref<1x1x125x80xi32, #tpu.memory_space<hbm>>
    %dma_wait3A_78 = tpu.memref_squeeze %dma_wait3A_77 : memref<1x1x125x80xi32, #tpu.memory_space<hbm>> -> memref<125x80xi32, #tpu.memory_space<hbm>>
    tpu.wait_dma2 semaphore(%arg12 : memref<!tpu.dma_semaphore, #tpu.memory_space<semaphore_mem>>) src(%dma_wait3A_78 : memref<125x80xi32, #tpu.memory_space<hbm>>) dst(%dma_wait3A_74 : memref<125x80xi32, #tpu.memory_space<vmem>>)
    %mul3A_79 = arith.constant 625 : i32
    %mul3A_80 = arith.muli %arg1, %mul3A_79 : i32
    %dma_wait3A_81 = arith.constant 0 : i32
    %dma_wait3A_82 = tpu.memref_slice %arg10[%mul3A_80, %dma_wait3A_81] : memref<10000x128xf32, #tpu.memory_space<vmem_shared>> -> memref<625x128xf32, #tpu.memory_space<vmem_shared>>
    %dma_wait3A_83 = arith.constant 0 : i32
    %dma_wait3A_84 = arith.constant 0 : i32
    %dma_wait3A_85 = tpu.memref_slice %arg4[%arg1, %dma_wait3A_83, %dma_wait3A_84] : memref<16x625x128xf32, #tpu.memory_space<hbm>> -> memref<1x625x128xf32, #tpu.memory_space<hbm>>
    %dma_wait3A_86 = tpu.memref_squeeze %dma_wait3A_85 : memref<1x625x128xf32, #tpu.memory_space<hbm>> -> memref<625x128xf32, #tpu.memory_space<hbm>>
    tpu.wait_dma2 semaphore(%arg11 : memref<!tpu.dma_semaphore, #tpu.memory_space<semaphore_mem>>) src(%dma_wait3A_86 : memref<625x128xf32, #tpu.memory_space<hbm>>) dst(%dma_wait3A_82 : memref<625x128xf32, #tpu.memory_space<vmem_shared>>)
    %barrier3A = arith.constant 0 : index
    tpu.barrier barrier_id(%barrier3A)
    %dma_start3A_87 = arith.constant 0 : i32
    %dma_start3A_88 = arith.constant 0 : i32
    %dma_start3A_89 = arith.constant 0 : i32
    %dma_start3A_90 = arith.constant 0 : i32
    %dma_start3A_91 = tpu.memref_slice %arg6[%dma_start3A_87, %dma_start3A_89, %dma_start3A_90] : memref<2x125x80xi32, #tpu.memory_space<vmem>> -> memref<1x125x80xi32, #tpu.memory_space<vmem>>
    %dma_start3A_92 = tpu.memref_squeeze %dma_start3A_91 : memref<1x125x80xi32, #tpu.memory_space<vmem>> -> memref<125x80xi32, #tpu.memory_space<vmem>>
    %dma_start3A_93 = arith.constant 0 : i32
    %dma_start3A_94 = tpu.memref_slice %dma_start3A_92[%dma_start3A_88, %dma_start3A_93] : memref<125x80xi32, #tpu.memory_space<vmem>> -> memref<1x80xi32, #tpu.memory_space<vmem>>
    %dma_start3A_95 = tpu.memref_squeeze %dma_start3A_94 : memref<1x80xi32, #tpu.memory_space<vmem>> -> memref<80xi32, #tpu.memory_space<vmem>>
    %dma_start3A_96 = arith.constant 0 : i32
    %dma_start3A_97 = arith.constant 0 : i32
    %dma_start3A_98 = tpu.memref_slice %arg3[%dma_start3A_96, %dma_start3A_97] : memref<10240x128xf32, #tpu.memory_space<hbm>> -> memref<10240x128xf32, #tpu.memory_space<hbm>>
    tpu.enqueue_indirect_dma source(%dma_start3A_98 : memref<10240x128xf32, #tpu.memory_space<hbm>>) target(%arg7 : memref<80x128xf32, #tpu.memory_space<vmem>>) offsets(%dma_start3A_95 : memref<80xi32, #tpu.memory_space<vmem>>) semaphore(%arg13 : memref<!tpu.dma_semaphore, #tpu.memory_space<semaphore_mem>>)
    %scan3A = arith.constant 0 : i32
    %scan3A_99 = arith.constant 1 : i32
    %scan3A_100 = arith.constant 0 : i32
    %scan3A_101 = arith.constant 0 : i32
    %scan3A_102 = arith.constant 42 : i32
    %scan3A_103 = arith.addi %scan3A_101, %scan3A_102 : i32
    %scan3A_104 = arith.constant 1 : i32
    scf.for %scan3A_138 = %scan3A_101 to %scan3A_103 step %scan3A_104  : i32 {
      %mul3A_139 = arith.constant 3 : i32
      %mul3A_140 = arith.muli %mul3A_139, %scan3A_138 : i32
      %add3A_141 = arith.constant 0 : i32
      %add3A_142 = arith.addi %mul3A_140, %add3A_141 : i32
      %ge3A = arith.constant 2 : i32
      %ge3A_143 = arith.cmpi sge, %add3A_142, %ge3A : i32
      %lt3A = arith.constant 125 : i32
      %lt3A_144 = arith.cmpi slt, %add3A_142, %lt3A : i32
      %and3A = arith.andi %ge3A_143, %lt3A_144 : i1
      %convert_element_type3A = arith.extui %and3A : i1 to i32
      %cond3A = arith.constant 0 : i32
      %cond3A_145 = arith.cmpi ne, %convert_element_type3A, %cond3A : i32
      scf.if %cond3A_145 {
        %sub3A = arith.constant 2 : i32
        %sub3A_206 = arith.subi %add3A_142, %sub3A : i32
        %dma_wait3A_207 = arith.constant 0 : i32
        %dma_wait3A_208 = arith.constant 0 : i32
        %dma_wait3A_209 = tpu.memref_slice %arg6[%scan3A_99, %dma_wait3A_207, %dma_wait3A_208] : memref<2x125x80xi32, #tpu.memory_space<vmem>> -> memref<1x125x80xi32, #tpu.memory_space<vmem>>
        %dma_wait3A_210 = tpu.memref_squeeze %dma_wait3A_209 : memref<1x125x80xi32, #tpu.memory_space<vmem>> -> memref<125x80xi32, #tpu.memory_space<vmem>>
        %dma_wait3A_211 = arith.constant 0 : i32
        %dma_wait3A_212 = tpu.memref_slice %dma_wait3A_210[%sub3A_206, %dma_wait3A_211] : memref<125x80xi32, #tpu.memory_space<vmem>> -> memref<1x80xi32, #tpu.memory_space<vmem>>
        %dma_wait3A_213 = tpu.memref_squeeze %dma_wait3A_212 : memref<1x80xi32, #tpu.memory_space<vmem>> -> memref<80xi32, #tpu.memory_space<vmem>>
        %dma_wait3A_214 = arith.constant 0 : i32
        %dma_wait3A_215 = arith.constant 0 : i32
        %dma_wait3A_216 = tpu.memref_slice %arg10[%dma_wait3A_214, %dma_wait3A_215] : memref<10000x128xf32, #tpu.memory_space<vmem_shared>> -> memref<10000x128xf32, #tpu.memory_space<vmem_shared>>
        tpu.wait_indirect_dma semaphore(%arg17 : memref<!tpu.dma_semaphore, #tpu.memory_space<semaphore_mem>>) src(%arg8 : memref<80x128xf32, #tpu.memory_space<vmem>>) dst(%dma_wait3A_216 : memref<10000x128xf32, #tpu.memory_space<vmem_shared>>)
      } else {
      }
      %add3A_146 = arith.constant 1 : i32
      %add3A_147 = arith.addi %add3A_142, %add3A_146 : i32
      %lt3A_148 = arith.constant 125 : i32
      %lt3A_149 = arith.cmpi slt, %add3A_147, %lt3A_148 : i32
      %convert_element_type3A_150 = arith.extui %lt3A_149 : i1 to i32
      %cond3A_151 = arith.constant 0 : i32
      %cond3A_152 = arith.cmpi ne, %convert_element_type3A_150, %cond3A_151 : i32
      scf.if %cond3A_152 {
        %add3A_206 = arith.constant 1 : i32
        %add3A_207 = arith.addi %add3A_142, %add3A_206 : i32
        %dma_start3A_208 = arith.constant 0 : i32
        %dma_start3A_209 = arith.constant 0 : i32
        %dma_start3A_210 = tpu.memref_slice %arg6[%scan3A_100, %dma_start3A_208, %dma_start3A_209] : memref<2x125x80xi32, #tpu.memory_space<vmem>> -> memref<1x125x80xi32, #tpu.memory_space<vmem>>
        %dma_start3A_211 = tpu.memref_squeeze %dma_start3A_210 : memref<1x125x80xi32, #tpu.memory_space<vmem>> -> memref<125x80xi32, #tpu.memory_space<vmem>>
        %dma_start3A_212 = arith.constant 0 : i32
        %dma_start3A_213 = tpu.memref_slice %dma_start3A_211[%add3A_207, %dma_start3A_212] : memref<125x80xi32, #tpu.memory_space<vmem>> -> memref<1x80xi32, #tpu.memory_space<vmem>>
        %dma_start3A_214 = tpu.memref_squeeze %dma_start3A_213 : memref<1x80xi32, #tpu.memory_space<vmem>> -> memref<80xi32, #tpu.memory_space<vmem>>
        %dma_start3A_215 = arith.constant 0 : i32
        %dma_start3A_216 = arith.constant 0 : i32
        %dma_start3A_217 = tpu.memref_slice %arg3[%dma_start3A_215, %dma_start3A_216] : memref<10240x128xf32, #tpu.memory_space<hbm>> -> memref<10240x128xf32, #tpu.memory_space<hbm>>
        tpu.enqueue_indirect_dma source(%dma_start3A_217 : memref<10240x128xf32, #tpu.memory_space<hbm>>) target(%arg8 : memref<80x128xf32, #tpu.memory_space<vmem>>) offsets(%dma_start3A_214 : memref<80xi32, #tpu.memory_space<vmem>>) semaphore(%arg14 : memref<!tpu.dma_semaphore, #tpu.memory_space<semaphore_mem>>)
      } else {
      }
      %lt3A_153 = arith.constant 125 : i32
      %lt3A_154 = arith.cmpi slt, %add3A_142, %lt3A_153 : i32
      %convert_element_type3A_155 = arith.extui %lt3A_154 : i1 to i32
      %cond3A_156 = arith.constant 0 : i32
      %cond3A_157 = arith.cmpi ne, %convert_element_type3A_155, %cond3A_156 : i32
      scf.if %cond3A_157 {
        %dma_wait3A_206 = arith.constant 0 : i32
        %dma_wait3A_207 = arith.constant 0 : i32
        %dma_wait3A_208 = tpu.memref_slice %arg6[%scan3A_100, %dma_wait3A_206, %dma_wait3A_207] : memref<2x125x80xi32, #tpu.memory_space<vmem>> -> memref<1x125x80xi32, #tpu.memory_space<vmem>>
        %dma_wait3A_209 = tpu.memref_squeeze %dma_wait3A_208 : memref<1x125x80xi32, #tpu.memory_space<vmem>> -> memref<125x80xi32, #tpu.memory_space<vmem>>
        %dma_wait3A_210 = arith.constant 0 : i32
        %dma_wait3A_211 = tpu.memref_slice %dma_wait3A_209[%add3A_142, %dma_wait3A_210] : memref<125x80xi32, #tpu.memory_space<vmem>> -> memref<1x80xi32, #tpu.memory_space<vmem>>
        %dma_wait3A_212 = tpu.memref_squeeze %dma_wait3A_211 : memref<1x80xi32, #tpu.memory_space<vmem>> -> memref<80xi32, #tpu.memory_space<vmem>>
        %dma_wait3A_213 = arith.constant 0 : i32
        %dma_wait3A_214 = arith.constant 0 : i32
        %dma_wait3A_215 = tpu.memref_slice %arg3[%dma_wait3A_213, %dma_wait3A_214] : memref<10240x128xf32, #tpu.memory_space<hbm>> -> memref<10240x128xf32, #tpu.memory_space<hbm>>
        tpu.wait_indirect_dma semaphore(%arg13 : memref<!tpu.dma_semaphore, #tpu.memory_space<semaphore_mem>>) src(%dma_wait3A_215 : memref<10240x128xf32, #tpu.memory_space<hbm>>) dst(%arg7 : memref<80x128xf32, #tpu.memory_space<vmem>>)
        %dma_start3A_216 = arith.constant 0 : i32
        %dma_start3A_217 = arith.constant 0 : i32
        %dma_start3A_218 = tpu.memref_slice %arg6[%scan3A_99, %dma_start3A_216, %dma_start3A_217] : memref<2x125x80xi32, #tpu.memory_space<vmem>> -> memref<1x125x80xi32, #tpu.memory_space<vmem>>
        %dma_start3A_219 = tpu.memref_squeeze %dma_start3A_218 : memref<1x125x80xi32, #tpu.memory_space<vmem>> -> memref<125x80xi32, #tpu.memory_space<vmem>>
        %dma_start3A_220 = arith.constant 0 : i32
        %dma_start3A_221 = tpu.memref_slice %dma_start3A_219[%add3A_142, %dma_start3A_220] : memref<125x80xi32, #tpu.memory_space<vmem>> -> memref<1x80xi32, #tpu.memory_space<vmem>>
        %dma_start3A_222 = tpu.memref_squeeze %dma_start3A_221 : memref<1x80xi32, #tpu.memory_space<vmem>> -> memref<80xi32, #tpu.memory_space<vmem>>
        %dma_start3A_223 = arith.constant 0 : i32
        %dma_start3A_224 = arith.constant 0 : i32
        %dma_start3A_225 = tpu.memref_slice %arg10[%dma_start3A_223, %dma_start3A_224] : memref<10000x128xf32, #tpu.memory_space<vmem_shared>> -> memref<10000x128xf32, #tpu.memory_space<vmem_shared>>
        tpu.enqueue_indirect_dma source(%arg7 : memref<80x128xf32, #tpu.memory_space<vmem>>) target(%dma_start3A_225 : memref<10000x128xf32, #tpu.memory_space<vmem_shared>>) offsets(%dma_start3A_222 : memref<80xi32, #tpu.memory_space<vmem>>) semaphore(%arg16 : memref<!tpu.dma_semaphore, #tpu.memory_space<semaphore_mem>>) {add = true}
      } else {
      }
      %mul3A_158 = arith.constant 3 : i32
      %mul3A_159 = arith.muli %mul3A_158, %scan3A_138 : i32
      %add3A_160 = arith.constant 1 : i32
      %add3A_161 = arith.addi %mul3A_159, %add3A_160 : i32
      %ge3A_162 = arith.constant 2 : i32
      %ge3A_163 = arith.cmpi sge, %add3A_161, %ge3A_162 : i32
      %lt3A_164 = arith.constant 125 : i32
      %lt3A_165 = arith.cmpi slt, %add3A_161, %lt3A_164 : i32
      %and3A_166 = arith.andi %ge3A_163, %lt3A_165 : i1
      %convert_element_type3A_167 = arith.extui %and3A_166 : i1 to i32
      %cond3A_168 = arith.constant 0 : i32
      %cond3A_169 = arith.cmpi ne, %convert_element_type3A_167, %cond3A_168 : i32
      scf.if %cond3A_169 {
        %sub3A = arith.constant 2 : i32
        %sub3A_206 = arith.subi %add3A_161, %sub3A : i32
        %dma_wait3A_207 = arith.constant 0 : i32
        %dma_wait3A_208 = arith.constant 0 : i32
        %dma_wait3A_209 = tpu.memref_slice %arg6[%scan3A_99, %dma_wait3A_207, %dma_wait3A_208] : memref<2x125x80xi32, #tpu.memory_space<vmem>> -> memref<1x125x80xi32, #tpu.memory_space<vmem>>
        %dma_wait3A_210 = tpu.memref_squeeze %dma_wait3A_209 : memref<1x125x80xi32, #tpu.memory_space<vmem>> -> memref<125x80xi32, #tpu.memory_space<vmem>>
        %dma_wait3A_211 = arith.constant 0 : i32
        %dma_wait3A_212 = tpu.memref_slice %dma_wait3A_210[%sub3A_206, %dma_wait3A_211] : memref<125x80xi32, #tpu.memory_space<vmem>> -> memref<1x80xi32, #tpu.memory_space<vmem>>
        %dma_wait3A_213 = tpu.memref_squeeze %dma_wait3A_212 : memref<1x80xi32, #tpu.memory_space<vmem>> -> memref<80xi32, #tpu.memory_space<vmem>>
        %dma_wait3A_214 = arith.constant 0 : i32
        %dma_wait3A_215 = arith.constant 0 : i32
        %dma_wait3A_216 = tpu.memref_slice %arg10[%dma_wait3A_214, %dma_wait3A_215] : memref<10000x128xf32, #tpu.memory_space<vmem_shared>> -> memref<10000x128xf32, #tpu.memory_space<vmem_shared>>
        tpu.wait_indirect_dma semaphore(%arg18 : memref<!tpu.dma_semaphore, #tpu.memory_space<semaphore_mem>>) src(%arg9 : memref<80x128xf32, #tpu.memory_space<vmem>>) dst(%dma_wait3A_216 : memref<10000x128xf32, #tpu.memory_space<vmem_shared>>)
      } else {
      }
      %add3A_170 = arith.constant 1 : i32
      %add3A_171 = arith.addi %add3A_161, %add3A_170 : i32
      %lt3A_172 = arith.constant 125 : i32
      %lt3A_173 = arith.cmpi slt, %add3A_171, %lt3A_172 : i32
      %convert_element_type3A_174 = arith.extui %lt3A_173 : i1 to i32
      %cond3A_175 = arith.constant 0 : i32
      %cond3A_176 = arith.cmpi ne, %convert_element_type3A_174, %cond3A_175 : i32
      scf.if %cond3A_176 {
        %add3A_206 = arith.constant 1 : i32
        %add3A_207 = arith.addi %add3A_161, %add3A_206 : i32
        %dma_start3A_208 = arith.constant 0 : i32
        %dma_start3A_209 = arith.constant 0 : i32
        %dma_start3A_210 = tpu.memref_slice %arg6[%scan3A_100, %dma_start3A_208, %dma_start3A_209] : memref<2x125x80xi32, #tpu.memory_space<vmem>> -> memref<1x125x80xi32, #tpu.memory_space<vmem>>
        %dma_start3A_211 = tpu.memref_squeeze %dma_start3A_210 : memref<1x125x80xi32, #tpu.memory_space<vmem>> -> memref<125x80xi32, #tpu.memory_space<vmem>>
        %dma_start3A_212 = arith.constant 0 : i32
        %dma_start3A_213 = tpu.memref_slice %dma_start3A_211[%add3A_207, %dma_start3A_212] : memref<125x80xi32, #tpu.memory_space<vmem>> -> memref<1x80xi32, #tpu.memory_space<vmem>>
        %dma_start3A_214 = tpu.memref_squeeze %dma_start3A_213 : memref<1x80xi32, #tpu.memory_space<vmem>> -> memref<80xi32, #tpu.memory_space<vmem>>
        %dma_start3A_215 = arith.constant 0 : i32
        %dma_start3A_216 = arith.constant 0 : i32
        %dma_start3A_217 = tpu.memref_slice %arg3[%dma_start3A_215, %dma_start3A_216] : memref<10240x128xf32, #tpu.memory_space<hbm>> -> memref<10240x128xf32, #tpu.memory_space<hbm>>
        tpu.enqueue_indirect_dma source(%dma_start3A_217 : memref<10240x128xf32, #tpu.memory_space<hbm>>) target(%arg9 : memref<80x128xf32, #tpu.memory_space<vmem>>) offsets(%dma_start3A_214 : memref<80xi32, #tpu.memory_space<vmem>>) semaphore(%arg15 : memref<!tpu.dma_semaphore, #tpu.memory_space<semaphore_mem>>)
      } else {
      }
      %lt3A_177 = arith.constant 125 : i32
      %lt3A_178 = arith.cmpi slt, %add3A_161, %lt3A_177 : i32
      %convert_element_type3A_179 = arith.extui %lt3A_178 : i1 to i32
      %cond3A_180 = arith.constant 0 : i32
      %cond3A_181 = arith.cmpi ne, %convert_element_type3A_179, %cond3A_180 : i32
      scf.if %cond3A_181 {
        %dma_wait3A_206 = arith.constant 0 : i32
        %dma_wait3A_207 = arith.constant 0 : i32
        %dma_wait3A_208 = tpu.memref_slice %arg6[%scan3A_100, %dma_wait3A_206, %dma_wait3A_207] : memref<2x125x80xi32, #tpu.memory_space<vmem>> -> memref<1x125x80xi32, #tpu.memory_space<vmem>>
        %dma_wait3A_209 = tpu.memref_squeeze %dma_wait3A_208 : memref<1x125x80xi32, #tpu.memory_space<vmem>> -> memref<125x80xi32, #tpu.memory_space<vmem>>
        %dma_wait3A_210 = arith.constant 0 : i32
        %dma_wait3A_211 = tpu.memref_slice %dma_wait3A_209[%add3A_161, %dma_wait3A_210] : memref<125x80xi32, #tpu.memory_space<vmem>> -> memref<1x80xi32, #tpu.memory_space<vmem>>
        %dma_wait3A_212 = tpu.memref_squeeze %dma_wait3A_211 : memref<1x80xi32, #tpu.memory_space<vmem>> -> memref<80xi32, #tpu.memory_space<vmem>>
        %dma_wait3A_213 = arith.constant 0 : i32
        %dma_wait3A_214 = arith.constant 0 : i32
        %dma_wait3A_215 = tpu.memref_slice %arg3[%dma_wait3A_213, %dma_wait3A_214] : memref<10240x128xf32, #tpu.memory_space<hbm>> -> memref<10240x128xf32, #tpu.memory_space<hbm>>
        tpu.wait_indirect_dma semaphore(%arg14 : memref<!tpu.dma_semaphore, #tpu.memory_space<semaphore_mem>>) src(%dma_wait3A_215 : memref<10240x128xf32, #tpu.memory_space<hbm>>) dst(%arg8 : memref<80x128xf32, #tpu.memory_space<vmem>>)
        %dma_start3A_216 = arith.constant 0 : i32
        %dma_start3A_217 = arith.constant 0 : i32
        %dma_start3A_218 = tpu.memref_slice %arg6[%scan3A_99, %dma_start3A_216, %dma_start3A_217] : memref<2x125x80xi32, #tpu.memory_space<vmem>> -> memref<1x125x80xi32, #tpu.memory_space<vmem>>
        %dma_start3A_219 = tpu.memref_squeeze %dma_start3A_218 : memref<1x125x80xi32, #tpu.memory_space<vmem>> -> memref<125x80xi32, #tpu.memory_space<vmem>>
        %dma_start3A_220 = arith.constant 0 : i32
        %dma_start3A_221 = tpu.memref_slice %dma_start3A_219[%add3A_161, %dma_start3A_220] : memref<125x80xi32, #tpu.memory_space<vmem>> -> memref<1x80xi32, #tpu.memory_space<vmem>>
        %dma_start3A_222 = tpu.memref_squeeze %dma_start3A_221 : memref<1x80xi32, #tpu.memory_space<vmem>> -> memref<80xi32, #tpu.memory_space<vmem>>
        %dma_start3A_223 = arith.constant 0 : i32
        %dma_start3A_224 = arith.constant 0 : i32
        %dma_start3A_225 = tpu.memref_slice %arg10[%dma_start3A_223, %dma_start3A_224] : memref<10000x128xf32, #tpu.memory_space<vmem_shared>> -> memref<10000x128xf32, #tpu.memory_space<vmem_shared>>
        tpu.enqueue_indirect_dma source(%arg8 : memref<80x128xf32, #tpu.memory_space<vmem>>) target(%dma_start3A_225 : memref<10000x128xf32, #tpu.memory_space<vmem_shared>>) offsets(%dma_start3A_222 : memref<80xi32, #tpu.memory_space<vmem>>) semaphore(%arg17 : memref<!tpu.dma_semaphore, #tpu.memory_space<semaphore_mem>>) {add = true}
      } else {
      }
      %mul3A_182 = arith.constant 3 : i32
      %mul3A_183 = arith.muli %mul3A_182, %scan3A_138 : i32
      %add3A_184 = arith.constant 2 : i32
      %add3A_185 = arith.addi %mul3A_183, %add3A_184 : i32
      %ge3A_186 = arith.constant 2 : i32
      %ge3A_187 = arith.cmpi sge, %add3A_185, %ge3A_186 : i32
      %lt3A_188 = arith.constant 125 : i32
      %lt3A_189 = arith.cmpi slt, %add3A_185, %lt3A_188 : i32
      %and3A_190 = arith.andi %ge3A_187, %lt3A_189 : i1
      %convert_element_type3A_191 = arith.extui %and3A_190 : i1 to i32
      %cond3A_192 = arith.constant 0 : i32
      %cond3A_193 = arith.cmpi ne, %convert_element_type3A_191, %cond3A_192 : i32
      scf.if %cond3A_193 {
        %sub3A = arith.constant 2 : i32
        %sub3A_206 = arith.subi %add3A_185, %sub3A : i32
        %dma_wait3A_207 = arith.constant 0 : i32
        %dma_wait3A_208 = arith.constant 0 : i32
        %dma_wait3A_209 = tpu.memref_slice %arg6[%scan3A_99, %dma_wait3A_207, %dma_wait3A_208] : memref<2x125x80xi32, #tpu.memory_space<vmem>> -> memref<1x125x80xi32, #tpu.memory_space<vmem>>
        %dma_wait3A_210 = tpu.memref_squeeze %dma_wait3A_209 : memref<1x125x80xi32, #tpu.memory_space<vmem>> -> memref<125x80xi32, #tpu.memory_space<vmem>>
        %dma_wait3A_211 = arith.constant 0 : i32
        %dma_wait3A_212 = tpu.memref_slice %dma_wait3A_210[%sub3A_206, %dma_wait3A_211] : memref<125x80xi32, #tpu.memory_space<vmem>> -> memref<1x80xi32, #tpu.memory_space<vmem>>
        %dma_wait3A_213 = tpu.memref_squeeze %dma_wait3A_212 : memref<1x80xi32, #tpu.memory_space<vmem>> -> memref<80xi32, #tpu.memory_space<vmem>>
        %dma_wait3A_214 = arith.constant 0 : i32
        %dma_wait3A_215 = arith.constant 0 : i32
        %dma_wait3A_216 = tpu.memref_slice %arg10[%dma_wait3A_214, %dma_wait3A_215] : memref<10000x128xf32, #tpu.memory_space<vmem_shared>> -> memref<10000x128xf32, #tpu.memory_space<vmem_shared>>
        tpu.wait_indirect_dma semaphore(%arg16 : memref<!tpu.dma_semaphore, #tpu.memory_space<semaphore_mem>>) src(%arg7 : memref<80x128xf32, #tpu.memory_space<vmem>>) dst(%dma_wait3A_216 : memref<10000x128xf32, #tpu.memory_space<vmem_shared>>)
      } else {
      }
      %add3A_194 = arith.constant 1 : i32
      %add3A_195 = arith.addi %add3A_185, %add3A_194 : i32
      %lt3A_196 = arith.constant 125 : i32
      %lt3A_197 = arith.cmpi slt, %add3A_195, %lt3A_196 : i32
      %convert_element_type3A_198 = arith.extui %lt3A_197 : i1 to i32
      %cond3A_199 = arith.constant 0 : i32
      %cond3A_200 = arith.cmpi ne, %convert_element_type3A_198, %cond3A_199 : i32
      scf.if %cond3A_200 {
        %add3A_206 = arith.constant 1 : i32
        %add3A_207 = arith.addi %add3A_185, %add3A_206 : i32
        %dma_start3A_208 = arith.constant 0 : i32
        %dma_start3A_209 = arith.constant 0 : i32
        %dma_start3A_210 = tpu.memref_slice %arg6[%scan3A_100, %dma_start3A_208, %dma_start3A_209] : memref<2x125x80xi32, #tpu.memory_space<vmem>> -> memref<1x125x80xi32, #tpu.memory_space<vmem>>
        %dma_start3A_211 = tpu.memref_squeeze %dma_start3A_210 : memref<1x125x80xi32, #tpu.memory_space<vmem>> -> memref<125x80xi32, #tpu.memory_space<vmem>>
        %dma_start3A_212 = arith.constant 0 : i32
        %dma_start3A_213 = tpu.memref_slice %dma_start3A_211[%add3A_207, %dma_start3A_212] : memref<125x80xi32, #tpu.memory_space<vmem>> -> memref<1x80xi32, #tpu.memory_space<vmem>>
        %dma_start3A_214 = tpu.memref_squeeze %dma_start3A_213 : memref<1x80xi32, #tpu.memory_space<vmem>> -> memref<80xi32, #tpu.memory_space<vmem>>
        %dma_start3A_215 = arith.constant 0 : i32
        %dma_start3A_216 = arith.constant 0 : i32
        %dma_start3A_217 = tpu.memref_slice %arg3[%dma_start3A_215, %dma_start3A_216] : memref<10240x128xf32, #tpu.memory_space<hbm>> -> memref<10240x128xf32, #tpu.memory_space<hbm>>
        tpu.enqueue_indirect_dma source(%dma_start3A_217 : memref<10240x128xf32, #tpu.memory_space<hbm>>) target(%arg7 : memref<80x128xf32, #tpu.memory_space<vmem>>) offsets(%dma_start3A_214 : memref<80xi32, #tpu.memory_space<vmem>>) semaphore(%arg13 : memref<!tpu.dma_semaphore, #tpu.memory_space<semaphore_mem>>)
      } else {
      }
      %lt3A_201 = arith.constant 125 : i32
      %lt3A_202 = arith.cmpi slt, %add3A_185, %lt3A_201 : i32
      %convert_element_type3A_203 = arith.extui %lt3A_202 : i1 to i32
      %cond3A_204 = arith.constant 0 : i32
      %cond3A_205 = arith.cmpi ne, %convert_element_type3A_203, %cond3A_204 : i32
      scf.if %cond3A_205 {
        %dma_wait3A_206 = arith.constant 0 : i32
        %dma_wait3A_207 = arith.constant 0 : i32
        %dma_wait3A_208 = tpu.memref_slice %arg6[%scan3A_100, %dma_wait3A_206, %dma_wait3A_207] : memref<2x125x80xi32, #tpu.memory_space<vmem>> -> memref<1x125x80xi32, #tpu.memory_space<vmem>>
        %dma_wait3A_209 = tpu.memref_squeeze %dma_wait3A_208 : memref<1x125x80xi32, #tpu.memory_space<vmem>> -> memref<125x80xi32, #tpu.memory_space<vmem>>
        %dma_wait3A_210 = arith.constant 0 : i32
        %dma_wait3A_211 = tpu.memref_slice %dma_wait3A_209[%add3A_185, %dma_wait3A_210] : memref<125x80xi32, #tpu.memory_space<vmem>> -> memref<1x80xi32, #tpu.memory_space<vmem>>
        %dma_wait3A_212 = tpu.memref_squeeze %dma_wait3A_211 : memref<1x80xi32, #tpu.memory_space<vmem>> -> memref<80xi32, #tpu.memory_space<vmem>>
        %dma_wait3A_213 = arith.constant 0 : i32
        %dma_wait3A_214 = arith.constant 0 : i32
        %dma_wait3A_215 = tpu.memref_slice %arg3[%dma_wait3A_213, %dma_wait3A_214] : memref<10240x128xf32, #tpu.memory_space<hbm>> -> memref<10240x128xf32, #tpu.memory_space<hbm>>
        tpu.wait_indirect_dma semaphore(%arg15 : memref<!tpu.dma_semaphore, #tpu.memory_space<semaphore_mem>>) src(%dma_wait3A_215 : memref<10240x128xf32, #tpu.memory_space<hbm>>) dst(%arg9 : memref<80x128xf32, #tpu.memory_space<vmem>>)
        %dma_start3A_216 = arith.constant 0 : i32
        %dma_start3A_217 = arith.constant 0 : i32
        %dma_start3A_218 = tpu.memref_slice %arg6[%scan3A_99, %dma_start3A_216, %dma_start3A_217] : memref<2x125x80xi32, #tpu.memory_space<vmem>> -> memref<1x125x80xi32, #tpu.memory_space<vmem>>
        %dma_start3A_219 = tpu.memref_squeeze %dma_start3A_218 : memref<1x125x80xi32, #tpu.memory_space<vmem>> -> memref<125x80xi32, #tpu.memory_space<vmem>>
        %dma_start3A_220 = arith.constant 0 : i32
        %dma_start3A_221 = tpu.memref_slice %dma_start3A_219[%add3A_185, %dma_start3A_220] : memref<125x80xi32, #tpu.memory_space<vmem>> -> memref<1x80xi32, #tpu.memory_space<vmem>>
        %dma_start3A_222 = tpu.memref_squeeze %dma_start3A_221 : memref<1x80xi32, #tpu.memory_space<vmem>> -> memref<80xi32, #tpu.memory_space<vmem>>
        %dma_start3A_223 = arith.constant 0 : i32
        %dma_start3A_224 = arith.constant 0 : i32
        %dma_start3A_225 = tpu.memref_slice %arg10[%dma_start3A_223, %dma_start3A_224] : memref<10000x128xf32, #tpu.memory_space<vmem_shared>> -> memref<10000x128xf32, #tpu.memory_space<vmem_shared>>
        tpu.enqueue_indirect_dma source(%arg9 : memref<80x128xf32, #tpu.memory_space<vmem>>) target(%dma_start3A_225 : memref<10000x128xf32, #tpu.memory_space<vmem_shared>>) offsets(%dma_start3A_222 : memref<80xi32, #tpu.memory_space<vmem>>) semaphore(%arg18 : memref<!tpu.dma_semaphore, #tpu.memory_space<semaphore_mem>>) {add = true}
      } else {
      }
    }
    %scan3A_105 = arith.constant 42 : i32
    %dma_wait3A_106 = arith.constant 1 : i32
    %dma_wait3A_107 = arith.constant 123 : i32
    %dma_wait3A_108 = arith.constant 0 : i32
    %dma_wait3A_109 = arith.constant 0 : i32
    %dma_wait3A_110 = tpu.memref_slice %arg6[%dma_wait3A_106, %dma_wait3A_108, %dma_wait3A_109] : memref<2x125x80xi32, #tpu.memory_space<vmem>> -> memref<1x125x80xi32, #tpu.memory_space<vmem>>
    %dma_wait3A_111 = tpu.memref_squeeze %dma_wait3A_110 : memref<1x125x80xi32, #tpu.memory_space<vmem>> -> memref<125x80xi32, #tpu.memory_space<vmem>>
    %dma_wait3A_112 = arith.constant 0 : i32
    %dma_wait3A_113 = tpu.memref_slice %dma_wait3A_111[%dma_wait3A_107, %dma_wait3A_112] : memref<125x80xi32, #tpu.memory_space<vmem>> -> memref<1x80xi32, #tpu.memory_space<vmem>>
    %dma_wait3A_114 = tpu.memref_squeeze %dma_wait3A_113 : memref<1x80xi32, #tpu.memory_space<vmem>> -> memref<80xi32, #tpu.memory_space<vmem>>
    %dma_wait3A_115 = arith.constant 0 : i32
    %dma_wait3A_116 = arith.constant 0 : i32
    %dma_wait3A_117 = tpu.memref_slice %arg10[%dma_wait3A_115, %dma_wait3A_116] : memref<10000x128xf32, #tpu.memory_space<vmem_shared>> -> memref<10000x128xf32, #tpu.memory_space<vmem_shared>>
    tpu.wait_indirect_dma semaphore(%arg16 : memref<!tpu.dma_semaphore, #tpu.memory_space<semaphore_mem>>) src(%arg7 : memref<80x128xf32, #tpu.memory_space<vmem>>) dst(%dma_wait3A_117 : memref<10000x128xf32, #tpu.memory_space<vmem_shared>>)
    %dma_wait3A_118 = arith.constant 1 : i32
    %dma_wait3A_119 = arith.constant 124 : i32
    %dma_wait3A_120 = arith.constant 0 : i32
    %dma_wait3A_121 = arith.constant 0 : i32
    %dma_wait3A_122 = tpu.memref_slice %arg6[%dma_wait3A_118, %dma_wait3A_120, %dma_wait3A_121] : memref<2x125x80xi32, #tpu.memory_space<vmem>> -> memref<1x125x80xi32, #tpu.memory_space<vmem>>
    %dma_wait3A_123 = tpu.memref_squeeze %dma_wait3A_122 : memref<1x125x80xi32, #tpu.memory_space<vmem>> -> memref<125x80xi32, #tpu.memory_space<vmem>>
    %dma_wait3A_124 = arith.constant 0 : i32
    %dma_wait3A_125 = tpu.memref_slice %dma_wait3A_123[%dma_wait3A_119, %dma_wait3A_124] : memref<125x80xi32, #tpu.memory_space<vmem>> -> memref<1x80xi32, #tpu.memory_space<vmem>>
    %dma_wait3A_126 = tpu.memref_squeeze %dma_wait3A_125 : memref<1x80xi32, #tpu.memory_space<vmem>> -> memref<80xi32, #tpu.memory_space<vmem>>
    %dma_wait3A_127 = arith.constant 0 : i32
    %dma_wait3A_128 = arith.constant 0 : i32
    %dma_wait3A_129 = tpu.memref_slice %arg10[%dma_wait3A_127, %dma_wait3A_128] : memref<10000x128xf32, #tpu.memory_space<vmem_shared>> -> memref<10000x128xf32, #tpu.memory_space<vmem_shared>>
    tpu.wait_indirect_dma semaphore(%arg17 : memref<!tpu.dma_semaphore, #tpu.memory_space<semaphore_mem>>) src(%arg8 : memref<80x128xf32, #tpu.memory_space<vmem>>) dst(%dma_wait3A_129 : memref<10000x128xf32, #tpu.memory_space<vmem_shared>>)
    %barrier3A_130 = arith.constant 0 : index
    tpu.barrier barrier_id(%barrier3A_130)
    %mul3A_131 = arith.constant 625 : i32
    %mul3A_132 = arith.muli %arg1, %mul3A_131 : i32
    %mul3A_133 = arith.constant 10240 : i32
    %mul3A_134 = arith.muli %arg0, %mul3A_133 : i32
    %mul3A_135 = arith.constant 625 : i32
    %mul3A_136 = arith.muli %arg1, %mul3A_135 : i32
    %add3A_137 = arith.addi %mul3A_134, %mul3A_136 : i32
    "tpu.region"() ({
      %run_scoped3A = tpu.sem_alloc : memref<!tpu.dma_semaphore, #tpu.memory_space<semaphore_mem>>
      %dma_start3A_138 = arith.constant 0 : i32
      %dma_start3A_139 = tpu.memref_slice %arg5[%add3A_137, %dma_start3A_138] : memref<20480x128xf32, #tpu.memory_space<hbm>> -> memref<625x128xf32, #tpu.memory_space<hbm>>
      %dma_start3A_140 = arith.constant 0 : i32
      %dma_start3A_141 = tpu.memref_slice %arg10[%mul3A_132, %dma_start3A_140] : memref<10000x128xf32, #tpu.memory_space<vmem_shared>> -> memref<625x128xf32, #tpu.memory_space<vmem_shared>>
      tpu.enqueue_dma source(%dma_start3A_141 : memref<625x128xf32, #tpu.memory_space<vmem_shared>>) target(%dma_start3A_139 : memref<625x128xf32, #tpu.memory_space<hbm>>) target_semaphore(%run_scoped3A : memref<!tpu.dma_semaphore, #tpu.memory_space<semaphore_mem>>)
      %dma_wait3A_142 = arith.constant 0 : i32
      %dma_wait3A_143 = tpu.memref_slice %arg5[%add3A_137, %dma_wait3A_142] : memref<20480x128xf32, #tpu.memory_space<hbm>> -> memref<625x128xf32, #tpu.memory_space<hbm>>
      %dma_wait3A_144 = arith.constant 0 : i32
      %dma_wait3A_145 = tpu.memref_slice %arg10[%mul3A_132, %dma_wait3A_144] : memref<10000x128xf32, #tpu.memory_space<vmem_shared>> -> memref<625x128xf32, #tpu.memory_space<vmem_shared>>
      tpu.wait_dma2 semaphore(%run_scoped3A : memref<!tpu.dma_semaphore, #tpu.memory_space<semaphore_mem>>) src(%dma_wait3A_145 : memref<625x128xf32, #tpu.memory_space<vmem_shared>>) dst(%dma_wait3A_143 : memref<625x128xf32, #tpu.memory_space<hbm>>)
      tpu.yield
    }) : () -> ()
    return
  }
}

#map = affine_map<(d0, d1) -> (0, 0, 0, 0)>
#map1 = affine_map<(d0, d1) -> (0, 0)>
#map2 = affine_map<(d0, d1) -> (0, 0, 0)>
module attributes {stable_mosaic.version = 14 : i64} {
  func.func @body(%arg0: i32, %arg1: i32, %arg2: memref<2x32x125x80xi32, #tpu.memory_space<hbm>>, %arg3: memref<10240x128xf32, #tpu.memory_space<hbm>>, %arg4: memref<16x625x128xf32, #tpu.memory_space<hbm>>, %arg5: memref<20480x128xf32, #tpu.memory_space<hbm>>, %arg6: memref<2x125x80xi32, #tpu.memory_space<vmem>>, %arg7: memref<80x128xf32, #tpu.memory_space<vmem>>, %arg8: memref<80x128xf32, #tpu.memory_space<vmem>>, %arg9: memref<80x128xf32, #tpu.memory_space<vmem>>, %arg10: memref<10000x128xf32, #tpu.memory_space<vmem_shared>>, %arg11: memref<!tpu.dma_semaphore, #tpu.memory_space<semaphore_mem>>, %arg12: memref<!tpu.dma_semaphore, #tpu.memory_space<semaphore_mem>>, %arg13: memref<!tpu.dma_semaphore, #tpu.memory_space<semaphore_mem>>, %arg14: memref<!tpu.dma_semaphore, #tpu.memory_space<semaphore_mem>>, %arg15: memref<!tpu.dma_semaphore, #tpu.memory_space<semaphore_mem>>, %arg16: memref<!tpu.dma_semaphore, #tpu.memory_space<semaphore_mem>>, %arg17: memref<!tpu.dma_semaphore, #tpu.memory_space<semaphore_mem>>, %arg18: memref<!tpu.dma_semaphore, #tpu.memory_space<semaphore_mem>>) attributes {dimension_semantics = [#tpu.dimension_semantics<core_parallel>, #tpu.dimension_semantics<subcore_parallel>], iteration_bounds = array<i64: 2, 16>, scalar_prefetch = 0 : i64, scratch_operands = 13 : i64, tpu.core_type = #tpu.core_type<sc_vector_subcore>, window_params = [{transform_indices = #map}, {transform_indices = #map1}, {transform_indices = #map2}, {transform_indices = #map1}]} {
    %mul3A = arith.constant 16 : i32
    %mul3A_0 = arith.muli %arg0, %mul3A : i32
    %add3A = arith.addi %mul3A_0, %arg1 : i32
    %mul3A_1 = arith.constant 625 : i32
    %mul3A_2 = arith.muli %arg1, %mul3A_1 : i32
    %dma_start3A = arith.constant 0 : i32
    %dma_start3A_3 = tpu.memref_slice %arg10[%mul3A_2, %dma_start3A] : memref<10000x128xf32, #tpu.memory_space<vmem_shared>> -> memref<625x128xf32, #tpu.memory_space<vmem_shared>>
    %dma_start3A_4 = arith.constant 0 : i32
    %dma_start3A_5 = arith.constant 0 : i32
    %dma_start3A_6 = tpu.memref_slice %arg4[%arg1, %dma_start3A_4, %dma_start3A_5] : memref<16x625x128xf32, #tpu.memory_space<hbm>> -> memref<1x625x128xf32, #tpu.memory_space<hbm>>
    %dma_start3A_7 = tpu.memref_squeeze %dma_start3A_6 : memref<1x625x128xf32, #tpu.memory_space<hbm>> -> memref<625x128xf32, #tpu.memory_space<hbm>>
    tpu.enqueue_dma source(%dma_start3A_7 : memref<625x128xf32, #tpu.memory_space<hbm>>) target(%dma_start3A_3 : memref<625x128xf32, #tpu.memory_space<vmem_shared>>) target_semaphore(%arg11 : memref<!tpu.dma_semaphore, #tpu.memory_space<semaphore_mem>>)
    %dma_start3A_8 = arith.constant 0 : i32
    %dma_start3A_9 = arith.constant 0 : i32
    %dma_start3A_10 = arith.constant 0 : i32
    %dma_start3A_11 = arith.constant 0 : i32
    %dma_start3A_12 = tpu.memref_slice %arg6[%dma_start3A_9, %dma_start3A_10, %dma_start3A_11] : memref<2x125x80xi32, #tpu.memory_space<vmem>> -> memref<1x125x80xi32, #tpu.memory_space<vmem>>
    %dma_start3A_13 = tpu.memref_squeeze %dma_start3A_12 : memref<1x125x80xi32, #tpu.memory_space<vmem>> -> memref<125x80xi32, #tpu.memory_space<vmem>>
    %dma_start3A_14 = arith.constant 0 : i32
    %dma_start3A_15 = arith.constant 0 : i32
    %dma_start3A_16 = tpu.memref_slice %arg2[%dma_start3A_8, %add3A, %dma_start3A_14, %dma_start3A_15] : memref<2x32x125x80xi32, #tpu.memory_space<hbm>> -> memref<1x1x125x80xi32, #tpu.memory_space<hbm>>
    %dma_start3A_17 = tpu.memref_squeeze %dma_start3A_16 : memref<1x1x125x80xi32, #tpu.memory_space<hbm>> -> memref<125x80xi32, #tpu.memory_space<hbm>>
    %dma_start3A_18 = arith.constant 0 : i32
    %dma_start3A_19 = arith.constant 0 : i32
    %dma_start3A_20 = tpu.memref_slice %arg6[%dma_start3A_9, %dma_start3A_18, %dma_start3A_19] : memref<2x125x80xi32, #tpu.memory_space<vmem>> -> memref<1x125x80xi32, #tpu.memory_space<vmem>>
    %dma_start3A_21 = tpu.memref_squeeze %dma_start3A_20 : memref<1x125x80xi32, #tpu.memory_space<vmem>> -> memref<125x80xi32, #tpu.memory_space<vmem>>
    %dma_start3A_22 = arith.constant 0 : i32
    %dma_start3A_23 = arith.constant 0 : i32
    %dma_start3A_24 = tpu.memref_slice %arg2[%dma_start3A_8, %add3A, %dma_start3A_22, %dma_start3A_23] : memref<2x32x125x80xi32, #tpu.memory_space<hbm>> -> memref<1x1x125x80xi32, #tpu.memory_space<hbm>>
    %dma_start3A_25 = tpu.memref_squeeze %dma_start3A_24 : memref<1x1x125x80xi32, #tpu.memory_space<hbm>> -> memref<125x80xi32, #tpu.memory_space<hbm>>
    tpu.enqueue_dma source(%dma_start3A_25 : memref<125x80xi32, #tpu.memory_space<hbm>>) target(%dma_start3A_21 : memref<125x80xi32, #tpu.memory_space<vmem>>) target_semaphore(%arg12 : memref<!tpu.dma_semaphore, #tpu.memory_space<semaphore_mem>>)
    %dma_start3A_26 = arith.constant 1 : i32
    %dma_start3A_27 = arith.constant 1 : i32
    %dma_start3A_28 = arith.constant 0 : i32
    %dma_start3A_29 = arith.constant 0 : i32
    %dma_start3A_30 = tpu.memref_slice %arg6[%dma_start3A_27, %dma_start3A_28, %dma_start3A_29] : memref<2x125x80xi32, #tpu.memory_space<vmem>> -> memref<1x125x80xi32, #tpu.memory_space<vmem>>
    %dma_start3A_31 = tpu.memref_squeeze %dma_start3A_30 : memref<1x125x80xi32, #tpu.memory_space<vmem>> -> memref<125x80xi32, #tpu.memory_space<vmem>>
    %dma_start3A_32 = arith.constant 0 : i32
    %dma_start3A_33 = arith.constant 0 : i32
    %dma_start3A_34 = tpu.memref_slice %arg2[%dma_start3A_26, %add3A, %dma_start3A_32, %dma_start3A_33] : memref<2x32x125x80xi32, #tpu.memory_space<hbm>> -> memref<1x1x125x80xi32, #tpu.memory_space<hbm>>
    %dma_start3A_35 = tpu.memref_squeeze %dma_start3A_34 : memref<1x1x125x80xi32, #tpu.memory_space<hbm>> -> memref<125x80xi32, #tpu.memory_space<hbm>>
    %dma_start3A_36 = arith.constant 0 : i32
    %dma_start3A_37 = arith.constant 0 : i32
    %dma_start3A_38 = tpu.memref_slice %arg6[%dma_start3A_27, %dma_start3A_36, %dma_start3A_37] : memref<2x125x80xi32, #tpu.memory_space<vmem>> -> memref<1x125x80xi32, #tpu.memory_space<vmem>>
    %dma_start3A_39 = tpu.memref_squeeze %dma_start3A_38 : memref<1x125x80xi32, #tpu.memory_space<vmem>> -> memref<125x80xi32, #tpu.memory_space<vmem>>
    %dma_start3A_40 = arith.constant 0 : i32
    %dma_start3A_41 = arith.constant 0 : i32
    %dma_start3A_42 = tpu.memref_slice %arg2[%dma_start3A_26, %add3A, %dma_start3A_40, %dma_start3A_41] : memref<2x32x125x80xi32, #tpu.memory_space<hbm>> -> memref<1x1x125x80xi32, #tpu.memory_space<hbm>>
    %dma_start3A_43 = tpu.memref_squeeze %dma_start3A_42 : memref<1x1x125x80xi32, #tpu.memory_space<hbm>> -> memref<125x80xi32, #tpu.memory_space<hbm>>
    tpu.enqueue_dma source(%dma_start3A_43 : memref<125x80xi32, #tpu.memory_space<hbm>>) target(%dma_start3A_39 : memref<125x80xi32, #tpu.memory_space<vmem>>) target_semaphore(%arg12 : memref<!tpu.dma_semaphore, #tpu.memory_space<semaphore_mem>>)
    %dma_wait3A = arith.constant 0 : i32
    %dma_wait3A_44 = arith.constant 0 : i32
    %dma_wait3A_45 = arith.constant 0 : i32
    %dma_wait3A_46 = arith.constant 0 : i32
    %dma_wait3A_47 = tpu.memref_slice %arg6[%dma_wait3A_44, %dma_wait3A_45, %dma_wait3A_46] : memref<2x125x80xi32, #tpu.memory_space<vmem>> -> memref<1x125x80xi32, #tpu.memory_space<vmem>>
    %dma_wait3A_48 = tpu.memref_squeeze %dma_wait3A_47 : memref<1x125x80xi32, #tpu.memory_space<vmem>> -> memref<125x80xi32, #tpu.memory_space<vmem>>
    %dma_wait3A_49 = arith.constant 0 : i32
    %dma_wait3A_50 = arith.constant 0 : i32
    %dma_wait3A_51 = tpu.memref_slice %arg2[%dma_wait3A, %add3A, %dma_wait3A_49, %dma_wait3A_50] : memref<2x32x125x80xi32, #tpu.memory_space<hbm>> -> memref<1x1x125x80xi32, #tpu.memory_space<hbm>>
    %dma_wait3A_52 = tpu.memref_squeeze %dma_wait3A_51 : memref<1x1x125x80xi32, #tpu.memory_space<hbm>> -> memref<125x80xi32, #tpu.memory_space<hbm>>
    %dma_wait3A_53 = arith.constant 0 : i32
    %dma_wait3A_54 = arith.constant 0 : i32
    %dma_wait3A_55 = tpu.memref_slice %arg6[%dma_wait3A_44, %dma_wait3A_53, %dma_wait3A_54] : memref<2x125x80xi32, #tpu.memory_space<vmem>> -> memref<1x125x80xi32, #tpu.memory_space<vmem>>
    %dma_wait3A_56 = tpu.memref_squeeze %dma_wait3A_55 : memref<1x125x80xi32, #tpu.memory_space<vmem>> -> memref<125x80xi32, #tpu.memory_space<vmem>>
    %dma_wait3A_57 = arith.constant 0 : i32
    %dma_wait3A_58 = arith.constant 0 : i32
    %dma_wait3A_59 = tpu.memref_slice %arg2[%dma_wait3A, %add3A, %dma_wait3A_57, %dma_wait3A_58] : memref<2x32x125x80xi32, #tpu.memory_space<hbm>> -> memref<1x1x125x80xi32, #tpu.memory_space<hbm>>
    %dma_wait3A_60 = tpu.memref_squeeze %dma_wait3A_59 : memref<1x1x125x80xi32, #tpu.memory_space<hbm>> -> memref<125x80xi32, #tpu.memory_space<hbm>>
    tpu.wait_dma2 semaphore(%arg12 : memref<!tpu.dma_semaphore, #tpu.memory_space<semaphore_mem>>) src(%dma_wait3A_60 : memref<125x80xi32, #tpu.memory_space<hbm>>) dst(%dma_wait3A_56 : memref<125x80xi32, #tpu.memory_space<vmem>>)
    %dma_wait3A_61 = arith.constant 1 : i32
    %dma_wait3A_62 = arith.constant 1 : i32
    %dma_wait3A_63 = arith.constant 0 : i32
    %dma_wait3A_64 = arith.constant 0 : i32
    %dma_wait3A_65 = tpu.memref_slice %arg6[%dma_wait3A_62, %dma_wait3A_63, %dma_wait3A_64] : memref<2x125x80xi32, #tpu.memory_space<vmem>> -> memref<1x125x80xi32, #tpu.memory_space<vmem>>
    %dma_wait3A_66 = tpu.memref_squeeze %dma_wait3A_65 : memref<1x125x80xi32, #tpu.memory_space<vmem>> -> memref<125x80xi32, #tpu.memory_space<vmem>>
    %dma_wait3A_67 = arith.constant 0 : i32
    %dma_wait3A_68 = arith.constant 0 : i32
    %dma_wait3A_69 = tpu.memref_slice %arg2[%dma_wait3A_61, %add3A, %dma_wait3A_67, %dma_wait3A_68] : memref<2x32x125x80xi32, #tpu.memory_space<hbm>> -> memref<1x1x125x80xi32, #tpu.memory_space<hbm>>
    %dma_wait3A_70 = tpu.memref_squeeze %dma_wait3A_69 : memref<1x1x125x80xi32, #tpu.memory_space<hbm>> -> memref<125x80xi32, #tpu.memory_space<hbm>>
    %dma_wait3A_71 = arith.constant 0 : i32
    %dma_wait3A_72 = arith.constant 0 : i32
    %dma_wait3A_73 = tpu.memref_slice %arg6[%dma_wait3A_62, %dma_wait3A_71, %dma_wait3A_72] : memref<2x125x80xi32, #tpu.memory_space<vmem>> -> memref<1x125x80xi32, #tpu.memory_space<vmem>>
    %dma_wait3A_74 = tpu.memref_squeeze %dma_wait3A_73 : memref<1x125x80xi32, #tpu.memory_space<vmem>> -> memref<125x80xi32, #tpu.memory_space<vmem>>
    %dma_wait3A_75 = arith.constant 0 : i32
    %dma_wait3A_76 = arith.constant 0 : i32
    %dma_wait3A_77 = tpu.memref_slice %arg2[%dma_wait3A_61, %add3A, %dma_wait3A_75, %dma_wait3A_76] : memref<2x32x125x80xi32, #tpu.memory_space<hbm>> -> memref<1x1x125x80xi32, #tpu.memory_space<hbm>>
    %dma_wait3A_78 = tpu.memref_squeeze %dma_wait3A_77 : memref<1x1x125x80xi32, #tpu.memory_space<hbm>> -> memref<125x80xi32, #tpu.memory_space<hbm>>
    tpu.wait_dma2 semaphore(%arg12 : memref<!tpu.dma_semaphore, #tpu.memory_space<semaphore_mem>>) src(%dma_wait3A_78 : memref<125x80xi32, #tpu.memory_space<hbm>>) dst(%dma_wait3A_74 : memref<125x80xi32, #tpu.memory_space<vmem>>)
    %mul3A_79 = arith.constant 625 : i32
    %mul3A_80 = arith.muli %arg1, %mul3A_79 : i32
    %dma_wait3A_81 = arith.constant 0 : i32
    %dma_wait3A_82 = tpu.memref_slice %arg10[%mul3A_80, %dma_wait3A_81] : memref<10000x128xf32, #tpu.memory_space<vmem_shared>> -> memref<625x128xf32, #tpu.memory_space<vmem_shared>>
    %dma_wait3A_83 = arith.constant 0 : i32
    %dma_wait3A_84 = arith.constant 0 : i32
    %dma_wait3A_85 = tpu.memref_slice %arg4[%arg1, %dma_wait3A_83, %dma_wait3A_84] : memref<16x625x128xf32, #tpu.memory_space<hbm>> -> memref<1x625x128xf32, #tpu.memory_space<hbm>>
    %dma_wait3A_86 = tpu.memref_squeeze %dma_wait3A_85 : memref<1x625x128xf32, #tpu.memory_space<hbm>> -> memref<625x128xf32, #tpu.memory_space<hbm>>
    tpu.wait_dma2 semaphore(%arg11 : memref<!tpu.dma_semaphore, #tpu.memory_space<semaphore_mem>>) src(%dma_wait3A_86 : memref<625x128xf32, #tpu.memory_space<hbm>>) dst(%dma_wait3A_82 : memref<625x128xf32, #tpu.memory_space<vmem_shared>>)
    %barrier3A = arith.constant 0 : index
    tpu.barrier barrier_id(%barrier3A)
    %dma_start3A_87 = arith.constant 0 : i32
    %dma_start3A_88 = arith.constant 0 : i32
    %dma_start3A_89 = arith.constant 0 : i32
    %dma_start3A_90 = arith.constant 0 : i32
    %dma_start3A_91 = tpu.memref_slice %arg6[%dma_start3A_87, %dma_start3A_89, %dma_start3A_90] : memref<2x125x80xi32, #tpu.memory_space<vmem>> -> memref<1x125x80xi32, #tpu.memory_space<vmem>>
    %dma_start3A_92 = tpu.memref_squeeze %dma_start3A_91 : memref<1x125x80xi32, #tpu.memory_space<vmem>> -> memref<125x80xi32, #tpu.memory_space<vmem>>
    %dma_start3A_93 = arith.constant 0 : i32
    %dma_start3A_94 = tpu.memref_slice %dma_start3A_92[%dma_start3A_88, %dma_start3A_93] : memref<125x80xi32, #tpu.memory_space<vmem>> -> memref<1x80xi32, #tpu.memory_space<vmem>>
    %dma_start3A_95 = tpu.memref_squeeze %dma_start3A_94 : memref<1x80xi32, #tpu.memory_space<vmem>> -> memref<80xi32, #tpu.memory_space<vmem>>
    %dma_start3A_96 = arith.constant 0 : i32
    %dma_start3A_97 = arith.constant 0 : i32
    %dma_start3A_98 = tpu.memref_slice %arg3[%dma_start3A_96, %dma_start3A_97] : memref<10240x128xf32, #tpu.memory_space<hbm>> -> memref<10240x128xf32, #tpu.memory_space<hbm>>
    tpu.enqueue_indirect_dma source(%dma_start3A_98 : memref<10240x128xf32, #tpu.memory_space<hbm>>) target(%arg7 : memref<80x128xf32, #tpu.memory_space<vmem>>) offsets(%dma_start3A_95 : memref<80xi32, #tpu.memory_space<vmem>>) semaphore(%arg13 : memref<!tpu.dma_semaphore, #tpu.memory_space<semaphore_mem>>)
    %scan3A = arith.constant 0 : i32
    %scan3A_99 = arith.constant 1 : i32
    %scan3A_100 = arith.constant 0 : i32
    %scan3A_101 = arith.constant 0 : i32
    %scan3A_102 = arith.constant 42 : i32
    %scan3A_103 = arith.addi %scan3A_101, %scan3A_102 : i32
    %scan3A_104 = arith.constant 1 : i32
    scf.for %scan3A_138 = %scan3A_101 to %scan3A_103 step %scan3A_104  : i32 {
      %mul3A_139 = arith.constant 3 : i32
      %mul3A_140 = arith.muli %mul3A_139, %scan3A_138 : i32
      %add3A_141 = arith.constant 0 : i32
      %add3A_142 = arith.addi %mul3A_140, %add3A_141 : i32
      %ge3A = arith.constant 2 : i32
      %ge3A_143 = arith.cmpi sge, %add3A_142, %ge3A : i32
      %lt3A = arith.constant 125 : i32
      %lt3A_144 = arith.cmpi slt, %add3A_142, %lt3A : i32
      %and3A = arith.andi %ge3A_143, %lt3A_144 : i1
      %convert_element_type3A = arith.extui %and3A : i1 to i32
      %cond3A = arith.constant 0 : i32
      %cond3A_145 = arith.cmpi ne, %convert_element_type3A, %cond3A : i32
      scf.if %cond3A_145 {
        %sub3A = arith.constant 2 : i32
        %sub3A_206 = arith.subi %add3A_142, %sub3A : i32
        %dma_wait3A_207 = arith.constant 0 : i32
        %dma_wait3A_208 = arith.constant 0 : i32
        %dma_wait3A_209 = tpu.memref_slice %arg6[%scan3A_99, %dma_wait3A_207, %dma_wait3A_208] : memref<2x125x80xi32, #tpu.memory_space<vmem>> -> memref<1x125x80xi32, #tpu.memory_space<vmem>>
        %dma_wait3A_210 = tpu.memref_squeeze %dma_wait3A_209 : memref<1x125x80xi32, #tpu.memory_space<vmem>> -> memref<125x80xi32, #tpu.memory_space<vmem>>
        %dma_wait3A_211 = arith.constant 0 : i32
        %dma_wait3A_212 = tpu.memref_slice %dma_wait3A_210[%sub3A_206, %dma_wait3A_211] : memref<125x80xi32, #tpu.memory_space<vmem>> -> memref<1x80xi32, #tpu.memory_space<vmem>>
        %dma_wait3A_213 = tpu.memref_squeeze %dma_wait3A_212 : memref<1x80xi32, #tpu.memory_space<vmem>> -> memref<80xi32, #tpu.memory_space<vmem>>
        %dma_wait3A_214 = arith.constant 0 : i32
        %dma_wait3A_215 = arith.constant 0 : i32
        %dma_wait3A_216 = tpu.memref_slice %arg10[%dma_wait3A_214, %dma_wait3A_215] : memref<10000x128xf32, #tpu.memory_space<vmem_shared>> -> memref<10000x128xf32, #tpu.memory_space<vmem_shared>>
        tpu.wait_indirect_dma semaphore(%arg17 : memref<!tpu.dma_semaphore, #tpu.memory_space<semaphore_mem>>) src(%arg8 : memref<80x128xf32, #tpu.memory_space<vmem>>) dst(%dma_wait3A_216 : memref<10000x128xf32, #tpu.memory_space<vmem_shared>>)
      } else {
      }
      %add3A_146 = arith.constant 1 : i32
      %add3A_147 = arith.addi %add3A_142, %add3A_146 : i32
      %lt3A_148 = arith.constant 125 : i32
      %lt3A_149 = arith.cmpi slt, %add3A_147, %lt3A_148 : i32
      %convert_element_type3A_150 = arith.extui %lt3A_149 : i1 to i32
      %cond3A_151 = arith.constant 0 : i32
      %cond3A_152 = arith.cmpi ne, %convert_element_type3A_150, %cond3A_151 : i32
      scf.if %cond3A_152 {
        %add3A_206 = arith.constant 1 : i32
        %add3A_207 = arith.addi %add3A_142, %add3A_206 : i32
        %dma_start3A_208 = arith.constant 0 : i32
        %dma_start3A_209 = arith.constant 0 : i32
        %dma_start3A_210 = tpu.memref_slice %arg6[%scan3A_100, %dma_start3A_208, %dma_start3A_209] : memref<2x125x80xi32, #tpu.memory_space<vmem>> -> memref<1x125x80xi32, #tpu.memory_space<vmem>>
        %dma_start3A_211 = tpu.memref_squeeze %dma_start3A_210 : memref<1x125x80xi32, #tpu.memory_space<vmem>> -> memref<125x80xi32, #tpu.memory_space<vmem>>
        %dma_start3A_212 = arith.constant 0 : i32
        %dma_start3A_213 = tpu.memref_slice %dma_start3A_211[%add3A_207, %dma_start3A_212] : memref<125x80xi32, #tpu.memory_space<vmem>> -> memref<1x80xi32, #tpu.memory_space<vmem>>
        %dma_start3A_214 = tpu.memref_squeeze %dma_start3A_213 : memref<1x80xi32, #tpu.memory_space<vmem>> -> memref<80xi32, #tpu.memory_space<vmem>>
        %dma_start3A_215 = arith.constant 0 : i32
        %dma_start3A_216 = arith.constant 0 : i32
        %dma_start3A_217 = tpu.memref_slice %arg3[%dma_start3A_215, %dma_start3A_216] : memref<10240x128xf32, #tpu.memory_space<hbm>> -> memref<10240x128xf32, #tpu.memory_space<hbm>>
        tpu.enqueue_indirect_dma source(%dma_start3A_217 : memref<10240x128xf32, #tpu.memory_space<hbm>>) target(%arg8 : memref<80x128xf32, #tpu.memory_space<vmem>>) offsets(%dma_start3A_214 : memref<80xi32, #tpu.memory_space<vmem>>) semaphore(%arg14 : memref<!tpu.dma_semaphore, #tpu.memory_space<semaphore_mem>>)
      } else {
      }
      %lt3A_153 = arith.constant 125 : i32
      %lt3A_154 = arith.cmpi slt, %add3A_142, %lt3A_153 : i32
      %convert_element_type3A_155 = arith.extui %lt3A_154 : i1 to i32
      %cond3A_156 = arith.constant 0 : i32
      %cond3A_157 = arith.cmpi ne, %convert_element_type3A_155, %cond3A_156 : i32
      scf.if %cond3A_157 {
        %dma_wait3A_206 = arith.constant 0 : i32
        %dma_wait3A_207 = arith.constant 0 : i32
        %dma_wait3A_208 = tpu.memref_slice %arg6[%scan3A_100, %dma_wait3A_206, %dma_wait3A_207] : memref<2x125x80xi32, #tpu.memory_space<vmem>> -> memref<1x125x80xi32, #tpu.memory_space<vmem>>
        %dma_wait3A_209 = tpu.memref_squeeze %dma_wait3A_208 : memref<1x125x80xi32, #tpu.memory_space<vmem>> -> memref<125x80xi32, #tpu.memory_space<vmem>>
        %dma_wait3A_210 = arith.constant 0 : i32
        %dma_wait3A_211 = tpu.memref_slice %dma_wait3A_209[%add3A_142, %dma_wait3A_210] : memref<125x80xi32, #tpu.memory_space<vmem>> -> memref<1x80xi32, #tpu.memory_space<vmem>>
        %dma_wait3A_212 = tpu.memref_squeeze %dma_wait3A_211 : memref<1x80xi32, #tpu.memory_space<vmem>> -> memref<80xi32, #tpu.memory_space<vmem>>
        %dma_wait3A_213 = arith.constant 0 : i32
        %dma_wait3A_214 = arith.constant 0 : i32
        %dma_wait3A_215 = tpu.memref_slice %arg3[%dma_wait3A_213, %dma_wait3A_214] : memref<10240x128xf32, #tpu.memory_space<hbm>> -> memref<10240x128xf32, #tpu.memory_space<hbm>>
        tpu.wait_indirect_dma semaphore(%arg13 : memref<!tpu.dma_semaphore, #tpu.memory_space<semaphore_mem>>) src(%dma_wait3A_215 : memref<10240x128xf32, #tpu.memory_space<hbm>>) dst(%arg7 : memref<80x128xf32, #tpu.memory_space<vmem>>)
        %dma_start3A_216 = arith.constant 0 : i32
        %dma_start3A_217 = arith.constant 0 : i32
        %dma_start3A_218 = tpu.memref_slice %arg6[%scan3A_99, %dma_start3A_216, %dma_start3A_217] : memref<2x125x80xi32, #tpu.memory_space<vmem>> -> memref<1x125x80xi32, #tpu.memory_space<vmem>>
        %dma_start3A_219 = tpu.memref_squeeze %dma_start3A_218 : memref<1x125x80xi32, #tpu.memory_space<vmem>> -> memref<125x80xi32, #tpu.memory_space<vmem>>
        %dma_start3A_220 = arith.constant 0 : i32
        %dma_start3A_221 = tpu.memref_slice %dma_start3A_219[%add3A_142, %dma_start3A_220] : memref<125x80xi32, #tpu.memory_space<vmem>> -> memref<1x80xi32, #tpu.memory_space<vmem>>
        %dma_start3A_222 = tpu.memref_squeeze %dma_start3A_221 : memref<1x80xi32, #tpu.memory_space<vmem>> -> memref<80xi32, #tpu.memory_space<vmem>>
        %dma_start3A_223 = arith.constant 0 : i32
        %dma_start3A_224 = arith.constant 0 : i32
        %dma_start3A_225 = tpu.memref_slice %arg10[%dma_start3A_223, %dma_start3A_224] : memref<10000x128xf32, #tpu.memory_space<vmem_shared>> -> memref<10000x128xf32, #tpu.memory_space<vmem_shared>>
        tpu.enqueue_indirect_dma source(%arg7 : memref<80x128xf32, #tpu.memory_space<vmem>>) target(%dma_start3A_225 : memref<10000x128xf32, #tpu.memory_space<vmem_shared>>) offsets(%dma_start3A_222 : memref<80xi32, #tpu.memory_space<vmem>>) semaphore(%arg16 : memref<!tpu.dma_semaphore, #tpu.memory_space<semaphore_mem>>) {add = true}
      } else {
      }
      %mul3A_158 = arith.constant 3 : i32
      %mul3A_159 = arith.muli %mul3A_158, %scan3A_138 : i32
      %add3A_160 = arith.constant 1 : i32
      %add3A_161 = arith.addi %mul3A_159, %add3A_160 : i32
      %ge3A_162 = arith.constant 2 : i32
      %ge3A_163 = arith.cmpi sge, %add3A_161, %ge3A_162 : i32
      %lt3A_164 = arith.constant 125 : i32
      %lt3A_165 = arith.cmpi slt, %add3A_161, %lt3A_164 : i32
      %and3A_166 = arith.andi %ge3A_163, %lt3A_165 : i1
      %convert_element_type3A_167 = arith.extui %and3A_166 : i1 to i32
      %cond3A_168 = arith.constant 0 : i32
      %cond3A_169 = arith.cmpi ne, %convert_element_type3A_167, %cond3A_168 : i32
      scf.if %cond3A_169 {
        %sub3A = arith.constant 2 : i32
        %sub3A_206 = arith.subi %add3A_161, %sub3A : i32
        %dma_wait3A_207 = arith.constant 0 : i32
        %dma_wait3A_208 = arith.constant 0 : i32
        %dma_wait3A_209 = tpu.memref_slice %arg6[%scan3A_99, %dma_wait3A_207, %dma_wait3A_208] : memref<2x125x80xi32, #tpu.memory_space<vmem>> -> memref<1x125x80xi32, #tpu.memory_space<vmem>>
        %dma_wait3A_210 = tpu.memref_squeeze %dma_wait3A_209 : memref<1x125x80xi32, #tpu.memory_space<vmem>> -> memref<125x80xi32, #tpu.memory_space<vmem>>
        %dma_wait3A_211 = arith.constant 0 : i32
        %dma_wait3A_212 = tpu.memref_slice %dma_wait3A_210[%sub3A_206, %dma_wait3A_211] : memref<125x80xi32, #tpu.memory_space<vmem>> -> memref<1x80xi32, #tpu.memory_space<vmem>>
        %dma_wait3A_213 = tpu.memref_squeeze %dma_wait3A_212 : memref<1x80xi32, #tpu.memory_space<vmem>> -> memref<80xi32, #tpu.memory_space<vmem>>
        %dma_wait3A_214 = arith.constant 0 : i32
        %dma_wait3A_215 = arith.constant 0 : i32
        %dma_wait3A_216 = tpu.memref_slice %arg10[%dma_wait3A_214, %dma_wait3A_215] : memref<10000x128xf32, #tpu.memory_space<vmem_shared>> -> memref<10000x128xf32, #tpu.memory_space<vmem_shared>>
        tpu.wait_indirect_dma semaphore(%arg18 : memref<!tpu.dma_semaphore, #tpu.memory_space<semaphore_mem>>) src(%arg9 : memref<80x128xf32, #tpu.memory_space<vmem>>) dst(%dma_wait3A_216 : memref<10000x128xf32, #tpu.memory_space<vmem_shared>>)
      } else {
      }
      %add3A_170 = arith.constant 1 : i32
      %add3A_171 = arith.addi %add3A_161, %add3A_170 : i32
      %lt3A_172 = arith.constant 125 : i32
      %lt3A_173 = arith.cmpi slt, %add3A_171, %lt3A_172 : i32
      %convert_element_type3A_174 = arith.extui %lt3A_173 : i1 to i32
      %cond3A_175 = arith.constant 0 : i32
      %cond3A_176 = arith.cmpi ne, %convert_element_type3A_174, %cond3A_175 : i32
      scf.if %cond3A_176 {
        %add3A_206 = arith.constant 1 : i32
        %add3A_207 = arith.addi %add3A_161, %add3A_206 : i32
        %dma_start3A_208 = arith.constant 0 : i32
        %dma_start3A_209 = arith.constant 0 : i32
        %dma_start3A_210 = tpu.memref_slice %arg6[%scan3A_100, %dma_start3A_208, %dma_start3A_209] : memref<2x125x80xi32, #tpu.memory_space<vmem>> -> memref<1x125x80xi32, #tpu.memory_space<vmem>>
        %dma_start3A_211 = tpu.memref_squeeze %dma_start3A_210 : memref<1x125x80xi32, #tpu.memory_space<vmem>> -> memref<125x80xi32, #tpu.memory_space<vmem>>
        %dma_start3A_212 = arith.constant 0 : i32
        %dma_start3A_213 = tpu.memref_slice %dma_start3A_211[%add3A_207, %dma_start3A_212] : memref<125x80xi32, #tpu.memory_space<vmem>> -> memref<1x80xi32, #tpu.memory_space<vmem>>
        %dma_start3A_214 = tpu.memref_squeeze %dma_start3A_213 : memref<1x80xi32, #tpu.memory_space<vmem>> -> memref<80xi32, #tpu.memory_space<vmem>>
        %dma_start3A_215 = arith.constant 0 : i32
        %dma_start3A_216 = arith.constant 0 : i32
        %dma_start3A_217 = tpu.memref_slice %arg3[%dma_start3A_215, %dma_start3A_216] : memref<10240x128xf32, #tpu.memory_space<hbm>> -> memref<10240x128xf32, #tpu.memory_space<hbm>>
        tpu.enqueue_indirect_dma source(%dma_start3A_217 : memref<10240x128xf32, #tpu.memory_space<hbm>>) target(%arg9 : memref<80x128xf32, #tpu.memory_space<vmem>>) offsets(%dma_start3A_214 : memref<80xi32, #tpu.memory_space<vmem>>) semaphore(%arg15 : memref<!tpu.dma_semaphore, #tpu.memory_space<semaphore_mem>>)
      } else {
      }
      %lt3A_177 = arith.constant 125 : i32
      %lt3A_178 = arith.cmpi slt, %add3A_161, %lt3A_177 : i32
      %convert_element_type3A_179 = arith.extui %lt3A_178 : i1 to i32
      %cond3A_180 = arith.constant 0 : i32
      %cond3A_181 = arith.cmpi ne, %convert_element_type3A_179, %cond3A_180 : i32
      scf.if %cond3A_181 {
        %dma_wait3A_206 = arith.constant 0 : i32
        %dma_wait3A_207 = arith.constant 0 : i32
        %dma_wait3A_208 = tpu.memref_slice %arg6[%scan3A_100, %dma_wait3A_206, %dma_wait3A_207] : memref<2x125x80xi32, #tpu.memory_space<vmem>> -> memref<1x125x80xi32, #tpu.memory_space<vmem>>
        %dma_wait3A_209 = tpu.memref_squeeze %dma_wait3A_208 : memref<1x125x80xi32, #tpu.memory_space<vmem>> -> memref<125x80xi32, #tpu.memory_space<vmem>>
        %dma_wait3A_210 = arith.constant 0 : i32
        %dma_wait3A_211 = tpu.memref_slice %dma_wait3A_209[%add3A_161, %dma_wait3A_210] : memref<125x80xi32, #tpu.memory_space<vmem>> -> memref<1x80xi32, #tpu.memory_space<vmem>>
        %dma_wait3A_212 = tpu.memref_squeeze %dma_wait3A_211 : memref<1x80xi32, #tpu.memory_space<vmem>> -> memref<80xi32, #tpu.memory_space<vmem>>
        %dma_wait3A_213 = arith.constant 0 : i32
        %dma_wait3A_214 = arith.constant 0 : i32
        %dma_wait3A_215 = tpu.memref_slice %arg3[%dma_wait3A_213, %dma_wait3A_214] : memref<10240x128xf32, #tpu.memory_space<hbm>> -> memref<10240x128xf32, #tpu.memory_space<hbm>>
        tpu.wait_indirect_dma semaphore(%arg14 : memref<!tpu.dma_semaphore, #tpu.memory_space<semaphore_mem>>) src(%dma_wait3A_215 : memref<10240x128xf32, #tpu.memory_space<hbm>>) dst(%arg8 : memref<80x128xf32, #tpu.memory_space<vmem>>)
        %dma_start3A_216 = arith.constant 0 : i32
        %dma_start3A_217 = arith.constant 0 : i32
        %dma_start3A_218 = tpu.memref_slice %arg6[%scan3A_99, %dma_start3A_216, %dma_start3A_217] : memref<2x125x80xi32, #tpu.memory_space<vmem>> -> memref<1x125x80xi32, #tpu.memory_space<vmem>>
        %dma_start3A_219 = tpu.memref_squeeze %dma_start3A_218 : memref<1x125x80xi32, #tpu.memory_space<vmem>> -> memref<125x80xi32, #tpu.memory_space<vmem>>
        %dma_start3A_220 = arith.constant 0 : i32
        %dma_start3A_221 = tpu.memref_slice %dma_start3A_219[%add3A_161, %dma_start3A_220] : memref<125x80xi32, #tpu.memory_space<vmem>> -> memref<1x80xi32, #tpu.memory_space<vmem>>
        %dma_start3A_222 = tpu.memref_squeeze %dma_start3A_221 : memref<1x80xi32, #tpu.memory_space<vmem>> -> memref<80xi32, #tpu.memory_space<vmem>>
        %dma_start3A_223 = arith.constant 0 : i32
        %dma_start3A_224 = arith.constant 0 : i32
        %dma_start3A_225 = tpu.memref_slice %arg10[%dma_start3A_223, %dma_start3A_224] : memref<10000x128xf32, #tpu.memory_space<vmem_shared>> -> memref<10000x128xf32, #tpu.memory_space<vmem_shared>>
        tpu.enqueue_indirect_dma source(%arg8 : memref<80x128xf32, #tpu.memory_space<vmem>>) target(%dma_start3A_225 : memref<10000x128xf32, #tpu.memory_space<vmem_shared>>) offsets(%dma_start3A_222 : memref<80xi32, #tpu.memory_space<vmem>>) semaphore(%arg17 : memref<!tpu.dma_semaphore, #tpu.memory_space<semaphore_mem>>) {add = true}
      } else {
      }
      %mul3A_182 = arith.constant 3 : i32
      %mul3A_183 = arith.muli %mul3A_182, %scan3A_138 : i32
      %add3A_184 = arith.constant 2 : i32
      %add3A_185 = arith.addi %mul3A_183, %add3A_184 : i32
      %ge3A_186 = arith.constant 2 : i32
      %ge3A_187 = arith.cmpi sge, %add3A_185, %ge3A_186 : i32
      %lt3A_188 = arith.constant 125 : i32
      %lt3A_189 = arith.cmpi slt, %add3A_185, %lt3A_188 : i32
      %and3A_190 = arith.andi %ge3A_187, %lt3A_189 : i1
      %convert_element_type3A_191 = arith.extui %and3A_190 : i1 to i32
      %cond3A_192 = arith.constant 0 : i32
      %cond3A_193 = arith.cmpi ne, %convert_element_type3A_191, %cond3A_192 : i32
      scf.if %cond3A_193 {
        %sub3A = arith.constant 2 : i32
        %sub3A_206 = arith.subi %add3A_185, %sub3A : i32
        %dma_wait3A_207 = arith.constant 0 : i32
        %dma_wait3A_208 = arith.constant 0 : i32
        %dma_wait3A_209 = tpu.memref_slice %arg6[%scan3A_99, %dma_wait3A_207, %dma_wait3A_208] : memref<2x125x80xi32, #tpu.memory_space<vmem>> -> memref<1x125x80xi32, #tpu.memory_space<vmem>>
        %dma_wait3A_210 = tpu.memref_squeeze %dma_wait3A_209 : memref<1x125x80xi32, #tpu.memory_space<vmem>> -> memref<125x80xi32, #tpu.memory_space<vmem>>
        %dma_wait3A_211 = arith.constant 0 : i32
        %dma_wait3A_212 = tpu.memref_slice %dma_wait3A_210[%sub3A_206, %dma_wait3A_211] : memref<125x80xi32, #tpu.memory_space<vmem>> -> memref<1x80xi32, #tpu.memory_space<vmem>>
        %dma_wait3A_213 = tpu.memref_squeeze %dma_wait3A_212 : memref<1x80xi32, #tpu.memory_space<vmem>> -> memref<80xi32, #tpu.memory_space<vmem>>
        %dma_wait3A_214 = arith.constant 0 : i32
        %dma_wait3A_215 = arith.constant 0 : i32
        %dma_wait3A_216 = tpu.memref_slice %arg10[%dma_wait3A_214, %dma_wait3A_215] : memref<10000x128xf32, #tpu.memory_space<vmem_shared>> -> memref<10000x128xf32, #tpu.memory_space<vmem_shared>>
        tpu.wait_indirect_dma semaphore(%arg16 : memref<!tpu.dma_semaphore, #tpu.memory_space<semaphore_mem>>) src(%arg7 : memref<80x128xf32, #tpu.memory_space<vmem>>) dst(%dma_wait3A_216 : memref<10000x128xf32, #tpu.memory_space<vmem_shared>>)
      } else {
      }
      %add3A_194 = arith.constant 1 : i32
      %add3A_195 = arith.addi %add3A_185, %add3A_194 : i32
      %lt3A_196 = arith.constant 125 : i32
      %lt3A_197 = arith.cmpi slt, %add3A_195, %lt3A_196 : i32
      %convert_element_type3A_198 = arith.extui %lt3A_197 : i1 to i32
      %cond3A_199 = arith.constant 0 : i32
      %cond3A_200 = arith.cmpi ne, %convert_element_type3A_198, %cond3A_199 : i32
      scf.if %cond3A_200 {
        %add3A_206 = arith.constant 1 : i32
        %add3A_207 = arith.addi %add3A_185, %add3A_206 : i32
        %dma_start3A_208 = arith.constant 0 : i32
        %dma_start3A_209 = arith.constant 0 : i32
        %dma_start3A_210 = tpu.memref_slice %arg6[%scan3A_100, %dma_start3A_208, %dma_start3A_209] : memref<2x125x80xi32, #tpu.memory_space<vmem>> -> memref<1x125x80xi32, #tpu.memory_space<vmem>>
        %dma_start3A_211 = tpu.memref_squeeze %dma_start3A_210 : memref<1x125x80xi32, #tpu.memory_space<vmem>> -> memref<125x80xi32, #tpu.memory_space<vmem>>
        %dma_start3A_212 = arith.constant 0 : i32
        %dma_start3A_213 = tpu.memref_slice %dma_start3A_211[%add3A_207, %dma_start3A_212] : memref<125x80xi32, #tpu.memory_space<vmem>> -> memref<1x80xi32, #tpu.memory_space<vmem>>
        %dma_start3A_214 = tpu.memref_squeeze %dma_start3A_213 : memref<1x80xi32, #tpu.memory_space<vmem>> -> memref<80xi32, #tpu.memory_space<vmem>>
        %dma_start3A_215 = arith.constant 0 : i32
        %dma_start3A_216 = arith.constant 0 : i32
        %dma_start3A_217 = tpu.memref_slice %arg3[%dma_start3A_215, %dma_start3A_216] : memref<10240x128xf32, #tpu.memory_space<hbm>> -> memref<10240x128xf32, #tpu.memory_space<hbm>>
        tpu.enqueue_indirect_dma source(%dma_start3A_217 : memref<10240x128xf32, #tpu.memory_space<hbm>>) target(%arg7 : memref<80x128xf32, #tpu.memory_space<vmem>>) offsets(%dma_start3A_214 : memref<80xi32, #tpu.memory_space<vmem>>) semaphore(%arg13 : memref<!tpu.dma_semaphore, #tpu.memory_space<semaphore_mem>>)
      } else {
      }
      %lt3A_201 = arith.constant 125 : i32
      %lt3A_202 = arith.cmpi slt, %add3A_185, %lt3A_201 : i32
      %convert_element_type3A_203 = arith.extui %lt3A_202 : i1 to i32
      %cond3A_204 = arith.constant 0 : i32
      %cond3A_205 = arith.cmpi ne, %convert_element_type3A_203, %cond3A_204 : i32
      scf.if %cond3A_205 {
        %dma_wait3A_206 = arith.constant 0 : i32
        %dma_wait3A_207 = arith.constant 0 : i32
        %dma_wait3A_208 = tpu.memref_slice %arg6[%scan3A_100, %dma_wait3A_206, %dma_wait3A_207] : memref<2x125x80xi32, #tpu.memory_space<vmem>> -> memref<1x125x80xi32, #tpu.memory_space<vmem>>
        %dma_wait3A_209 = tpu.memref_squeeze %dma_wait3A_208 : memref<1x125x80xi32, #tpu.memory_space<vmem>> -> memref<125x80xi32, #tpu.memory_space<vmem>>
        %dma_wait3A_210 = arith.constant 0 : i32
        %dma_wait3A_211 = tpu.memref_slice %dma_wait3A_209[%add3A_185, %dma_wait3A_210] : memref<125x80xi32, #tpu.memory_space<vmem>> -> memref<1x80xi32, #tpu.memory_space<vmem>>
        %dma_wait3A_212 = tpu.memref_squeeze %dma_wait3A_211 : memref<1x80xi32, #tpu.memory_space<vmem>> -> memref<80xi32, #tpu.memory_space<vmem>>
        %dma_wait3A_213 = arith.constant 0 : i32
        %dma_wait3A_214 = arith.constant 0 : i32
        %dma_wait3A_215 = tpu.memref_slice %arg3[%dma_wait3A_213, %dma_wait3A_214] : memref<10240x128xf32, #tpu.memory_space<hbm>> -> memref<10240x128xf32, #tpu.memory_space<hbm>>
        tpu.wait_indirect_dma semaphore(%arg15 : memref<!tpu.dma_semaphore, #tpu.memory_space<semaphore_mem>>) src(%dma_wait3A_215 : memref<10240x128xf32, #tpu.memory_space<hbm>>) dst(%arg9 : memref<80x128xf32, #tpu.memory_space<vmem>>)
        %dma_start3A_216 = arith.constant 0 : i32
        %dma_start3A_217 = arith.constant 0 : i32
        %dma_start3A_218 = tpu.memref_slice %arg6[%scan3A_99, %dma_start3A_216, %dma_start3A_217] : memref<2x125x80xi32, #tpu.memory_space<vmem>> -> memref<1x125x80xi32, #tpu.memory_space<vmem>>
        %dma_start3A_219 = tpu.memref_squeeze %dma_start3A_218 : memref<1x125x80xi32, #tpu.memory_space<vmem>> -> memref<125x80xi32, #tpu.memory_space<vmem>>
        %dma_start3A_220 = arith.constant 0 : i32
        %dma_start3A_221 = tpu.memref_slice %dma_start3A_219[%add3A_185, %dma_start3A_220] : memref<125x80xi32, #tpu.memory_space<vmem>> -> memref<1x80xi32, #tpu.memory_space<vmem>>
        %dma_start3A_222 = tpu.memref_squeeze %dma_start3A_221 : memref<1x80xi32, #tpu.memory_space<vmem>> -> memref<80xi32, #tpu.memory_space<vmem>>
        %dma_start3A_223 = arith.constant 0 : i32
        %dma_start3A_224 = arith.constant 0 : i32
        %dma_start3A_225 = tpu.memref_slice %arg10[%dma_start3A_223, %dma_start3A_224] : memref<10000x128xf32, #tpu.memory_space<vmem_shared>> -> memref<10000x128xf32, #tpu.memory_space<vmem_shared>>
        tpu.enqueue_indirect_dma source(%arg9 : memref<80x128xf32, #tpu.memory_space<vmem>>) target(%dma_start3A_225 : memref<10000x128xf32, #tpu.memory_space<vmem_shared>>) offsets(%dma_start3A_222 : memref<80xi32, #tpu.memory_space<vmem>>) semaphore(%arg18 : memref<!tpu.dma_semaphore, #tpu.memory_space<semaphore_mem>>) {add = true}
      } else {
      }
    }
    %scan3A_105 = arith.constant 42 : i32
    %dma_wait3A_106 = arith.constant 1 : i32
    %dma_wait3A_107 = arith.constant 123 : i32
    %dma_wait3A_108 = arith.constant 0 : i32
    %dma_wait3A_109 = arith.constant 0 : i32
    %dma_wait3A_110 = tpu.memref_slice %arg6[%dma_wait3A_106, %dma_wait3A_108, %dma_wait3A_109] : memref<2x125x80xi32, #tpu.memory_space<vmem>> -> memref<1x125x80xi32, #tpu.memory_space<vmem>>
    %dma_wait3A_111 = tpu.memref_squeeze %dma_wait3A_110 : memref<1x125x80xi32, #tpu.memory_space<vmem>> -> memref<125x80xi32, #tpu.memory_space<vmem>>
    %dma_wait3A_112 = arith.constant 0 : i32
    %dma_wait3A_113 = tpu.memref_slice %dma_wait3A_111[%dma_wait3A_107, %dma_wait3A_112] : memref<125x80xi32, #tpu.memory_space<vmem>> -> memref<1x80xi32, #tpu.memory_space<vmem>>
    %dma_wait3A_114 = tpu.memref_squeeze %dma_wait3A_113 : memref<1x80xi32, #tpu.memory_space<vmem>> -> memref<80xi32, #tpu.memory_space<vmem>>
    %dma_wait3A_115 = arith.constant 0 : i32
    %dma_wait3A_116 = arith.constant 0 : i32
    %dma_wait3A_117 = tpu.memref_slice %arg10[%dma_wait3A_115, %dma_wait3A_116] : memref<10000x128xf32, #tpu.memory_space<vmem_shared>> -> memref<10000x128xf32, #tpu.memory_space<vmem_shared>>
    tpu.wait_indirect_dma semaphore(%arg16 : memref<!tpu.dma_semaphore, #tpu.memory_space<semaphore_mem>>) src(%arg7 : memref<80x128xf32, #tpu.memory_space<vmem>>) dst(%dma_wait3A_117 : memref<10000x128xf32, #tpu.memory_space<vmem_shared>>)
    %dma_wait3A_118 = arith.constant 1 : i32
    %dma_wait3A_119 = arith.constant 124 : i32
    %dma_wait3A_120 = arith.constant 0 : i32
    %dma_wait3A_121 = arith.constant 0 : i32
    %dma_wait3A_122 = tpu.memref_slice %arg6[%dma_wait3A_118, %dma_wait3A_120, %dma_wait3A_121] : memref<2x125x80xi32, #tpu.memory_space<vmem>> -> memref<1x125x80xi32, #tpu.memory_space<vmem>>
    %dma_wait3A_123 = tpu.memref_squeeze %dma_wait3A_122 : memref<1x125x80xi32, #tpu.memory_space<vmem>> -> memref<125x80xi32, #tpu.memory_space<vmem>>
    %dma_wait3A_124 = arith.constant 0 : i32
    %dma_wait3A_125 = tpu.memref_slice %dma_wait3A_123[%dma_wait3A_119, %dma_wait3A_124] : memref<125x80xi32, #tpu.memory_space<vmem>> -> memref<1x80xi32, #tpu.memory_space<vmem>>
    %dma_wait3A_126 = tpu.memref_squeeze %dma_wait3A_125 : memref<1x80xi32, #tpu.memory_space<vmem>> -> memref<80xi32, #tpu.memory_space<vmem>>
    %dma_wait3A_127 = arith.constant 0 : i32
    %dma_wait3A_128 = arith.constant 0 : i32
    %dma_wait3A_129 = tpu.memref_slice %arg10[%dma_wait3A_127, %dma_wait3A_128] : memref<10000x128xf32, #tpu.memory_space<vmem_shared>> -> memref<10000x128xf32, #tpu.memory_space<vmem_shared>>
    tpu.wait_indirect_dma semaphore(%arg17 : memref<!tpu.dma_semaphore, #tpu.memory_space<semaphore_mem>>) src(%arg8 : memref<80x128xf32, #tpu.memory_space<vmem>>) dst(%dma_wait3A_129 : memref<10000x128xf32, #tpu.memory_space<vmem_shared>>)
    %barrier3A_130 = arith.constant 0 : index
    tpu.barrier barrier_id(%barrier3A_130)
    %mul3A_131 = arith.constant 625 : i32
    %mul3A_132 = arith.muli %arg1, %mul3A_131 : i32
    %mul3A_133 = arith.constant 10240 : i32
    %mul3A_134 = arith.muli %arg0, %mul3A_133 : i32
    %mul3A_135 = arith.constant 625 : i32
    %mul3A_136 = arith.muli %arg1, %mul3A_135 : i32
    %add3A_137 = arith.addi %mul3A_134, %mul3A_136 : i32
    "tpu.region"() ({
      %run_scoped3A = tpu.sem_alloc : memref<!tpu.dma_semaphore, #tpu.memory_space<semaphore_mem>>
      %dma_start3A_138 = arith.constant 0 : i32
      %dma_start3A_139 = tpu.memref_slice %arg5[%add3A_137, %dma_start3A_138] : memref<20480x128xf32, #tpu.memory_space<hbm>> -> memref<625x128xf32, #tpu.memory_space<hbm>>
      %dma_start3A_140 = arith.constant 0 : i32
      %dma_start3A_141 = tpu.memref_slice %arg10[%mul3A_132, %dma_start3A_140] : memref<10000x128xf32, #tpu.memory_space<vmem_shared>> -> memref<625x128xf32, #tpu.memory_space<vmem_shared>>
      tpu.enqueue_dma source(%dma_start3A_141 : memref<625x128xf32, #tpu.memory_space<vmem_shared>>) target(%dma_start3A_139 : memref<625x128xf32, #tpu.memory_space<hbm>>) target_semaphore(%run_scoped3A : memref<!tpu.dma_semaphore, #tpu.memory_space<semaphore_mem>>)
      %dma_wait3A_142 = arith.constant 0 : i32
      %dma_wait3A_143 = tpu.memref_slice %arg5[%add3A_137, %dma_wait3A_142] : memref<20480x128xf32, #tpu.memory_space<hbm>> -> memref<625x128xf32, #tpu.memory_space<hbm>>
      %dma_wait3A_144 = arith.constant 0 : i32
      %dma_wait3A_145 = tpu.memref_slice %arg10[%mul3A_132, %dma_wait3A_144] : memref<10000x128xf32, #tpu.memory_space<vmem_shared>> -> memref<625x128xf32, #tpu.memory_space<vmem_shared>>
      tpu.wait_dma2 semaphore(%run_scoped3A : memref<!tpu.dma_semaphore, #tpu.memory_space<semaphore_mem>>) src(%dma_wait3A_145 : memref<625x128xf32, #tpu.memory_space<vmem_shared>>) dst(%dma_wait3A_143 : memref<625x128xf32, #tpu.memory_space<hbm>>)
      tpu.yield
    }) : () -> ()
    return
  }
}

module attributes {stable_mosaic.version = 14 : i64} {
  func.func @_tc0_body(%arg0: i32, %arg1: memref<2560x128xf32, #tpu.memory_space<vmem>>, %arg2: memref<40960xf32, #tpu.memory_space<vmem>>, %arg3: memref<128x128xf32, #tpu.memory_space<vmem>>, %arg4: memref<2560x128xf32, #tpu.memory_space<vmem>>) attributes {dimension_semantics = [#tpu.dimension_semantics<arbitrary>], iteration_bounds = array<i64: 4>, scalar_prefetch = 0 : i64, scratch_operands = 0 : i64, tpu.core_type = #tpu.core_type<tc>, window_params = [{transform_indices = @transform_0, window_bounds = array<i64: 2560, 128>}, {pipeline_mode = #tpu.pipeline_mode<synchronous>, transform_indices = @transform_1, window_bounds = array<i64: 40960>}, {pipeline_mode = #tpu.pipeline_mode<synchronous>, transform_indices = @transform_2, window_bounds = array<i64: 128, 128>}, {transform_indices = @transform_3, window_bounds = array<i64: 2560, 128>}]} {
    %mul3A = arith.constant 2560 : i32
    %mul3A_0 = arith.muli %arg0, %mul3A : i32
    %add3A = arith.constant 0 : i32
    %add3A_1 = arith.addi %add3A, %mul3A_0 : i32
    %get3A = arith.index_cast %add3A_1 : i32 to index
    %get3A_2 = vector.load %arg2[%get3A] : memref<40960xf32, #tpu.memory_space<vmem>>, vector<2560xf32>
    %mul3A_3 = arith.constant 2560 : i32
    %mul3A_4 = arith.muli %arg0, %mul3A_3 : i32
    %add3A_5 = arith.constant 20480 : i32
    %add3A_6 = arith.addi %add3A_5, %mul3A_4 : i32
    %get3A_7 = arith.index_cast %add3A_6 : i32 to index
    %get3A_8 = vector.load %arg2[%get3A_7] : memref<40960xf32, #tpu.memory_space<vmem>>, vector<2560xf32>
    %add3A_9 = arith.addf %get3A_2, %get3A_8 : vector<2560xf32>
    %max3A = arith.constant 1.000000e+00 : f32
    %max3A_10 = vector.broadcast %max3A : f32 to vector<2560xf32>
    %max3A_11 = arith.maximumf %add3A_9, %max3A_10 : vector<2560xf32>
    %rsqrt3A = math.rsqrt %max3A_11 : vector<2560xf32>
    %reshape3A = vector.shape_cast %rsqrt3A : vector<2560xf32> to vector<2560x1xf32>
    %get3A_12 = arith.constant 0 : index
    %get3A_13 = arith.constant 0 : index
    %get3A_14 = vector.load %arg1[%get3A_12, %get3A_13] : memref<2560x128xf32, #tpu.memory_space<vmem>>, vector<2560x128xf32>
    %mul3A_15 = vector.broadcast %reshape3A : vector<2560x1xf32> to vector<2560x128xf32>
    %mul3A_16 = arith.mulf %get3A_14, %mul3A_15 : vector<2560x128xf32>
    %get3A_17 = arith.constant 0 : index
    %get3A_18 = arith.constant 0 : index
    %get3A_19 = vector.load %arg3[%get3A_17, %get3A_18] : memref<128x128xf32, #tpu.memory_space<vmem>>, vector<128x128xf32>
    %dot_general3A = arith.constant dense<0.000000e+00> : vector<2560x128xf32>
    %dot_general3A_20 = tpu.matmul %mul3A_16, %get3A_19, %dot_general3A {dimension_numbers = #tpu.dot_dimension_numbers<[1], [0], [0], [1], [0, 0, 1, 1], [], []>, transpose_lhs_hint = false} : vector<2560x128xf32>, vector<128x128xf32>, vector<2560x128xf32> -> vector<2560x128xf32>
    %swap3A = arith.constant 0 : index
    %swap3A_21 = arith.constant 0 : index
    %swap3A_22 = vector.load %arg4[%swap3A, %swap3A_21] : memref<2560x128xf32, #tpu.memory_space<vmem>>, vector<2560x128xf32>
    tpu.vector_store %arg4[%swap3A, %swap3A_21], %dot_general3A_20 {strides = array<i32>} : memref<2560x128xf32, #tpu.memory_space<vmem>>, vector<2560x128xf32>,
    return
  }
  func.func @transform_0(%arg0: i32) -> (i32, i32) {
    %c0_i32 = arith.constant 0 : i32
    %c0_i32_0 = arith.constant 0 : i32
    return %arg0, %c0_i32 : i32, i32
  }
  func.func @transform_1(%arg0: i32) -> i32 {
    %c0_i32 = arith.constant 0 : i32
    %c0_i32_0 = arith.constant 0 : i32
    return %c0_i32 : i32
  }
  func.func @transform_2(%arg0: i32) -> (i32, i32) {
    %c0_i32 = arith.constant 0 : i32
    %c0_i32_0 = arith.constant 0 : i32
    %c0_i32_1 = arith.constant 0 : i32
    return %c0_i32, %c0_i32_0 : i32, i32
  }
  func.func @transform_3(%arg0: i32) -> (i32, i32) {
    %c0_i32 = arith.constant 0 : i32
    %c0_i32_0 = arith.constant 0 : i32
    return %arg0, %c0_i32 : i32, i32
  }
}

module attributes {stable_mosaic.version = 14 : i64} {
  func.func @_tc_mid_body(%arg0: i32, %arg1: memref<2560x128xf32, #tpu.memory_space<vmem>>, %arg2: memref<2560x128xf32, #tpu.memory_space<vmem>>, %arg3: memref<40960xf32, #tpu.memory_space<vmem>>, %arg4: memref<1x128xf32, #tpu.memory_space<vmem>>, %arg5: memref<128x128xf32, #tpu.memory_space<vmem>>, %arg6: memref<2560x128xf32, #tpu.memory_space<vmem>>) attributes {dimension_semantics = [#tpu.dimension_semantics<arbitrary>], iteration_bounds = array<i64: 4>, scalar_prefetch = 0 : i64, scratch_operands = 0 : i64, tpu.core_type = #tpu.core_type<tc>, window_params = [{transform_indices = @transform_0, window_bounds = array<i64: 2560, 128>}, {transform_indices = @transform_1, window_bounds = array<i64: 2560, 128>}, {pipeline_mode = #tpu.pipeline_mode<synchronous>, transform_indices = @transform_2, window_bounds = array<i64: 40960>}, {pipeline_mode = #tpu.pipeline_mode<synchronous>, transform_indices = @transform_3, window_bounds = array<i64: 1, 128>}, {pipeline_mode = #tpu.pipeline_mode<synchronous>, transform_indices = @transform_4, window_bounds = array<i64: 128, 128>}, {transform_indices = @transform_5, window_bounds = array<i64: 2560, 128>}]} {
    %mul3A = arith.constant 2560 : i32
    %mul3A_0 = arith.muli %arg0, %mul3A : i32
    %add3A = arith.constant 10240 : i32
    %add3A_1 = arith.addi %add3A, %mul3A_0 : i32
    %get3A = arith.index_cast %add3A_1 : i32 to index
    %get3A_2 = vector.load %arg3[%get3A] : memref<40960xf32, #tpu.memory_space<vmem>>, vector<2560xf32>
    %mul3A_3 = arith.constant 2560 : i32
    %mul3A_4 = arith.muli %arg0, %mul3A_3 : i32
    %add3A_5 = arith.constant 30720 : i32
    %add3A_6 = arith.addi %add3A_5, %mul3A_4 : i32
    %get3A_7 = arith.index_cast %add3A_6 : i32 to index
    %get3A_8 = vector.load %arg3[%get3A_7] : memref<40960xf32, #tpu.memory_space<vmem>>, vector<2560xf32>
    %add3A_9 = arith.addf %get3A_2, %get3A_8 : vector<2560xf32>
    %max3A = arith.constant 1.000000e+00 : f32
    %max3A_10 = vector.broadcast %max3A : f32 to vector<2560xf32>
    %max3A_11 = arith.maximumf %add3A_9, %max3A_10 : vector<2560xf32>
    %rsqrt3A = math.rsqrt %max3A_11 : vector<2560xf32>
    %reshape3A = vector.shape_cast %rsqrt3A : vector<2560xf32> to vector<2560x1xf32>
    %get3A_12 = arith.constant 0 : index
    %get3A_13 = arith.constant 0 : index
    %get3A_14 = vector.load %arg1[%get3A_12, %get3A_13] : memref<2560x128xf32, #tpu.memory_space<vmem>>, vector<2560x128xf32>
    %get3A_15 = arith.constant 0 : index
    %get3A_16 = arith.constant 0 : index
    %get3A_17 = vector.load %arg2[%get3A_15, %get3A_16] : memref<2560x128xf32, #tpu.memory_space<vmem>>, vector<2560x128xf32>
    %add3A_18 = arith.addf %get3A_14, %get3A_17 : vector<2560x128xf32>
    %mul3A_19 = vector.broadcast %reshape3A : vector<2560x1xf32> to vector<2560x128xf32>
    %mul3A_20 = arith.mulf %add3A_18, %mul3A_19 : vector<2560x128xf32>
    %get3A_21 = arith.constant 0 : index
    %get3A_22 = arith.constant 0 : index
    %get3A_23 = vector.load %arg4[%get3A_21, %get3A_22] : memref<1x128xf32, #tpu.memory_space<vmem>>, vector<1x128xf32>
    %add3A_24 = vector.broadcast %get3A_23 : vector<1x128xf32> to vector<2560x128xf32>
    %add3A_25 = arith.addf %mul3A_20, %add3A_24 : vector<2560x128xf32>
    %max3A_26 = arith.constant 0.000000e+00 : f32
    %max3A_27 = vector.broadcast %max3A_26 : f32 to vector<2560x128xf32>
    %max3A_28 = arith.maximumf %add3A_25, %max3A_27 : vector<2560x128xf32>
    %mul3A_29 = arith.constant 2560 : i32
    %mul3A_30 = arith.muli %arg0, %mul3A_29 : i32
    %add3A_31 = arith.constant 0 : i32
    %add3A_32 = arith.addi %add3A_31, %mul3A_30 : i32
    %get3A_33 = arith.index_cast %add3A_32 : i32 to index
    %get3A_34 = vector.load %arg3[%get3A_33] : memref<40960xf32, #tpu.memory_space<vmem>>, vector<2560xf32>
    %mul3A_35 = arith.constant 2560 : i32
    %mul3A_36 = arith.muli %arg0, %mul3A_35 : i32
    %add3A_37 = arith.constant 20480 : i32
    %add3A_38 = arith.addi %add3A_37, %mul3A_36 : i32
    %get3A_39 = arith.index_cast %add3A_38 : i32 to index
    %get3A_40 = vector.load %arg3[%get3A_39] : memref<40960xf32, #tpu.memory_space<vmem>>, vector<2560xf32>
    %add3A_41 = arith.addf %get3A_34, %get3A_40 : vector<2560xf32>
    %max3A_42 = arith.constant 1.000000e+00 : f32
    %max3A_43 = vector.broadcast %max3A_42 : f32 to vector<2560xf32>
    %max3A_44 = arith.maximumf %add3A_41, %max3A_43 : vector<2560xf32>
    %rsqrt3A_45 = math.rsqrt %max3A_44 : vector<2560xf32>
    %reshape3A_46 = vector.shape_cast %rsqrt3A_45 : vector<2560xf32> to vector<2560x1xf32>
    %mul3A_47 = vector.broadcast %reshape3A_46 : vector<2560x1xf32> to vector<2560x128xf32>
    %mul3A_48 = arith.mulf %max3A_28, %mul3A_47 : vector<2560x128xf32>
    %get3A_49 = arith.constant 0 : index
    %get3A_50 = arith.constant 0 : index
    %get3A_51 = vector.load %arg5[%get3A_49, %get3A_50] : memref<128x128xf32, #tpu.memory_space<vmem>>, vector<128x128xf32>
    %dot_general3A = arith.constant dense<0.000000e+00> : vector<2560x128xf32>
    %dot_general3A_52 = tpu.matmul %mul3A_48, %get3A_51, %dot_general3A {dimension_numbers = #tpu.dot_dimension_numbers<[1], [0], [0], [1], [0, 0, 1, 1], [], []>, transpose_lhs_hint = false} : vector<2560x128xf32>, vector<128x128xf32>, vector<2560x128xf32> -> vector<2560x128xf32>
    %swap3A = arith.constant 0 : index
    %swap3A_53 = arith.constant 0 : index
    %swap3A_54 = vector.load %arg6[%swap3A, %swap3A_53] : memref<2560x128xf32, #tpu.memory_space<vmem>>, vector<2560x128xf32>
    tpu.vector_store %arg6[%swap3A, %swap3A_53], %dot_general3A_52 {strides = array<i32>} : memref<2560x128xf32, #tpu.memory_space<vmem>>, vector<2560x128xf32>,
    return
  }
  func.func @transform_0(%arg0: i32) -> (i32, i32) {
    %add3A = arith.constant 0 : i32
    %add3A_0 = arith.addi %arg0, %add3A : i32
    %c0_i32 = arith.constant 0 : i32
    %c0_i32_1 = arith.constant 0 : i32
    return %add3A_0, %c0_i32 : i32, i32
  }
  func.func @transform_1(%arg0: i32) -> (i32, i32) {
    %add3A = arith.constant 4 : i32
    %add3A_0 = arith.addi %arg0, %add3A : i32
    %c0_i32 = arith.constant 0 : i32
    %c0_i32_1 = arith.constant 0 : i32
    return %add3A_0, %c0_i32 : i32, i32
  }
  func.func @transform_2(%arg0: i32) -> i32 {
    %c0_i32 = arith.constant 0 : i32
    %c0_i32_0 = arith.constant 0 : i32
    return %c0_i32 : i32
  }
  func.func @transform_3(%arg0: i32) -> (i32, i32) {
    %c0_i32 = arith.constant 0 : i32
    %c0_i32_0 = arith.constant 0 : i32
    %c0_i32_1 = arith.constant 0 : i32
    return %c0_i32, %c0_i32_0 : i32, i32
  }
  func.func @transform_4(%arg0: i32) -> (i32, i32) {
    %c0_i32 = arith.constant 0 : i32
    %c0_i32_0 = arith.constant 0 : i32
    %c0_i32_1 = arith.constant 0 : i32
    return %c0_i32, %c0_i32_0 : i32, i32
  }
  func.func @transform_5(%arg0: i32) -> (i32, i32) {
    %c0_i32 = arith.constant 0 : i32
    %c0_i32_0 = arith.constant 0 : i32
    return %arg0, %c0_i32 : i32, i32
  }
}

module attributes {stable_mosaic.version = 14 : i64} {
  func.func @_tc_mid_body(%arg0: i32, %arg1: memref<2560x128xf32, #tpu.memory_space<vmem>>, %arg2: memref<2560x128xf32, #tpu.memory_space<vmem>>, %arg3: memref<40960xf32, #tpu.memory_space<vmem>>, %arg4: memref<1x128xf32, #tpu.memory_space<vmem>>, %arg5: memref<128x64xf32, #tpu.memory_space<vmem>>, %arg6: memref<2560x64xf32, #tpu.memory_space<vmem>>) attributes {dimension_semantics = [#tpu.dimension_semantics<arbitrary>], iteration_bounds = array<i64: 4>, scalar_prefetch = 0 : i64, scratch_operands = 0 : i64, tpu.core_type = #tpu.core_type<tc>, window_params = [{transform_indices = @transform_0, window_bounds = array<i64: 2560, 128>}, {transform_indices = @transform_1, window_bounds = array<i64: 2560, 128>}, {pipeline_mode = #tpu.pipeline_mode<synchronous>, transform_indices = @transform_2, window_bounds = array<i64: 40960>}, {pipeline_mode = #tpu.pipeline_mode<synchronous>, transform_indices = @transform_3, window_bounds = array<i64: 1, 128>}, {pipeline_mode = #tpu.pipeline_mode<synchronous>, transform_indices = @transform_4, window_bounds = array<i64: 128, 64>}, {transform_indices = @transform_5, window_bounds = array<i64: 2560, 64>}]} {
    %mul3A = arith.constant 2560 : i32
    %mul3A_0 = arith.muli %arg0, %mul3A : i32
    %add3A = arith.constant 10240 : i32
    %add3A_1 = arith.addi %add3A, %mul3A_0 : i32
    %get3A = arith.index_cast %add3A_1 : i32 to index
    %get3A_2 = vector.load %arg3[%get3A] : memref<40960xf32, #tpu.memory_space<vmem>>, vector<2560xf32>
    %mul3A_3 = arith.constant 2560 : i32
    %mul3A_4 = arith.muli %arg0, %mul3A_3 : i32
    %add3A_5 = arith.constant 30720 : i32
    %add3A_6 = arith.addi %add3A_5, %mul3A_4 : i32
    %get3A_7 = arith.index_cast %add3A_6 : i32 to index
    %get3A_8 = vector.load %arg3[%get3A_7] : memref<40960xf32, #tpu.memory_space<vmem>>, vector<2560xf32>
    %add3A_9 = arith.addf %get3A_2, %get3A_8 : vector<2560xf32>
    %max3A = arith.constant 1.000000e+00 : f32
    %max3A_10 = vector.broadcast %max3A : f32 to vector<2560xf32>
    %max3A_11 = arith.maximumf %add3A_9, %max3A_10 : vector<2560xf32>
    %rsqrt3A = math.rsqrt %max3A_11 : vector<2560xf32>
    %reshape3A = vector.shape_cast %rsqrt3A : vector<2560xf32> to vector<2560x1xf32>
    %get3A_12 = arith.constant 0 : index
    %get3A_13 = arith.constant 0 : index
    %get3A_14 = vector.load %arg1[%get3A_12, %get3A_13] : memref<2560x128xf32, #tpu.memory_space<vmem>>, vector<2560x128xf32>
    %get3A_15 = arith.constant 0 : index
    %get3A_16 = arith.constant 0 : index
    %get3A_17 = vector.load %arg2[%get3A_15, %get3A_16] : memref<2560x128xf32, #tpu.memory_space<vmem>>, vector<2560x128xf32>
    %add3A_18 = arith.addf %get3A_14, %get3A_17 : vector<2560x128xf32>
    %mul3A_19 = vector.broadcast %reshape3A : vector<2560x1xf32> to vector<2560x128xf32>
    %mul3A_20 = arith.mulf %add3A_18, %mul3A_19 : vector<2560x128xf32>
    %get3A_21 = arith.constant 0 : index
    %get3A_22 = arith.constant 0 : index
    %get3A_23 = vector.load %arg4[%get3A_21, %get3A_22] : memref<1x128xf32, #tpu.memory_space<vmem>>, vector<1x128xf32>
    %add3A_24 = vector.broadcast %get3A_23 : vector<1x128xf32> to vector<2560x128xf32>
    %add3A_25 = arith.addf %mul3A_20, %add3A_24 : vector<2560x128xf32>
    %max3A_26 = arith.constant 0.000000e+00 : f32
    %max3A_27 = vector.broadcast %max3A_26 : f32 to vector<2560x128xf32>
    %max3A_28 = arith.maximumf %add3A_25, %max3A_27 : vector<2560x128xf32>
    %mul3A_29 = arith.constant 2560 : i32
    %mul3A_30 = arith.muli %arg0, %mul3A_29 : i32
    %add3A_31 = arith.constant 0 : i32
    %add3A_32 = arith.addi %add3A_31, %mul3A_30 : i32
    %get3A_33 = arith.index_cast %add3A_32 : i32 to index
    %get3A_34 = vector.load %arg3[%get3A_33] : memref<40960xf32, #tpu.memory_space<vmem>>, vector<2560xf32>
    %mul3A_35 = arith.constant 2560 : i32
    %mul3A_36 = arith.muli %arg0, %mul3A_35 : i32
    %add3A_37 = arith.constant 20480 : i32
    %add3A_38 = arith.addi %add3A_37, %mul3A_36 : i32
    %get3A_39 = arith.index_cast %add3A_38 : i32 to index
    %get3A_40 = vector.load %arg3[%get3A_39] : memref<40960xf32, #tpu.memory_space<vmem>>, vector<2560xf32>
    %add3A_41 = arith.addf %get3A_34, %get3A_40 : vector<2560xf32>
    %max3A_42 = arith.constant 1.000000e+00 : f32
    %max3A_43 = vector.broadcast %max3A_42 : f32 to vector<2560xf32>
    %max3A_44 = arith.maximumf %add3A_41, %max3A_43 : vector<2560xf32>
    %rsqrt3A_45 = math.rsqrt %max3A_44 : vector<2560xf32>
    %reshape3A_46 = vector.shape_cast %rsqrt3A_45 : vector<2560xf32> to vector<2560x1xf32>
    %mul3A_47 = vector.broadcast %reshape3A_46 : vector<2560x1xf32> to vector<2560x128xf32>
    %mul3A_48 = arith.mulf %max3A_28, %mul3A_47 : vector<2560x128xf32>
    %get3A_49 = arith.constant 0 : index
    %get3A_50 = arith.constant 0 : index
    %get3A_51 = vector.load %arg5[%get3A_49, %get3A_50] : memref<128x64xf32, #tpu.memory_space<vmem>>, vector<128x64xf32>
    %dot_general3A = arith.constant dense<0.000000e+00> : vector<2560x64xf32>
    %dot_general3A_52 = tpu.matmul %mul3A_48, %get3A_51, %dot_general3A {dimension_numbers = #tpu.dot_dimension_numbers<[1], [0], [0], [1], [0, 0, 1, 1], [], []>, transpose_lhs_hint = false} : vector<2560x128xf32>, vector<128x64xf32>, vector<2560x64xf32> -> vector<2560x64xf32>
    %swap3A = arith.constant 0 : index
    %swap3A_53 = arith.constant 0 : index
    %swap3A_54 = vector.load %arg6[%swap3A, %swap3A_53] : memref<2560x64xf32, #tpu.memory_space<vmem>>, vector<2560x64xf32>
    tpu.vector_store %arg6[%swap3A, %swap3A_53], %dot_general3A_52 {strides = array<i32>} : memref<2560x64xf32, #tpu.memory_space<vmem>>, vector<2560x64xf32>,
    return
  }
  func.func @transform_0(%arg0: i32) -> (i32, i32) {
    %add3A = arith.constant 0 : i32
    %add3A_0 = arith.addi %arg0, %add3A : i32
    %c0_i32 = arith.constant 0 : i32
    %c0_i32_1 = arith.constant 0 : i32
    return %add3A_0, %c0_i32 : i32, i32
  }
  func.func @transform_1(%arg0: i32) -> (i32, i32) {
    %add3A = arith.constant 4 : i32
    %add3A_0 = arith.addi %arg0, %add3A : i32
    %c0_i32 = arith.constant 0 : i32
    %c0_i32_1 = arith.constant 0 : i32
    return %add3A_0, %c0_i32 : i32, i32
  }
  func.func @transform_2(%arg0: i32) -> i32 {
    %c0_i32 = arith.constant 0 : i32
    %c0_i32_0 = arith.constant 0 : i32
    return %c0_i32 : i32
  }
  func.func @transform_3(%arg0: i32) -> (i32, i32) {
    %c0_i32 = arith.constant 0 : i32
    %c0_i32_0 = arith.constant 0 : i32
    %c0_i32_1 = arith.constant 0 : i32
    return %c0_i32, %c0_i32_0 : i32, i32
  }
  func.func @transform_4(%arg0: i32) -> (i32, i32) {
    %c0_i32 = arith.constant 0 : i32
    %c0_i32_0 = arith.constant 0 : i32
    %c0_i32_1 = arith.constant 0 : i32
    return %c0_i32, %c0_i32_0 : i32, i32
  }
  func.func @transform_5(%arg0: i32) -> (i32, i32) {
    %c0_i32 = arith.constant 0 : i32
    %c0_i32_0 = arith.constant 0 : i32
    return %arg0, %c0_i32 : i32, i32
  }
}

module attributes {stable_mosaic.version = 14 : i64} {
  func.func @_tc_last_body(%arg0: i32, %arg1: memref<1280x128xf32, #tpu.memory_space<vmem>>, %arg2: memref<1280x128xf32, #tpu.memory_space<vmem>>, %arg3: memref<1280x2xf32, #tpu.memory_space<vmem>>, %arg4: memref<1280x2xf32, #tpu.memory_space<vmem>>, %arg5: memref<1x128xf32, #tpu.memory_space<vmem>>, %arg6: memref<1280x128xf32, #tpu.memory_space<vmem>>) attributes {dimension_semantics = [#tpu.dimension_semantics<arbitrary>], iteration_bounds = array<i64: 4>, scalar_prefetch = 0 : i64, scratch_operands = 0 : i64, tpu.core_type = #tpu.core_type<tc>, window_params = [{transform_indices = @transform_0, window_bounds = array<i64: 1280, 128>}, {transform_indices = @transform_1, window_bounds = array<i64: 1280, 128>}, {transform_indices = @transform_2, window_bounds = array<i64: 1280, 2>}, {transform_indices = @transform_3, window_bounds = array<i64: 1280, 2>}, {pipeline_mode = #tpu.pipeline_mode<synchronous>, transform_indices = @transform_4, window_bounds = array<i64: 1, 128>}, {transform_indices = @transform_5, window_bounds = array<i64: 1280, 128>}]} {
    %get3A = arith.constant 0 : index
    %get3A_0 = arith.constant 0 : index
    %get3A_1 = vector.load %arg3[%get3A, %get3A_0] : memref<1280x2xf32, #tpu.memory_space<vmem>>, vector<1280x2xf32>
    %get3A_2 = arith.constant 0 : index
    %get3A_3 = arith.constant 0 : index
    %get3A_4 = vector.load %arg4[%get3A_2, %get3A_3] : memref<1280x2xf32, #tpu.memory_space<vmem>>, vector<1280x2xf32>
    %add3A = arith.addf %get3A_1, %get3A_4 : vector<1280x2xf32>
    %max3A = arith.constant 1.000000e+00 : f32
    %max3A_5 = vector.broadcast %max3A : f32 to vector<1280x2xf32>
    %max3A_6 = arith.maximumf %add3A, %max3A_5 : vector<1280x2xf32>
    %rsqrt3A = math.rsqrt %max3A_6 : vector<1280x2xf32>
    %iota3A = tpu.iota {dimensions = array<i32: 1>} : vector<1280x128xi32>
    %lt3A = arith.constant 64 : i32
    %lt3A_7 = vector.broadcast %lt3A : i32 to vector<1280x128xi32>
    %lt3A_8 = arith.cmpi slt, %iota3A, %lt3A_7 : vector<1280x128xi32>
    %slice3A = vector.extract_strided_slice %rsqrt3A {offsets = [0, 0], sizes = [1280, 1], strides = [1, 1]} : vector<1280x2xf32> to vector<1280x1xf32>
    %slice3A_9 = vector.extract_strided_slice %rsqrt3A {offsets = [0, 1], sizes = [1280, 1], strides = [1, 1]} : vector<1280x2xf32> to vector<1280x1xf32>
    %broadcast_in_dim3A = vector.shape_cast %slice3A : vector<1280x1xf32> to vector<1280x1xf32>
    %broadcast_in_dim3A_10 = vector.broadcast %broadcast_in_dim3A : vector<1280x1xf32> to vector<1280x128xf32>
    %broadcast_in_dim3A_11 = vector.shape_cast %slice3A_9 : vector<1280x1xf32> to vector<1280x1xf32>
    %broadcast_in_dim3A_12 = vector.broadcast %broadcast_in_dim3A_11 : vector<1280x1xf32> to vector<1280x128xf32>
    %select_n3A = arith.select %lt3A_8, %broadcast_in_dim3A_10, %broadcast_in_dim3A_12 : vector<1280x128xi1>, vector<1280x128xf32>
    %get3A_13 = arith.constant 0 : index
    %get3A_14 = arith.constant 0 : index
    %get3A_15 = vector.load %arg1[%get3A_13, %get3A_14] : memref<1280x128xf32, #tpu.memory_space<vmem>>, vector<1280x128xf32>
    %get3A_16 = arith.constant 0 : index
    %get3A_17 = arith.constant 0 : index
    %get3A_18 = vector.load %arg2[%get3A_16, %get3A_17] : memref<1280x128xf32, #tpu.memory_space<vmem>>, vector<1280x128xf32>
    %add3A_19 = arith.addf %get3A_15, %get3A_18 : vector<1280x128xf32>
    %mul3A = arith.mulf %add3A_19, %select_n3A : vector<1280x128xf32>
    %get3A_20 = arith.constant 0 : index
    %get3A_21 = arith.constant 0 : index
    %get3A_22 = vector.load %arg5[%get3A_20, %get3A_21] : memref<1x128xf32, #tpu.memory_space<vmem>>, vector<1x128xf32>
    %add3A_23 = vector.broadcast %get3A_22 : vector<1x128xf32> to vector<1280x128xf32>
    %add3A_24 = arith.addf %mul3A, %add3A_23 : vector<1280x128xf32>
    %swap3A = arith.constant 0 : index
    %swap3A_25 = arith.constant 0 : index
    %swap3A_26 = vector.load %arg6[%swap3A, %swap3A_25] : memref<1280x128xf32, #tpu.memory_space<vmem>>, vector<1280x128xf32>
    tpu.vector_store %arg6[%swap3A, %swap3A_25], %add3A_24 {strides = array<i32>} : memref<1280x128xf32, #tpu.memory_space<vmem>>, vector<1280x128xf32>,
    return
  }
  func.func @transform_0(%arg0: i32) -> (i32, i32) {
    %c0_i32 = arith.constant 0 : i32
    %c0_i32_0 = arith.constant 0 : i32
    return %arg0, %c0_i32 : i32, i32
  }
  func.func @transform_1(%arg0: i32) -> (i32, i32) {
    %add3A = arith.constant 4 : i32
    %add3A_0 = arith.addi %arg0, %add3A : i32
    %c0_i32 = arith.constant 0 : i32
    %c0_i32_1 = arith.constant 0 : i32
    return %add3A_0, %c0_i32 : i32, i32
  }
  func.func @transform_2(%arg0: i32) -> (i32, i32) {
    %c0_i32 = arith.constant 0 : i32
    %c0_i32_0 = arith.constant 0 : i32
    return %arg0, %c0_i32 : i32, i32
  }
  func.func @transform_3(%arg0: i32) -> (i32, i32) {
    %c0_i32 = arith.constant 0 : i32
    %c0_i32_0 = arith.constant 0 : i32
    return %arg0, %c0_i32 : i32, i32
  }
  func.func @transform_4(%arg0: i32) -> (i32, i32) {
    %c0_i32 = arith.constant 0 : i32
    %c0_i32_0 = arith.constant 0 : i32
    %c0_i32_1 = arith.constant 0 : i32
    return %c0_i32, %c0_i32_0 : i32, i32
  }
  func.func @transform_5(%arg0: i32) -> (i32, i32) {
    %c0_i32 = arith.constant 0 : i32
    %c0_i32_0 = arith.constant 0 : i32
    return %arg0, %c0_i32 : i32, i32
  }
}

</mosaic_0001>

<sc_bundles>
// kernel: kernel.10.cloned.1.call-start
scs
__scs_entry_jumppad:
0x0: {  	(pc) =	sbr.rel $0x88, $3  }
0x1: {  	(tag) =	ssettag $0x0;
	lr =	simm.s32 $0x1  }
0x2: {  	[smem:$0x3F99] =	sst lr;
	_ =	strace $0xD0000000  }
0x3: {  	_ = 	snop  }
0x4: {  	_ = 	snop  }
0x5: {  	_ = 	snop  }
0x6: {  	_ = 	snop  }
0x7: {  	_ = 	snop  }
__scs_overlays_trampoline_lowered:
0x8: {  	[smem:$0x3FA8] =	sst s0  }
0x9: {  	[smem:$0x3FA9] =	sst s1  }
0xa: {  	[smem:$0x3FAA] =	sst s2  }
0xb: {  	[smem:$0x3FAB] =	sst s3  }
0xc: {  	[smem:$0x3FAC] =	sst s4  }
0xd: {  	[smem:$0x3FAD] =	sst s5  }
0xe: {  	[smem:$0x3FAE] =	sst s6  }
0xf: {  	[smem:$0x3FAF] =	sst s7  }
0x10: {  	[smem:$0x3FB0] =	sst s8  }
0x11: {  	[smem:$0x3FB1] =	sst s9;
	s0 =	simm.s32 @!p0 $0x0  }
0x12: {  	s1 =	sld [smem:$0x3F97];
	s0 =	simm.s32 @p0 $0x1  }
0x13: {  	[smem:$0x3FB2] =	sst s0;
	s0 =	simm.s32 @!p1 $0x0  }
0x14: {  	s2 =	sld [smem:$0x3F96];
	s0 =	simm.s32 @p1 $0x1  }
0x15: {  	[smem:$0x3FB3] =	sst s0;
	s0 =	simm.s32 @!p2 $0x0  }
0x16: {  	s3 =	sld [smem:$0x3FDB];
	s0 =	simm.s32 @p2 $0x1  }
0x17: {  	s4 =	simm.s32 $0x1BF5;
	[smem:$0x3FB5] =	sst s0  }
0x18: {  	s0 =	sld [smem:$0x3F98];
	_ =	swait.ge [sflag:s4], $0x0  }
0x19: {  	s7 =	sld [smem:$0x3F99]  }
0x1a: {  	s8 =	sadd.s32 $0xFFFFE003, lr  }
0x1b: {  	s9 =	sadd.s32 $0xFFFFFEF7, lr;
	s5 =	simm.s32 $0xFFFFFFFF;
	p2 =	slt.u32 s8, $0xFFFFF086  }
0x1c: {  	p1 =	slt.u32 s9, $0xF7A;
	s5 =	simm.s32 @!p2 $0x0  }
0x1d: {  	s5 =	simm.s32 @p1 $0x1;
	p0 =	seq.s32 s7, s2  }
0x1e: {  	s7 =	smul.u32 @!p0 $0xF7A, s2;
	p2 =	seq.s32 @!p0 s5, $0x0  }
0x1f: {  	s9 =	smul.u32 $0xF7A, s1;
	s8 =	simm.s32 @!p0 $0x1BF5;
	p2 =	por !p2, p0  }
0x20: {  	[sflag:s8] =	ssyncset.s32 @!p0 $0xFFFFF086;
	s6 =	sadd.s32 @!p0 s3, s7;
	s7 =	simm.s32 @!p0 $0x108  }
0x21: {  	s3 =	sadd.s32 s3, s9;
	s6 =	sadd.s32 @!p0 $0x88, s6;
	s7 =	simm.s32 @p2 $0x1082  }
0x22: {  	[simem:s7], [sflag:s8] =	dma.local @!p0 [hbm:s6], $0xF7A  }
0x23: {  	s9 =	sor.u32 $0xD0000000, s2;
	s6 =	simm.s32 $0x108;
	_ =	swait.ge @!p0 [sflag:s8], $0x0  }
0x24: {  	s3 =	sadd.s32 $0x88, s3;
	s6 =	simm.s32 @!p1 $0x1082;
	[sflag:s4] =	ssyncset.s32 $0xFFFFF086  }
0x25: {  	[simem:s6], [sflag:s4] =	dma.local [hbm:s3], $0xF7A  }
0x26: {  	[smem:$0x3F99] =	sst s1;
	(tag) =	ssettag s2;
	_ =	strace s9  }
0x27: {  	s1 =	sld [smem:$0x3FA9]  }
0x28: {  	s2 =	sld [smem:$0x3FAA]  }
0x29: {  	s4 =	sld [smem:$0x3FAC]  }
0x2a: {  	p0 =	seq.s32 s5, $0x0;
	s5 =	sld [smem:$0x3FAD]  }
0x2b: {  	s6 =	sld [smem:$0x3FAE]  }
0x2c: {  	s7 =	sld [smem:$0x3FAF]  }
0x2d: {  	s3 =	simm.s32 $0x108;
	s8 =	sld [smem:$0x3FB0]  }
0x2e: {  	s3 =	simm.s32 @!p0 $0x1082;
	s9 =	sld [smem:$0x3FB1]  }
0x2f: {  	lr =	sadd.s32 s0, s3;
	s0 =	sld [smem:$0x3FA8]  }
0x30: {  	s3 =	sld [smem:$0x3FAB]  }
0x31: {  	[smem:$0x3FB4] =	sst s10  }
0x32: {  	s10 =	sld [smem:$0x3FB2];
	_ =	sdelay $0x3  }
0x33: {  	p0 =	seq.s32 s10, $0x1;
	s10 =	sld [smem:$0x3FB4];
	_ =	sdelay $0x3  }
0x34: {  	[smem:$0x3FB4] =	sst s10  }
0x35: {  	s10 =	sld [smem:$0x3FB3];
	_ =	sdelay $0x3  }
0x36: {  	p1 =	seq.s32 s10, $0x1;
	s10 =	sld [smem:$0x3FB4];
	_ =	sdelay $0x3  }
0x37: {  	[smem:$0x3FB4] =	sst s10  }
0x38: {  	s10 =	sld [smem:$0x3FB5]  }
0x39: {  	_ = 	snop;
	(pc) =	sbr.ind lr, $3  }
0x3a: {  	_ = 	snop  }
0x3b: {  	_ = 	snop  }
0x3c: {  	p2 =	seq.s32 s10, $0x1;
	s10 =	sld [smem:$0x3FB4]  }
0x3d: {  	_ =	shalt  }
0x3e: {  	_ =	shalt  }
0x3f: {  	_ =	shalt  }
0x40: {  	_ =	shalt  }
0x41: {  	_ =	shalt  }
0x42: {  	_ =	shalt  }
0x43: {  	_ =	shalt  }
0x44: {  	_ =	shalt  }
0x45: {  	_ =	shalt  }
0x46: {  	_ =	shalt  }
0x47: {  	_ =	shalt  }
0x48: {  	_ =	shalt  }
0x49: {  	_ =	shalt  }
0x4a: {  	_ =	shalt  }
0x4b: {  	_ =	shalt  }
0x4c: {  	_ =	shalt  }
0x4d: {  	_ =	shalt  }
0x4e: {  	_ =	shalt  }
0x4f: {  	_ =	shalt  }
0x50: {  	_ =	shalt  }
0x51: {  	_ =	shalt  }
0x52: {  	_ =	shalt  }
0x53: {  	_ =	shalt  }
0x54: {  	_ =	shalt  }
0x55: {  	_ =	shalt  }
0x56: {  	_ =	shalt  }
0x57: {  	_ =	shalt  }
0x58: {  	_ =	shalt  }
0x59: {  	_ =	shalt  }
0x5a: {  	_ =	shalt  }
0x5b: {  	_ =	shalt  }
0x5c: {  	_ =	shalt  }
0x5d: {  	_ =	shalt  }
0x5e: {  	_ =	shalt  }
0x5f: {  	_ =	shalt  }
0x60: {  	_ =	shalt  }
0x61: {  	_ =	shalt  }
0x62: {  	_ =	shalt  }
0x63: {  	_ =	shalt  }
0x64: {  	_ =	shalt  }
0x65: {  	_ =	shalt  }
0x66: {  	_ =	shalt  }
0x67: {  	_ =	shalt  }
0x68: {  	_ =	shalt  }
0x69: {  	_ =	shalt  }
0x6a: {  	_ =	shalt  }
0x6b: {  	_ =	shalt  }
0x6c: {  	_ =	shalt  }
0x6d: {  	_ =	shalt  }
0x6e: {  	_ =	shalt  }
0x6f: {  	_ =	shalt  }
0x70: {  	_ =	shalt  }
0x71: {  	_ =	shalt  }
0x72: {  	_ =	shalt  }
0x73: {  	_ =	shalt  }
0x74: {  	_ =	shalt  }
0x75: {  	_ =	shalt  }
0x76: {  	_ =	shalt  }
0x77: {  	_ =	shalt  }
0x78: {  	_ =	shalt  }
0x79: {  	_ =	shalt  }
0x7a: {  	_ =	shalt  }
0x7b: {  	_ =	shalt  }
0x7c: {  	_ =	shalt  }
0x7d: {  	_ =	shalt  }
0x7e: {  	_ =	shalt  }
0x7f: {  	_ =	shalt  }
0x80: {  	_ =	shalt  }
0x81: {  	_ =	shalt  }
0x82: {  	_ =	shalt  }
0x83: {  	_ =	shalt  }
0x84: {  	_ =	shalt  }
0x85: {  	_ =	shalt  }
0x86: {  	_ =	shalt  }
0x87: {  	_ =	shalt  }
.Lfunc_end0:
.L_simem_size_0:
called_computation_lowered:
.L_overlay_start_0:
0x88: {  	s2 =	sld [smem:$0x3FD9]  }
0x89: {  	s3 =	sld [smem:$0x3FFE];
	_ =	sdelay $0x1  }
0x8a: {  	s1 =	srdreg.scid  }
0x8b: {  	s0 =	sand.u32 $0x1, s1  }
0x8c: {  	s17 =	sshll.u32 s0, $0xA;
	s2 =	sadd.s32 s3, s2  }
0x8d: {  	s2 =	sadd.s32 s2, s17  }
0x8e: {  	[smem:$0x3FC0] =	sst s2  }
0x8f: {  	_ = 	snop  }
0x90: {  	s2 =	sld [smem:$0x3FD0];
	(tm) =	ssettm $0x1  }
0x91: {  	s18 =	sld [smem:$0x3FFB];
	_ =	sdelay $0x3  }
0x92: {  	_ =	strace s18  }
0x93: {  	s3 =	sld [smem:$0x3FFC];
	_ =	sdelay $0x3  }
0x94: {  	_ =	strace s3  }
0x95: {  	s3 =	sld [smem:$0x3FFD];
	_ =	sdelay $0x3  }
0x96: {  	_ =	strace s3  }
0x97: {  	_ =	strace $0x8FFFFFFF  }
0x98: {  	s19 =	sld [smem:$0x3FDB];
	_ =	sdelay $0x1  }
0x99: {  	s4 =	simm.s32 $_scs_section_size  }
0x9a: {  	s5 =	simm.s32 $_size__tile_overlayer_lowered;
	s6 =	simm.s32 $_tile_overlayer_lowered  }
0x9b: {  	s22 =	simm.s32 $0x1BFF;
	s21 =	sshll.u32 s6, $0x1;
	s3 =	sadd.s32 s4, s19  }
0x9c: {  	s7 =	simm.s32 $0x0;
	s20 =	sshll.u32 s5, $0x1;
	s5 =	sadd.s32 s21, s3  }
0x9d: {  	[timem:s7], [sflag:s22] =	dma.local [hbm:s5], s20  }
0x9e: {  	_ =	swait.ge [sflag:s22], s20  }
0x9f: {  	s4 =	ssub.s32 $0x0, s20;
	[sflag:s22] =	ssyncset.done $0x0  }
0xa0: {  	[sflag:s22] =	ssyncadd.s32 s4;
	_ =	sdelay $0x1  }
0xa1: {  	s23 =	simm.s32 $0x1B8B  }
0xa2: {  	_ =	swait.ge [sflag:s23], $0x1  }
0xa3: {  	[sflag:s23] =	ssyncset.done $0x0  }
0xa4: {  	s25 =	simm.s32 $0x1B8E;
	s24 =	sld [smem:$0x3FFE];
	[sflag:s23] =	ssyncadd.s32 $0xFFFFFFFF  }
0xa5: {  	s26 =	simm.s32 $execute0_lowered;
	[smem:$0x3FD2] =	sst s25  }
0xa6: {  	s5 =	sshll.u32 s26, $0x1;
	_ =	strace $0x80000046;
	[dreg:$0x1] =	wrdreg $0xFFFFFFFF  }
0xa7: {  	s28 =	simm.s32 $_size_execute0_lowered;
	s3 =	sadd.s32 s3, s5;
	[dreg:$0x0] =	wrdreg $0x0  }
0xa8: {  	s5 =	sshll.u32 s28, $0x1;
	[dreg:$0x2] =	wrdreg s3  }
0xa9: {  	[dreg:$0x3] =	wrdreg s5  }
0xaa: {  	[dreg:$0x4] =	wrdreg $0xC0  }
0xab: {  	_ =	task [dreg:s7], $0x5FFFF  }
0xac: {  	[dreg:$0x1] =	wrdreg $0xFFFFFFFF  }
0xad: {  	[dreg:$0x0] =	wrdreg $0x60  }
0xae: {  	[dreg:$0x2] =	wrdreg s2  }
0xaf: {  	[dreg:$0x3] =	wrdreg s24  }
0xb0: {  	[dreg:$0x4] =	wrdreg $0x4E700  }
0xb1: {  	[dreg:$0x5] =	wrdreg $0x50E80  }
0xb2: {  	[dreg:$0x6] =	wrdreg $0x9  }
0xb3: {  	_ =	task.clear_ibuf [dreg:s7], $0x7FFFF;
	_ =	strace $0x90000046  }
0xb4: {  	s29 =	simm.s32 $0x9;
	_ =	strace $0x80000048  }
0xb5: {  	_ =	swait.ge [sflag:s29], $0x1  }
0xb6: {  	[sflag:s29] =	ssyncadd.s32 $0xFFFFFFFF  }
0xb7: {  	_ =	strace $0x90000048  }
0xb8: {  	_ =	sfence  }
0xb9: {  	s30 =	sld [smem:$0x0];
	_ =	sdelay $0x2  }
0xba: {  	s31 =	sshll.u32 s1, $0xD;
	s1 =	sshrl.u32 s1, $0x2  }
0xbb: {  	s3 =	sand.u32 $0x4000, s31;
	s1 =	sadd.s32 s1, s30  }
0xbc: {  	s0 =	sor.u32 s3, s0;
	s1 =	sshll.u32 s1, $0x11  }
0xbd: {  	s0 =	sor.u32 s1, s0  }
0xbe: {  	s0 =	sadd.s32 $0x8F2B, s0  }
0xbf: {  	[sflag:s0] =	ssyncadd.remote.s32 $0x1  }
0xc0: {  	_ =	sfence.sel $0xFFFF  }
0xc1: {  	[dreg:$0x0] =	wrdreg $0xFFFFFFFF;
	(pc) =	sbr.abs _section_cstart, $3  }
0xc2: {  	[dreg:$0x1] =	wrdreg $0xFFFFFFFF  }
0xc3: {  	_ =	task.clear_ibuf [dreg:s7], $0x2FFFF;
	_ =	strace $0x9FFFFFFF  }
0xc4: {  	(tm) =	ssettm $0x7FFFFFFF  }
0xc5: {  	_ =	shalt  }
tec
execute0_lowered:
.L_overlay_start_1:
0x0: {  	(tag) =	ssettag $0x1  }
0x1: {  	s7 =	rddreg [dreg:$0x0]  }
0x2: {  	s8 =	rddreg [dreg:$0x1]  }
0x3: {  	s2 =	rddreg [dreg:$0x2]  }
0x4: {  	s3 =	rddreg [dreg:$0x3];
	s4 =	srdreg.scid  }
0x5: {  	s0 =	rddreg [dreg:$0x4];
	s1 =	stileid.u32;
	s17 =	simm.s32 $0x2710  }
0x6: {  	s18 =	simm.s32 $0x50;
	s19 =	simm.s32 $0x2760;
	s20 =	simm.s32 $0x1  }
0x7: {  	s21 =	simm.s32 $0x2;
	s22 =	simm.s32 $0x3;
	s23 =	simm.s32 $0x4  }
0x8: {  	s24 =	simm.s32 $0x0;
	s9 =	sand.u32 $0x1, s4;
	s4 =	simm.s32 $0x0  }
0x9: {  	s10 =	smul.u32 $0x3E8, s1;
	p0 =	sgt.u32 s1, $0x9;
	s5 =	sshll.u32 s9, $0x4  }
0xa: {  	[smem:$0x7FF] =	sst s4;
	s11 =	smul.u32 $0x5000, s9;
	s9 =	ssub.s32 $0x2, s9  }
0xb: {  	s14 =	sshll.u32 @!p0 s1, $0x6;
	s6 =	sor.u32 s1, s5;
	_ =	strace $0x80000047  }
0xc: {  	s5 =	sadd.s32 $0x3400, s8;
	s13 =	sshrl.u32 s9, $0x1;
	s15 =	sadd.s32 s10, s2  }
0xd: {  	s16 =	sadd.s32 s10, s3;
	s14 =	sor.u32 @!p0 $0x1C05, s14;
	s12 =	smul.u32 $0x2710, s6  }
0xe: {  	s6 =	sadd.s32 $0x3200, s8;
	s11 =	sadd.s32 s10, s11;
	s13 =	ssub.s32 s9, s13  }
0xf: {  	s15 =	sshrl.u32 @!p0 s15, $0x3;
	s11 =	sshrl.u32 s11, $0x3;
	s12 =	sshrl.u32 s12, $0x3  }
0x10: {  	s16 =	sshrl.u32 @!p0 s16, $0x3;
	s11 =	sadd.s32 s11, s8;
	s7 =	sadd.s32 s7, s12  }
0x11: {  	s9 =	sadd.s32 $0x3600, s11;
	s10 =	sadd.s32 $0x3B00, s11;
	s11 =	smax.u32 s13, $0x1  }
0x12: {  	s12 =	simm.s32 $0x4E20;
	s13 =	simm.s32 $0x5;
	s8 =	sadd.s32 $0x9C40, s7  }
.LBB2_1:
0x13: {  	[tilespmem:s12], [sflag:$0x5] =	stream.linear.gather [hbm4b:s5+s4], $0x50, $0x38;
	[tilespmem:$0x5360] =	vst v63  }
0x14: {  	_ =	swait.ge [sflag:s13], $0x50  }
0x15: {  	[sflag:s13] =	ssyncset.done $0x0  }
0x16: {  	s25 =	simm.s32 @!p0 $0x5;
	[sflag:s13] =	ssyncadd.s32 $0xFFFFFFB0  }
0x17: {  	[spmem:s15], [sflag:s14] =	dma.local @!p0 [hbm:s6], $0x7D  }
0x18: {  	_ =	swait.ge @!p0 [sflag:s25], $0x7D  }
0x19: {  	[sflag:s25] =	ssyncset.done @!p0 $0x0  }
0x1a: {  	[sflag:s25] =	ssyncadd.s32 @!p0 $0xFFFFFF83  }
0x1b: {  	[spmem:s16], [sflag:s14] =	dma.local @!p0 [hbm:s6], $0x7D  }
0x1c: {  	_ =	swait.ge @!p0 [sflag:s25], $0x7D  }
0x1d: {  	[sflag:s25] =	ssyncset.done @!p0 $0x0  }
0x1e: {  	[sflag:s25] =	ssyncadd.s32 @!p0 $0xFFFFFF83  }
0x1f: {  	[tilespmem:s4], [sflag:$0x5] =	stream.linear.gather [hbm4b:s7+s4], $0x2710, $0x38;
	[tilespmem:$0x5360] =	vst v63  }
0x20: {  	_ =	swait.ge [sflag:s13], $0x2710  }
0x21: {  	[sflag:s13] =	ssyncset.done $0x0  }
0x22: {  	[sflag:s13] =	ssyncadd.s32 $0xFFFFD8F0  }
0x23: {  	[tilespmem:s17], [sflag:$0x5] =	stream.linear.gather [hbm4b:s8+s4], $0x2710, $0x38;
	[tilespmem:$0x5360] =	vst v63  }
0x24: {  	_ =	swait.ge [sflag:s13], $0x2710  }
0x25: {  	[sflag:s13] =	ssyncset.done $0x0  }
0x26: {  	[sflag:s13] =	ssyncadd.s32 $0xFFFFD8F0  }
0x27: {  	[bflag:$0x0] =	sbarrier.arrive $0xFFFF  }
0x28: {  	[spmem:s2] =	stream.indirect.scatter.add.f32 [tilespmem:s12], [sflag:$0x1], $0x1, s4, s18, $0xb8;
	[tilespmem:$0x5360] =	vst v63  }
0x29: {  	_ = 	snop  }
0x2a: {  	[spmem:s3] =	stream.indirect.scatter.add.f32 [tilespmem:s12], [sflag:$0x2], $0x1, s17, s18, $0xb8;
	[tilespmem:$0x5360] =	vst v63  }
0x2b: {  	_ = 	snop  }
0x2c: {  	[spmem:s2] =	stream.indirect.scatter.add.f32 [tilespmem:s12], [sflag:$0x3], $0x1, s18, s18, $0xb8;
	[tilespmem:$0x5360] =	vst v63  }
0x2d: {  	_ = 	snop  }
0x2e: {  	[spmem:s3] =	stream.indirect.scatter.add.f32 [tilespmem:s12], [sflag:$0x4], $0x1, s19, s18, $0xb8;
	[tilespmem:$0x5360] =	vst v63  }
0x2f: {  	_ =	swait.ge [sflag:s20], $0x50  }
0x30: {  	[sflag:s20] =	ssyncset.done $0x0  }
0x31: {  	s29 =	simm.s32 $0xA0;
	[sflag:s20] =	ssyncadd.s32 $0xFFFFFFB0  }
0x32: {  	[spmem:s2] =	stream.indirect.scatter.add.f32 [tilespmem:s12], [sflag:$0x1], $0x1, s29, s18, $0xb8;
	[tilespmem:$0x5360] =	vst v63  }
0x33: {  	_ =	swait.ge [sflag:s21], $0x50  }
0x34: {  	[sflag:s21] =	ssyncset.done $0x0  }
0x35: {  	s30 =	simm.s32 $0x27B0;
	[sflag:s21] =	ssyncadd.s32 $0xFFFFFFB0  }
0x36: {  	[spmem:s3] =	stream.indirect.scatter.add.f32 [tilespmem:s12], [sflag:$0x2], $0x1, s30, s18, $0xb8;
	[tilespmem:$0x5360] =	vst v63  }
0x37: {  	_ =	swait.ge [sflag:s22], $0x50  }
0x38: {  	[sflag:s22] =	ssyncset.done $0x0  }
0x39: {  	s31 =	simm.s32 $0xF0;
	[sflag:s22] =	ssyncadd.s32 $0xFFFFFFB0  }
0x3a: {  	[spmem:s2] =	stream.indirect.scatter.add.f32 [tilespmem:s12], [sflag:$0x3], $0x1, s31, s18, $0xb8;
	[tilespmem:$0x5360] =	vst v63  }
0x3b: {  	_ =	swait.ge [sflag:s23], $0x50  }
0x3c: {  	[sflag:s23] =	ssyncset.done $0x0  }
0x3d: {  	s26 =	simm.s32 $0x2800;
	s25 =	simm.s32 $0x640;
	[sflag:s23] =	ssyncadd.s32 $0xFFFFFFB0  }
.LBB2_2:
0x3e: {  	[spmem:s3] =	stream.indirect.scatter.add.f32 [tilespmem:s12], [sflag:$0x4], $0x1, s26, s18, $0xb8;
	[tilespmem:$0x5360] =	vst v63  }
0x3f: {  	s26 =	smov.u32 s25;
	s25 =	sadd.s32 $0x280, s25;
	_ =	swait.ge [sflag:s20], $0x50  }
0x40: {  	s26 =	sshra.s32 s26, $0x2;
	p1 =	sne.s32 s25, $0x9C40;
	[sflag:s20] =	ssyncset.done $0x0  }
0x41: {  	s28 =	sadd.s32 $0xFFFFFFB0, s26;
	[sflag:s20] =	ssyncadd.s32 $0xFFFFFFB0  }
0x42: {  	[spmem:s2] =	stream.indirect.scatter.add.f32 [tilespmem:s12], [sflag:$0x1], $0x1, s28, s18, $0xb8;
	[tilespmem:$0x5360] =	vst v63  }
0x43: {  	_ =	swait.ge [sflag:s21], $0x50  }
0x44: {  	[sflag:s21] =	ssyncset.done $0x0  }
0x45: {  	s28 =	sadd.s32 $0x26C0, s26;
	[sflag:s21] =	ssyncadd.s32 $0xFFFFFFB0  }
0x46: {  	[spmem:s3] =	stream.indirect.scatter.add.f32 [tilespmem:s12], [sflag:$0x2], $0x1, s28, s18, $0xb8;
	[tilespmem:$0x5360] =	vst v63  }
0x47: {  	_ =	swait.ge [sflag:s22], $0x50  }
0x48: {  	[sflag:s22] =	ssyncset.done $0x0  }
.Ltmp0:
0x49: {  	[sflag:s22] =	ssyncadd.s32 $0xFFFFFFB0;
	(pc) =	sbr.rel @p1 .LBB2_2-.Ltmp0, $4  }
0x4a: {  	[spmem:s2] =	stream.indirect.scatter.add.f32 [tilespmem:s12], [sflag:$0x3], $0x1, s26, s18, $0xb8;
	[tilespmem:$0x5360] =	vst v63  }
0x4b: {  	_ =	swait.ge [sflag:s23], $0x50  }
0x4c: {  	[sflag:s23] =	ssyncset.done $0x0  }
0x4d: {  	s26 =	sadd.s32 $0x2710, s26;
	[sflag:s23] =	ssyncadd.s32 $0xFFFFFFB0  }
0x4e: {  	[spmem:s3] =	stream.indirect.scatter.add.f32 [tilespmem:s12], [sflag:$0x4], $0x1, s26, s18, $0xb8;
	[tilespmem:$0x5360] =	vst v63  }
0x4f: {  	_ =	swait.ge [sflag:s20], $0x50  }
0x50: {  	s25 =	sshra.s32 s25, $0x2;
	[sflag:s20] =	ssyncset.done $0x0  }
0x51: {  	s31 =	sadd.s32 $0xFFFFFFB0, s25;
	[sflag:s20] =	ssyncadd.s32 $0xFFFFFFB0  }
0x52: {  	[spmem:s2] =	stream.indirect.scatter.add.f32 [tilespmem:s12], [sflag:$0x1], $0x1, s31, s18, $0xb8;
	[tilespmem:$0x5360] =	vst v63  }
0x53: {  	_ =	swait.ge [sflag:s21], $0x50  }
0x54: {  	[sflag:s21] =	ssyncset.done $0x0  }
0x55: {  	s25 =	sadd.s32 $0x26C0, s25;
	[sflag:s21] =	ssyncadd.s32 $0xFFFFFFB0  }
0x56: {  	[spmem:s3] =	stream.indirect.scatter.add.f32 [tilespmem:s12], [sflag:$0x2], $0x1, s25, s18, $0xb8;
	[tilespmem:$0x5360] =	vst v63  }
0x57: {  	_ =	swait.ge [sflag:s22], $0x50  }
0x58: {  	[sflag:s22] =	ssyncset.done $0x0  }
0x59: {  	[sflag:s22] =	ssyncadd.s32 $0xFFFFFFB0  }
0x5a: {  	_ =	swait.ge [sflag:s23], $0x50  }
0x5b: {  	[sflag:s23] =	ssyncset.done $0x0  }
0x5c: {  	[sflag:s23] =	ssyncadd.s32 $0xFFFFFFB0  }
0x5d: {  	_ =	swait.ge [sflag:s20], $0x50  }
0x5e: {  	[sflag:s20] =	ssyncset.done $0x0  }
0x5f: {  	[sflag:s20] =	ssyncadd.s32 $0xFFFFFFB0  }
0x60: {  	_ =	swait.ge [sflag:s21], $0x50  }
0x61: {  	[sflag:s21] =	ssyncset.done $0x0  }
0x62: {  	[sflag:s21] =	ssyncadd.s32 $0xFFFFFFB0  }
0x63: {  	s25 =	simm.s32 @!p0 $0x5;
	[bflag:$0x0] =	sbarrier.arrive $0xFFFF  }
0x64: {  	[hbm:s9], [sflag:s14] =	dma.local @!p0 [spmem:s15], $0x7D  }
0x65: {  	s24 =	sadd.s32 $0x1, s24;
	_ =	swait.ge @!p0 [sflag:s25], $0x7D  }
0x66: {  	p1 =	sne.s32 s24, s11;
	[sflag:s25] =	ssyncset.done @!p0 $0x0  }
.Ltmp1:
0x67: {  	[sflag:s25] =	ssyncadd.s32 @!p0 $0xFFFFFF83;
	(pc) =	sbr.rel @p1 .LBB2_1-.Ltmp1, $4  }
0x68: {  	[hbm:s10], [sflag:s14] =	dma.local @!p0 [spmem:s16], $0x7D  }
0x69: {  	_ =	swait.ge @!p0 [sflag:s25], $0x7D  }
0x6a: {  	[sflag:s25] =	ssyncset.done @!p0 $0x0  }
0x6b: {  	[sflag:s25] =	ssyncadd.s32 @!p0 $0xFFFFFF83  }
0x6c: {  	_ =	sfence.sel $0x180000  }
0x6d: {  	[bflag:$0x0] =	sbarrier.arrive $0xFFFF  }
0x6e: {  	p0 =	sne.s32 s1, $0x0;
	_ =	strace $0x90000047  }
0x6f: {  	s0 =	sadd.s32 @!p0 $0x100000, s0;
	[bflag:$0x2] =	sbarrier.arrive $0xFFFF  }
0x70: {  	[sflag:s0] =	ssyncadd.tile.s32 @!p0 $0x1;
	_ =	shalt  }
.Lfunc_end2:
_tile_overlayer_lowered:
.L_overlay_start_2:
0x71: {  	(tag) =	ssettag $0x2  }
0x72: {  	s0 =	rddreg [dreg:$0x0];
	s2 =	stileid.u32  }
0x73: {  	s1 =	rddreg [dreg:$0x1];
	p0 =	sne.s32 s2, $0x0  }
0x74: {  	s3 =	rddreg [dreg:$0x2];
	[bflag:$0x3] =	sbarrier.arrive $0xFFFF;
	s2 =	simm.s32 @!p0 $0x1C05  }
0x75: {  	[timem:s3], [sflag:s2] =	dma.local @!p0 [hbm:s0], s1  }
0x76: {  	s0 =	simm.s32 @!p0 $0x5  }
0x77: {  	_ =	swait.ge @!p0 [sflag:s0], s1  }
0x78: {  	s1 =	ssub.s32 @!p0 $0x0, s1;
	[sflag:s0] =	ssyncset.done @!p0 $0x0  }
0x79: {  	[sflag:s0] =	ssyncadd.s32 @!p0 s1  }
0x7a: {  	[bflag:$0x3] =	sbarrier.arrive $0xFFFF  }
0x7b: {  	_ =	shalt  }

// kernel: kernel.13.cloned.1.call-start
scs
__scs_entry_jumppad:
0x0: {  	(pc) =	sbr.rel $0x88, $3  }
0x1: {  	(tag) =	ssettag $0x0;
	lr =	simm.s32 $0x1  }
0x2: {  	[smem:$0x3F99] =	sst lr;
	_ =	strace $0xD0000000  }
0x3: {  	_ = 	snop  }
0x4: {  	_ = 	snop  }
0x5: {  	_ = 	snop  }
0x6: {  	_ = 	snop  }
0x7: {  	_ = 	snop  }
__scs_overlays_trampoline_lowered:
0x8: {  	[smem:$0x3FA8] =	sst s0  }
0x9: {  	[smem:$0x3FA9] =	sst s1  }
0xa: {  	[smem:$0x3FAA] =	sst s2  }
0xb: {  	[smem:$0x3FAB] =	sst s3  }
0xc: {  	[smem:$0x3FAC] =	sst s4  }
0xd: {  	[smem:$0x3FAD] =	sst s5  }
0xe: {  	[smem:$0x3FAE] =	sst s6  }
0xf: {  	[smem:$0x3FAF] =	sst s7  }
0x10: {  	[smem:$0x3FB0] =	sst s8  }
0x11: {  	[smem:$0x3FB1] =	sst s9;
	s0 =	simm.s32 @!p0 $0x0  }
0x12: {  	s1 =	sld [smem:$0x3F97];
	s0 =	simm.s32 @p0 $0x1  }
0x13: {  	[smem:$0x3FB2] =	sst s0;
	s0 =	simm.s32 @!p1 $0x0  }
0x14: {  	s2 =	sld [smem:$0x3F96];
	s0 =	simm.s32 @p1 $0x1  }
0x15: {  	[smem:$0x3FB3] =	sst s0;
	s0 =	simm.s32 @!p2 $0x0  }
0x16: {  	s3 =	sld [smem:$0x3FDB];
	s0 =	simm.s32 @p2 $0x1  }
0x17: {  	s4 =	simm.s32 $0x1BF5;
	[smem:$0x3FB5] =	sst s0  }
0x18: {  	s0 =	sld [smem:$0x3F98];
	_ =	swait.ge [sflag:s4], $0x0  }
0x19: {  	s7 =	sld [smem:$0x3F99]  }
0x1a: {  	s8 =	sadd.s32 $0xFFFFE003, lr  }
0x1b: {  	s9 =	sadd.s32 $0xFFFFFEF7, lr;
	s5 =	simm.s32 $0xFFFFFFFF;
	p2 =	slt.u32 s8, $0xFFFFF086  }
0x1c: {  	p1 =	slt.u32 s9, $0xF7A;
	s5 =	simm.s32 @!p2 $0x0  }
0x1d: {  	s5 =	simm.s32 @p1 $0x1;
	p0 =	seq.s32 s7, s2  }
0x1e: {  	s7 =	smul.u32 @!p0 $0xF7A, s2;
	p2 =	seq.s32 @!p0 s5, $0x0  }
0x1f: {  	s9 =	smul.u32 $0xF7A, s1;
	s8 =	simm.s32 @!p0 $0x1BF5;
	p2 =	por !p2, p0  }
0x20: {  	[sflag:s8] =	ssyncset.s32 @!p0 $0xFFFFF086;
	s6 =	sadd.s32 @!p0 s3, s7;
	s7 =	simm.s32 @!p0 $0x108  }
0x21: {  	s3 =	sadd.s32 s3, s9;
	s6 =	sadd.s32 @!p0 $0x88, s6;
	s7 =	simm.s32 @p2 $0x1082  }
0x22: {  	[simem:s7], [sflag:s8] =	dma.local @!p0 [hbm:s6], $0xF7A  }
0x23: {  	s9 =	sor.u32 $0xD0000000, s2;
	s6 =	simm.s32 $0x108;
	_ =	swait.ge @!p0 [sflag:s8], $0x0  }
0x24: {  	s3 =	sadd.s32 $0x88, s3;
	s6 =	simm.s32 @!p1 $0x1082;
	[sflag:s4] =	ssyncset.s32 $0xFFFFF086  }
0x25: {  	[simem:s6], [sflag:s4] =	dma.local [hbm:s3], $0xF7A  }
0x26: {  	[smem:$0x3F99] =	sst s1;
	(tag) =	ssettag s2;
	_ =	strace s9  }
0x27: {  	s1 =	sld [smem:$0x3FA9]  }
0x28: {  	s2 =	sld [smem:$0x3FAA]  }
0x29: {  	s4 =	sld [smem:$0x3FAC]  }
0x2a: {  	p0 =	seq.s32 s5, $0x0;
	s5 =	sld [smem:$0x3FAD]  }
0x2b: {  	s6 =	sld [smem:$0x3FAE]  }
0x2c: {  	s7 =	sld [smem:$0x3FAF]  }
0x2d: {  	s3 =	simm.s32 $0x108;
	s8 =	sld [smem:$0x3FB0]  }
0x2e: {  	s3 =	simm.s32 @!p0 $0x1082;
	s9 =	sld [smem:$0x3FB1]  }
0x2f: {  	lr =	sadd.s32 s0, s3;
	s0 =	sld [smem:$0x3FA8]  }
0x30: {  	s3 =	sld [smem:$0x3FAB]  }
0x31: {  	[smem:$0x3FB4] =	sst s10  }
0x32: {  	s10 =	sld [smem:$0x3FB2];
	_ =	sdelay $0x3  }
0x33: {  	p0 =	seq.s32 s10, $0x1;
	s10 =	sld [smem:$0x3FB4];
	_ =	sdelay $0x3  }
0x34: {  	[smem:$0x3FB4] =	sst s10  }
0x35: {  	s10 =	sld [smem:$0x3FB3];
	_ =	sdelay $0x3  }
0x36: {  	p1 =	seq.s32 s10, $0x1;
	s10 =	sld [smem:$0x3FB4];
	_ =	sdelay $0x3  }
0x37: {  	[smem:$0x3FB4] =	sst s10  }
0x38: {  	s10 =	sld [smem:$0x3FB5]  }
0x39: {  	_ = 	snop;
	(pc) =	sbr.ind lr, $3  }
0x3a: {  	_ = 	snop  }
0x3b: {  	_ = 	snop  }
0x3c: {  	p2 =	seq.s32 s10, $0x1;
	s10 =	sld [smem:$0x3FB4]  }
0x3d: {  	_ =	shalt  }
0x3e: {  	_ =	shalt  }
0x3f: {  	_ =	shalt  }
0x40: {  	_ =	shalt  }
0x41: {  	_ =	shalt  }
0x42: {  	_ =	shalt  }
0x43: {  	_ =	shalt  }
0x44: {  	_ =	shalt  }
0x45: {  	_ =	shalt  }
0x46: {  	_ =	shalt  }
0x47: {  	_ =	shalt  }
0x48: {  	_ =	shalt  }
0x49: {  	_ =	shalt  }
0x4a: {  	_ =	shalt  }
0x4b: {  	_ =	shalt  }
0x4c: {  	_ =	shalt  }
0x4d: {  	_ =	shalt  }
0x4e: {  	_ =	shalt  }
0x4f: {  	_ =	shalt  }
0x50: {  	_ =	shalt  }
0x51: {  	_ =	shalt  }
0x52: {  	_ =	shalt  }
0x53: {  	_ =	shalt  }
0x54: {  	_ =	shalt  }
0x55: {  	_ =	shalt  }
0x56: {  	_ =	shalt  }
0x57: {  	_ =	shalt  }
0x58: {  	_ =	shalt  }
0x59: {  	_ =	shalt  }
0x5a: {  	_ =	shalt  }
0x5b: {  	_ =	shalt  }
0x5c: {  	_ =	shalt  }
0x5d: {  	_ =	shalt  }
0x5e: {  	_ =	shalt  }
0x5f: {  	_ =	shalt  }
0x60: {  	_ =	shalt  }
0x61: {  	_ =	shalt  }
0x62: {  	_ =	shalt  }
0x63: {  	_ =	shalt  }
0x64: {  	_ =	shalt  }
0x65: {  	_ =	shalt  }
0x66: {  	_ =	shalt  }
0x67: {  	_ =	shalt  }
0x68: {  	_ =	shalt  }
0x69: {  	_ =	shalt  }
0x6a: {  	_ =	shalt  }
0x6b: {  	_ =	shalt  }
0x6c: {  	_ =	shalt  }
0x6d: {  	_ =	shalt  }
0x6e: {  	_ =	shalt  }
0x6f: {  	_ =	shalt  }
0x70: {  	_ =	shalt  }
0x71: {  	_ =	shalt  }
0x72: {  	_ =	shalt  }
0x73: {  	_ =	shalt  }
0x74: {  	_ =	shalt  }
0x75: {  	_ =	shalt  }
0x76: {  	_ =	shalt  }
0x77: {  	_ =	shalt  }
0x78: {  	_ =	shalt  }
0x79: {  	_ =	shalt  }
0x7a: {  	_ =	shalt  }
0x7b: {  	_ =	shalt  }
0x7c: {  	_ =	shalt  }
0x7d: {  	_ =	shalt  }
0x7e: {  	_ =	shalt  }
0x7f: {  	_ =	shalt  }
0x80: {  	_ =	shalt  }
0x81: {  	_ =	shalt  }
0x82: {  	_ =	shalt  }
0x83: {  	_ =	shalt  }
0x84: {  	_ =	shalt  }
0x85: {  	_ =	shalt  }
0x86: {  	_ =	shalt  }
0x87: {  	_ =	shalt  }
.Lfunc_end0:
.L_simem_size_0:
called_computation.1_lowered:
.L_overlay_start_0:
0x88: {  	s2 =	sld [smem:$0x3FD9]  }
0x89: {  	s3 =	sld [smem:$0x3FFE];
	_ =	sdelay $0x1  }
0x8a: {  	s1 =	srdreg.scid  }
0x8b: {  	s0 =	sand.u32 $0x1, s1  }
0x8c: {  	s17 =	sshll.u32 s0, $0xA;
	s2 =	sadd.s32 s3, s2  }
0x8d: {  	s2 =	sadd.s32 s2, s17  }
0x8e: {  	[smem:$0x3FC0] =	sst s2  }
0x8f: {  	_ = 	snop  }
0x90: {  	s2 =	sld [smem:$0x3FD0];
	(tm) =	ssettm $0x1  }
0x91: {  	s18 =	sld [smem:$0x3FFB];
	_ =	sdelay $0x3  }
0x92: {  	_ =	strace s18  }
0x93: {  	s3 =	sld [smem:$0x3FFC];
	_ =	sdelay $0x3  }
0x94: {  	_ =	strace s3  }
0x95: {  	s3 =	sld [smem:$0x3FFD];
	_ =	sdelay $0x3  }
0x96: {  	_ =	strace s3  }
0x97: {  	_ =	strace $0x8FFFFFFF  }
0x98: {  	s19 =	sld [smem:$0x3FDB];
	_ =	sdelay $0x1  }
0x99: {  	s4 =	simm.s32 $_scs_section_size  }
0x9a: {  	s5 =	simm.s32 $_size__tile_overlayer_lowered;
	s6 =	simm.s32 $_tile_overlayer_lowered  }
0x9b: {  	s22 =	simm.s32 $0x1BFF;
	s21 =	sshll.u32 s6, $0x1;
	s3 =	sadd.s32 s4, s19  }
0x9c: {  	s7 =	simm.s32 $0x0;
	s20 =	sshll.u32 s5, $0x1;
	s5 =	sadd.s32 s21, s3  }
0x9d: {  	[timem:s7], [sflag:s22] =	dma.local [hbm:s5], s20  }
0x9e: {  	_ =	swait.ge [sflag:s22], s20  }
0x9f: {  	s4 =	ssub.s32 $0x0, s20;
	[sflag:s22] =	ssyncset.done $0x0  }
0xa0: {  	[sflag:s22] =	ssyncadd.s32 s4;
	_ =	sdelay $0x1  }
0xa1: {  	s23 =	simm.s32 $0x1B8B  }
0xa2: {  	_ =	swait.ge [sflag:s23], $0x1  }
0xa3: {  	[sflag:s23] =	ssyncset.done $0x0  }
0xa4: {  	s25 =	simm.s32 $0x1B8E;
	s24 =	sld [smem:$0x3FFE];
	[sflag:s23] =	ssyncadd.s32 $0xFFFFFFFF  }
0xa5: {  	s26 =	simm.s32 $execute0_lowered;
	[smem:$0x3FD2] =	sst s25  }
0xa6: {  	s5 =	sshll.u32 s26, $0x1;
	_ =	strace $0x80000049;
	[dreg:$0x1] =	wrdreg $0xFFFFFFFF  }
0xa7: {  	s28 =	simm.s32 $_size_execute0_lowered;
	s3 =	sadd.s32 s3, s5;
	[dreg:$0x0] =	wrdreg $0x0  }
0xa8: {  	s5 =	sshll.u32 s28, $0x1;
	[dreg:$0x2] =	wrdreg s3  }
0xa9: {  	[dreg:$0x3] =	wrdreg s5  }
0xaa: {  	[dreg:$0x4] =	wrdreg $0xC0  }
0xab: {  	_ =	task [dreg:s7], $0x5FFFF  }
0xac: {  	[dreg:$0x1] =	wrdreg $0xFFFFFFFF  }
0xad: {  	[dreg:$0x0] =	wrdreg $0x60  }
0xae: {  	[dreg:$0x2] =	wrdreg s2  }
0xaf: {  	[dreg:$0x3] =	wrdreg s24  }
0xb0: {  	[dreg:$0x4] =	wrdreg $0xC6200  }
0xb1: {  	[dreg:$0x5] =	wrdreg $0x9  }
0xb2: {  	_ =	task.clear_ibuf [dreg:s7], $0x6FFFF;
	_ =	strace $0x90000049  }
0xb3: {  	s29 =	simm.s32 $0x9;
	_ =	strace $0x8000004B  }
0xb4: {  	_ =	swait.ge [sflag:s29], $0x1  }
0xb5: {  	[sflag:s29] =	ssyncadd.s32 $0xFFFFFFFF  }
0xb6: {  	_ =	strace $0x9000004B  }
0xb7: {  	_ =	sfence  }
0xb8: {  	s30 =	sld [smem:$0x0];
	_ =	sdelay $0x2  }
0xb9: {  	s31 =	sshll.u32 s1, $0xD;
	s1 =	sshrl.u32 s1, $0x2  }
0xba: {  	s3 =	sand.u32 $0x4000, s31;
	s1 =	sadd.s32 s1, s30  }
0xbb: {  	s0 =	sor.u32 s3, s0;
	s1 =	sshll.u32 s1, $0x11  }
0xbc: {  	s0 =	sor.u32 s1, s0  }
0xbd: {  	s0 =	sadd.s32 $0x8F2B, s0  }
0xbe: {  	[sflag:s0] =	ssyncadd.remote.s32 $0x1  }
0xbf: {  	_ =	sfence.sel $0xFFFF  }
0xc0: {  	[dreg:$0x0] =	wrdreg $0xFFFFFFFF;
	(pc) =	sbr.abs _section_cstart, $3  }
0xc1: {  	[dreg:$0x1] =	wrdreg $0xFFFFFFFF  }
0xc2: {  	_ =	task.clear_ibuf [dreg:s7], $0x2FFFF;
	_ =	strace $0x9FFFFFFF  }
0xc3: {  	(tm) =	ssettm $0x7FFFFFFF  }
tec
execute0_lowered:
.L_overlay_start_1:
0x0: {  	(tag) =	ssettag $0x1  }
0x1: {  	s0 =	rddreg [dreg:$0x0]  }
0x2: {  	s1 =	rddreg [dreg:$0x1]  }
0x3: {  	s2 =	rddreg [dreg:$0x2];
	s3 =	simm.s32 $0x0;
	s13 =	stileid.u32  }
0x4: {  	s4 =	srdreg.scid;
	s14 =	simm.s32 $0x2;
	s15 =	simm.s32 $0x1  }
0x5: {  	s16 =	simm.s32 $0x50;
	s17 =	simm.s32 $0x4E20;
	s18 =	simm.s32 $0x7620  }
0x6: {  	s19 =	simm.s32 $0x3;
	s20 =	simm.s32 $0x9E20;
	s21 =	simm.s32 $0x4  }
0x7: {  	s22 =	simm.s32 $0x6;
	s23 =	simm.s32 $0x5;
	s24 =	simm.s32 $0x7  }
0x8: {  	s28 =	simm.s32 $0x8;
	s30 =	simm.s32 $0x9;
	s31 =	simm.s32 $0x0  }
0x9: {  	[smem:$0x7FF] =	sst s3;
	s5 =	smul.u32 $0x2710, s13;
	s6 =	sand.u32 $0x1, s4  }
0xa: {  	s4 =	sadd.s32 $0x3200, s1;
	s9 =	smul.u32 $0x4E200, s13;
	_ =	strace $0x8000004A  }
0xb: {  	s7 =	smul.u32 $0x28000, s6;
	s8 =	sshll.u32 s6, $0x4;
	s6 =	ssub.s32 $0x2, s6  }
0xc: {  	s8 =	sor.u32 s13, s8;
	s10 =	sadd.s32 s5, s1;
	s25 =	sshrl.u32 s6, $0x1  }
0xd: {  	s26 =	sshrl.u32 s9, $0x2;
	s7 =	sadd.s32 s5, s7;
	s8 =	smul.u32 $0x2710, s8  }
0xe: {  	s11 =	ssub.s32 s6, s25;
	s12 =	sadd.s32 s26, s2;
	s5 =	sshll.u32 s13, $0x6  }
0xf: {  	s1 =	sadd.s32 s7, s1;
	s7 =	sadd.s32 $0x2B200, s10;
	s29 =	sshrl.u32 s8, $0x3  }
0x10: {  	s11 =	smax.u32 s11, $0x1;
	s12 =	sshrl.u32 s12, $0x3;
	s6 =	sadd.s32 s0, s29  }
0x11: {  	s8 =	sor.u32 $0x1C01, s5;
	s10 =	sadd.s32 $0x52400, s1;
	s9 =	sadd.s32 $0x9C40, s6  }
.LBB2_1:
0x12: {  	[spmem:s12], [sflag:s8] =	dma.local [hbm:s7], $0x2710  }
0x13: {  	[tilespmem:s3], [sflag:$0x2] =	stream.linear.gather [hbm4b:s6+s3], $0x2710, $0x38;
	[tilespmem:$0x1FEA0] =	vst v63  }
0x14: {  	s0 =	simm.s32 $0x2710  }
0x15: {  	[tilespmem:s0], [sflag:$0x2] =	stream.linear.gather [hbm4b:s9+s3], $0x2710, $0x38;
	[tilespmem:$0x1FEA0] =	vst v63  }
0x16: {  	_ =	swait.ge [sflag:s14], $0x2710  }
0x17: {  	[sflag:s14] =	ssyncset.done $0x0  }
0x18: {  	[sflag:s14] =	ssyncadd.s32 $0xFFFFD8F0  }
0x19: {  	_ =	swait.ge [sflag:s14], $0x2710  }
0x1a: {  	[sflag:s14] =	ssyncset.done $0x0  }
0x1b: {  	[sflag:s14] =	ssyncadd.s32 $0xFFFFD8F0  }
0x1c: {  	_ =	swait.ge [sflag:s15], $0x2710  }
0x1d: {  	[sflag:s15] =	ssyncset.done $0x0  }
0x1e: {  	p0 =	por $0x1, $0x1;
	[sflag:s15] =	ssyncadd.s32 $0xFFFFD8F0  }
0x1f: {  	s0 =	simm.s32 @!p0 $0x7;
	[bflag:$0x0] =	sbarrier.arrive $0xFFFF  }
0x20: {  	[tilespmem:s17], [sflag:$0x3] =	stream.indirect.gather [hbm4b:s4+s16], $0x80, s3, s16, $0xb8;
	[tilespmem:$0x1FEA0] =	vst v63  }
0x21: {  	_ =	swait.ge @!p0 [sflag:s0], $0x2800  }
0x22: {  	[sflag:s0] =	ssyncset.done @!p0 $0x0  }
0x23: {  	s1 =	simm.s32 $0x50;
	[sflag:s0] =	ssyncadd.s32 @!p0 $0xFFFFD800  }
0x24: {  	[tilespmem:s18], [sflag:$0x4] =	stream.indirect.gather [hbm4b:s4+s16], $0x80, s1, s16, $0xb8;
	[tilespmem:$0x1FEA0] =	vst v63  }
0x25: {  	_ =	swait.ge [sflag:s19], $0x2800  }
0x26: {  	p0 =	por $0x1, $0x1;
	[sflag:s19] =	ssyncset.done $0x0  }
0x27: {  	s13 =	simm.s32 $0x2710;
	s1 =	simm.s32 @!p0 $0x8;
	[sflag:s19] =	ssyncadd.s32 $0xFFFFD800  }
0x28: {  	[spmem:s2] =	stream.indirect.scatter.add.f32 [tilespmem:s17], [sflag:$0x6], $0x80, s13, s16, $0xb8;
	[tilespmem:$0x1FEA0] =	vst v63  }
0x29: {  	_ =	swait.ge @!p0 [sflag:s1], $0x2800  }
0x2a: {  	[sflag:s1] =	ssyncset.done @!p0 $0x0  }
0x2b: {  	s25 =	simm.s32 $0xA0;
	[sflag:s1] =	ssyncadd.s32 @!p0 $0xFFFFD800  }
0x2c: {  	[tilespmem:s20], [sflag:$0x5] =	stream.indirect.gather [hbm4b:s4+s16], $0x80, s25, s16, $0xb8;
	[tilespmem:$0x1FEA0] =	vst v63  }
0x2d: {  	_ =	swait.ge [sflag:s21], $0x2800  }
0x2e: {  	[sflag:s21] =	ssyncset.done $0x0  }
0x2f: {  	s26 =	simm.s32 $0x2760;
	[sflag:s21] =	ssyncadd.s32 $0xFFFFD800  }
0x30: {  	[spmem:s2] =	stream.indirect.scatter.add.f32 [tilespmem:s18], [sflag:$0x7], $0x80, s26, s16, $0xb8;
	[tilespmem:$0x1FEA0] =	vst v63  }
0x31: {  	_ =	swait.ge [sflag:s22], $0x2800  }
0x32: {  	s29 =	simm.s32 $0xF0;
	p1 =	por $0x0, $0x0;
	[sflag:s22] =	ssyncset.done $0x0  }
0x33: {  	s0 =	simm.s32 $0x1;
	s13 =	simm.s32 $0x780;
	[sflag:s22] =	ssyncadd.s32 $0xFFFFD800  }
0x34: {  	[tilespmem:s17], [sflag:$0x3] =	stream.indirect.gather [hbm4b:s4+s16], $0x80, s29, s16, $0xb8;
	[tilespmem:$0x1FEA0] =	vst v63  }
0x35: {  	s1 =	simm.s32 $0x3C0;
	s25 =	simm.s32 $0x27B0;
	_ =	swait.ge [sflag:s23], $0x2800  }
.LBB2_2:
0x36: {  	s26 =	simm.s32 @!p1 $0x7  }
0x37: {  	[sflag:s23] =	ssyncset.done $0x0;
	s29 =	smov.u32 s13;
	s13 =	sadd.s32 $0x3C0, s13  }
0x38: {  	p0 =	sne.s32 s13, $0x99C0;
	[sflag:s23] =	ssyncadd.s32 $0xFFFFD800  }
0x39: {  	[spmem:s2] =	stream.indirect.scatter.add.f32 [tilespmem:s20], [sflag:$0x8], $0x80, s25, s16, $0xb8;
	[tilespmem:$0x1FEA0] =	vst v63  }
0x3a: {  	s25 =	sshra.s32 s1, $0x2;
	s1 =	smov.u32 s29;
	_ =	swait.ge @!p1 [sflag:s26], $0x2800  }
0x3b: {  	s29 =	sadd.s32 $0x50, s25;
	[sflag:s26] =	ssyncset.done @!p1 $0x0  }
0x3c: {  	[sflag:s26] =	ssyncadd.s32 @!p1 $0xFFFFD800  }
0x3d: {  	[tilespmem:s18], [sflag:$0x4] =	stream.indirect.gather [hbm4b:s4+s16], $0x80, s29, s16, $0xb8;
	[tilespmem:$0x1FEA0] =	vst v63  }
0x3e: {  	s26 =	sadd.s32 $0x1, s0;
	_ =	swait.ge [sflag:s19], $0x2800  }
0x3f: {  	s29 =	sadd.s32 $0x2710, s25;
	p1 =	sgt.u32 s26, $0x7A;
	[sflag:s19] =	ssyncset.done $0x0  }
0x40: {  	s26 =	simm.s32 @!p1 $0x8;
	[sflag:s19] =	ssyncadd.s32 $0xFFFFD800  }
0x41: {  	[spmem:s2] =	stream.indirect.scatter.add.f32 [tilespmem:s17], [sflag:$0x6], $0x80, s29, s16, $0xb8;
	[tilespmem:$0x1FEA0] =	vst v63  }
0x42: {  	_ =	swait.ge @!p1 [sflag:s26], $0x2800  }
0x43: {  	s29 =	sadd.s32 $0xA0, s25;
	[sflag:s26] =	ssyncset.done @!p1 $0x0  }
0x44: {  	[sflag:s26] =	ssyncadd.s32 @!p1 $0xFFFFD800  }
0x45: {  	[tilespmem:s20], [sflag:$0x5] =	stream.indirect.gather [hbm4b:s4+s16], $0x80, s29, s16, $0xb8;
	[tilespmem:$0x1FEA0] =	vst v63  }
0x46: {  	_ =	swait.ge [sflag:s21], $0x2800  }
0x47: {  	s26 =	sadd.s32 $0x2760, s25;
	[sflag:s21] =	ssyncset.done $0x0  }
0x48: {  	[sflag:s21] =	ssyncadd.s32 $0xFFFFD800  }
0x49: {  	[spmem:s2] =	stream.indirect.scatter.add.f32 [tilespmem:s18], [sflag:$0x7], $0x80, s26, s16, $0xb8;
	[tilespmem:$0x1FEA0] =	vst v63  }
.Ltmp0:
0x4a: {  	_ =	swait.ge [sflag:s22], $0x2800;
	(pc) =	sbr.rel @p0 .LBB2_2-.Ltmp0, $4  }
0x4b: {  	s26 =	sadd.s32 $0xF0, s25;
	[sflag:s22] =	ssyncset.done $0x0  }
0x4c: {  	s0 =	sadd.s32 $0x3, s0;
	[sflag:s22] =	ssyncadd.s32 $0xFFFFD800  }
0x4d: {  	[tilespmem:s17], [sflag:$0x3] =	stream.indirect.gather [hbm4b:s4+s16], $0x80, s26, s16, $0xb8;
	[tilespmem:$0x1FEA0] =	vst v63  }
0x4e: {  	p1 =	sgt.u32 s0, $0x7A;
	s25 =	sadd.s32 $0x27B0, s25;
	_ =	swait.ge [sflag:s23], $0x2800  }
0x4f: {  	[sflag:s23] =	ssyncset.done $0x0  }
0x50: {  	s13 =	simm.s32 @!p1 $0x7;
	[sflag:s23] =	ssyncadd.s32 $0xFFFFD800  }
0x51: {  	[spmem:s2] =	stream.indirect.scatter.add.f32 [tilespmem:s20], [sflag:$0x8], $0x80, s25, s16, $0xb8;
	[tilespmem:$0x1FEA0] =	vst v63  }
0x52: {  	_ =	swait.ge @!p1 [sflag:s13], $0x2800  }
0x53: {  	s1 =	sshra.s32 s1, $0x2;
	[sflag:s13] =	ssyncset.done @!p1 $0x0  }
0x54: {  	s26 =	sadd.s32 $0x50, s1;
	[sflag:s13] =	ssyncadd.s32 @!p1 $0xFFFFD800  }
0x55: {  	[tilespmem:s18], [sflag:$0x4] =	stream.indirect.gather [hbm4b:s4+s16], $0x80, s26, s16, $0xb8;
	[tilespmem:$0x1FEA0] =	vst v63  }
0x56: {  	s0 =	sadd.s32 $0x1, s0;
	_ =	swait.ge [sflag:s19], $0x2800  }
0x57: {  	p0 =	sgt.u32 s0, $0x7A;
	[sflag:s19] =	ssyncset.done $0x0  }
0x58: {  	s29 =	sadd.s32 $0x2710, s1;
	s13 =	simm.s32 @!p0 $0x8;
	[sflag:s19] =	ssyncadd.s32 $0xFFFFD800  }
0x59: {  	[spmem:s2] =	stream.indirect.scatter.add.f32 [tilespmem:s17], [sflag:$0x6], $0x80, s29, s16, $0xb8;
	[tilespmem:$0x1FEA0] =	vst v63  }
0x5a: {  	_ =	swait.ge @!p0 [sflag:s13], $0x2800  }
0x5b: {  	[sflag:s13] =	ssyncset.done @!p0 $0x0  }
0x5c: {  	s25 =	sadd.s32 $0xA0, s1;
	[sflag:s13] =	ssyncadd.s32 @!p0 $0xFFFFD800  }
0x5d: {  	[tilespmem:s20], [sflag:$0x5] =	stream.indirect.gather [hbm4b:s4+s16], $0x80, s25, s16, $0xb8;
	[tilespmem:$0x1FEA0] =	vst v63  }
0x5e: {  	_ =	swait.ge [sflag:s21], $0x2800  }
0x5f: {  	[sflag:s21] =	ssyncset.done $0x0  }
0x60: {  	s26 =	sadd.s32 $0x2760, s1;
	[sflag:s21] =	ssyncadd.s32 $0xFFFFD800  }
0x61: {  	[spmem:s2] =	stream.indirect.scatter.add.f32 [tilespmem:s18], [sflag:$0x7], $0x80, s26, s16, $0xb8;
	[tilespmem:$0x1FEA0] =	vst v63  }
0x62: {  	_ =	swait.ge [sflag:s22], $0x2800  }
0x63: {  	[sflag:s22] =	ssyncset.done $0x0  }
0x64: {  	s29 =	sadd.s32 $0xF0, s1;
	[sflag:s22] =	ssyncadd.s32 $0xFFFFD800  }
0x65: {  	[tilespmem:s17], [sflag:$0x3] =	stream.indirect.gather [hbm4b:s4+s16], $0x80, s29, s16, $0xb8;
	[tilespmem:$0x1FEA0] =	vst v63  }
0x66: {  	_ =	swait.ge [sflag:s23], $0x2800  }
0x67: {  	[sflag:s23] =	ssyncset.done $0x0  }
0x68: {  	s1 =	sadd.s32 $0x27B0, s1;
	[sflag:s23] =	ssyncadd.s32 $0xFFFFD800  }
0x69: {  	[spmem:s2] =	stream.indirect.scatter.add.f32 [tilespmem:s20], [sflag:$0x8], $0x80, s1, s16, $0xb8;
	[tilespmem:$0x1FEA0] =	vst v63  }
0x6a: {  	_ =	swait.ge [sflag:s24], $0x2800  }
0x6b: {  	[sflag:s24] =	ssyncset.done $0x0  }
0x6c: {  	s13 =	simm.s32 $0x26C0;
	[sflag:s24] =	ssyncadd.s32 $0xFFFFD800  }
0x6d: {  	[tilespmem:s18], [sflag:$0x4] =	stream.indirect.gather [hbm4b:s4+s16], $0x80, s13, s16, $0xb8;
	[tilespmem:$0x1FEA0] =	vst v63  }
0x6e: {  	_ =	swait.ge [sflag:s19], $0x2800  }
0x6f: {  	[sflag:s19] =	ssyncset.done $0x0  }
0x70: {  	s25 =	simm.s32 $0x4D80;
	[sflag:s19] =	ssyncadd.s32 $0xFFFFD800  }
0x71: {  	[spmem:s2] =	stream.indirect.scatter.add.f32 [tilespmem:s17], [sflag:$0x6], $0x80, s25, s16, $0xb8;
	[tilespmem:$0x1FEA0] =	vst v63  }
0x72: {  	_ =	swait.ge [sflag:s28], $0x2800  }
0x73: {  	[sflag:s28] =	ssyncset.done $0x0  }
0x74: {  	[sflag:s28] =	ssyncadd.s32 $0xFFFFD800  }
0x75: {  	_ =	swait.ge [sflag:s21], $0x2800  }
0x76: {  	[sflag:s21] =	ssyncset.done $0x0  }
0x77: {  	s26 =	simm.s32 $0x4DD0;
	[sflag:s21] =	ssyncadd.s32 $0xFFFFD800  }
0x78: {  	[spmem:s2] =	stream.indirect.scatter.add.f32 [tilespmem:s18], [sflag:$0x7], $0x80, s26, s16, $0xb8;
	[tilespmem:$0x1FEA0] =	vst v63  }
0x79: {  	_ =	swait.ge [sflag:s22], $0x2800  }
0x7a: {  	[sflag:s22] =	ssyncset.done $0x0  }
0x7b: {  	[sflag:s22] =	ssyncadd.s32 $0xFFFFD800  }
0x7c: {  	_ =	swait.ge [sflag:s24], $0x2800  }
0x7d: {  	s31 =	sadd.s32 $0x1, s31;
	[sflag:s24] =	ssyncset.done $0x0  }
0x7e: {  	p0 =	sne.s32 s31, s11;
	[sflag:s24] =	ssyncadd.s32 $0xFFFFD800  }
.Ltmp1:
0x7f: {  	s29 =	sor.u32 $0x1C09, s5;
	[bflag:$0x0] =	sbarrier.arrive $0xFFFF;
	(pc) =	sbr.rel @p0 .LBB2_1-.Ltmp1, $4  }
0x80: {  	[hbm:s10], [sflag:s29] =	dma.local [spmem:s12], $0x2710  }
0x81: {  	_ =	swait.ge [sflag:s30], $0x2710  }
0x82: {  	[sflag:s30] =	ssyncset.done $0x0  }
0x83: {  	[sflag:s30] =	ssyncadd.s32 $0xFFFFD8F0  }
0x84: {  	_ =	sfence.sel $0x180000  }
0x85: {  	[bflag:$0x0] =	sbarrier.arrive $0xFFFF  }
0x86: {  	_ =	strace $0x9000004A  }
0x87: {  	s0 =	stileid.u32;
	[bflag:$0x2] =	sbarrier.arrive $0xFFFF  }
0x88: {  	p0 =	sne.s32 s0, $0x0;
	s0 =	rddreg [dreg:$0x3]  }
0x89: {  	s0 =	sadd.s32 @!p0 $0x100000, s0  }
0x8a: {  	[sflag:s0] =	ssyncadd.tile.s32 @!p0 $0x1;
	_ =	shalt  }
.Lfunc_end2:
_tile_overlayer_lowered:
.L_overlay_start_2:
0x8b: {  	(tag) =	ssettag $0x2  }
0x8c: {  	s0 =	rddreg [dreg:$0x0];
	s2 =	stileid.u32  }
0x8d: {  	s1 =	rddreg [dreg:$0x1];
	p0 =	sne.s32 s2, $0x0  }
0x8e: {  	s3 =	rddreg [dreg:$0x2];
	[bflag:$0x3] =	sbarrier.arrive $0xFFFF;
	s2 =	simm.s32 @!p0 $0x1C09  }
0x8f: {  	[timem:s3], [sflag:s2] =	dma.local @!p0 [hbm:s0], s1  }
0x90: {  	s0 =	simm.s32 @!p0 $0x9  }
0x91: {  	_ =	swait.ge @!p0 [sflag:s0], s1  }
0x92: {  	s1 =	ssub.s32 @!p0 $0x0, s1;
	[sflag:s0] =	ssyncset.done @!p0 $0x0  }
0x93: {  	[sflag:s0] =	ssyncadd.s32 @!p0 s1  }
0x94: {  	[bflag:$0x3] =	sbarrier.arrive $0xFFFF  }
0x95: {  	_ =	shalt  }

// kernel: kernel.16.cloned.1.call-start
scs
__scs_entry_jumppad:
0x0: {  	(pc) =	sbr.rel $0x88, $3  }
0x1: {  	(tag) =	ssettag $0x0;
	lr =	simm.s32 $0x1  }
0x2: {  	[smem:$0x3F99] =	sst lr;
	_ =	strace $0xD0000000  }
0x3: {  	_ = 	snop  }
0x4: {  	_ = 	snop  }
0x5: {  	_ = 	snop  }
0x6: {  	_ = 	snop  }
0x7: {  	_ = 	snop  }
__scs_overlays_trampoline_lowered:
0x8: {  	[smem:$0x3FA8] =	sst s0  }
0x9: {  	[smem:$0x3FA9] =	sst s1  }
0xa: {  	[smem:$0x3FAA] =	sst s2  }
0xb: {  	[smem:$0x3FAB] =	sst s3  }
0xc: {  	[smem:$0x3FAC] =	sst s4  }
0xd: {  	[smem:$0x3FAD] =	sst s5  }
0xe: {  	[smem:$0x3FAE] =	sst s6  }
0xf: {  	[smem:$0x3FAF] =	sst s7  }
0x10: {  	[smem:$0x3FB0] =	sst s8  }
0x11: {  	[smem:$0x3FB1] =	sst s9;
	s0 =	simm.s32 @!p0 $0x0  }
0x12: {  	s1 =	sld [smem:$0x3F97];
	s0 =	simm.s32 @p0 $0x1  }
0x13: {  	[smem:$0x3FB2] =	sst s0;
	s0 =	simm.s32 @!p1 $0x0  }
0x14: {  	s2 =	sld [smem:$0x3F96];
	s0 =	simm.s32 @p1 $0x1  }
0x15: {  	[smem:$0x3FB3] =	sst s0;
	s0 =	simm.s32 @!p2 $0x0  }
0x16: {  	s3 =	sld [smem:$0x3FDB];
	s0 =	simm.s32 @p2 $0x1  }
0x17: {  	s4 =	simm.s32 $0x1BF5;
	[smem:$0x3FB5] =	sst s0  }
0x18: {  	s0 =	sld [smem:$0x3F98];
	_ =	swait.ge [sflag:s4], $0x0  }
0x19: {  	s7 =	sld [smem:$0x3F99]  }
0x1a: {  	s8 =	sadd.s32 $0xFFFFE003, lr  }
0x1b: {  	s9 =	sadd.s32 $0xFFFFFEF7, lr;
	s5 =	simm.s32 $0xFFFFFFFF;
	p2 =	slt.u32 s8, $0xFFFFF086  }
0x1c: {  	p1 =	slt.u32 s9, $0xF7A;
	s5 =	simm.s32 @!p2 $0x0  }
0x1d: {  	s5 =	simm.s32 @p1 $0x1;
	p0 =	seq.s32 s7, s2  }
0x1e: {  	s7 =	smul.u32 @!p0 $0xF7A, s2;
	p2 =	seq.s32 @!p0 s5, $0x0  }
0x1f: {  	s9 =	smul.u32 $0xF7A, s1;
	s8 =	simm.s32 @!p0 $0x1BF5;
	p2 =	por !p2, p0  }
0x20: {  	[sflag:s8] =	ssyncset.s32 @!p0 $0xFFFFF086;
	s6 =	sadd.s32 @!p0 s3, s7;
	s7 =	simm.s32 @!p0 $0x108  }
0x21: {  	s3 =	sadd.s32 s3, s9;
	s6 =	sadd.s32 @!p0 $0x88, s6;
	s7 =	simm.s32 @p2 $0x1082  }
0x22: {  	[simem:s7], [sflag:s8] =	dma.local @!p0 [hbm:s6], $0xF7A  }
0x23: {  	s9 =	sor.u32 $0xD0000000, s2;
	s6 =	simm.s32 $0x108;
	_ =	swait.ge @!p0 [sflag:s8], $0x0  }
0x24: {  	s3 =	sadd.s32 $0x88, s3;
	s6 =	simm.s32 @!p1 $0x1082;
	[sflag:s4] =	ssyncset.s32 $0xFFFFF086  }
0x25: {  	[simem:s6], [sflag:s4] =	dma.local [hbm:s3], $0xF7A  }
0x26: {  	[smem:$0x3F99] =	sst s1;
	(tag) =	ssettag s2;
	_ =	strace s9  }
0x27: {  	s1 =	sld [smem:$0x3FA9]  }
0x28: {  	s2 =	sld [smem:$0x3FAA]  }
0x29: {  	s4 =	sld [smem:$0x3FAC]  }
0x2a: {  	p0 =	seq.s32 s5, $0x0;
	s5 =	sld [smem:$0x3FAD]  }
0x2b: {  	s6 =	sld [smem:$0x3FAE]  }
0x2c: {  	s7 =	sld [smem:$0x3FAF]  }
0x2d: {  	s3 =	simm.s32 $0x108;
	s8 =	sld [smem:$0x3FB0]  }
0x2e: {  	s3 =	simm.s32 @!p0 $0x1082;
	s9 =	sld [smem:$0x3FB1]  }
0x2f: {  	lr =	sadd.s32 s0, s3;
	s0 =	sld [smem:$0x3FA8]  }
0x30: {  	s3 =	sld [smem:$0x3FAB]  }
0x31: {  	[smem:$0x3FB4] =	sst s10  }
0x32: {  	s10 =	sld [smem:$0x3FB2];
	_ =	sdelay $0x3  }
0x33: {  	p0 =	seq.s32 s10, $0x1;
	s10 =	sld [smem:$0x3FB4];
	_ =	sdelay $0x3  }
0x34: {  	[smem:$0x3FB4] =	sst s10  }
0x35: {  	s10 =	sld [smem:$0x3FB3];
	_ =	sdelay $0x3  }
0x36: {  	p1 =	seq.s32 s10, $0x1;
	s10 =	sld [smem:$0x3FB4];
	_ =	sdelay $0x3  }
0x37: {  	[smem:$0x3FB4] =	sst s10  }
0x38: {  	s10 =	sld [smem:$0x3FB5]  }
0x39: {  	_ = 	snop;
	(pc) =	sbr.ind lr, $3  }
0x3a: {  	_ = 	snop  }
0x3b: {  	_ = 	snop  }
0x3c: {  	p2 =	seq.s32 s10, $0x1;
	s10 =	sld [smem:$0x3FB4]  }
0x3d: {  	_ =	shalt  }
0x3e: {  	_ =	shalt  }
0x3f: {  	_ =	shalt  }
0x40: {  	_ =	shalt  }
0x41: {  	_ =	shalt  }
0x42: {  	_ =	shalt  }
0x43: {  	_ =	shalt  }
0x44: {  	_ =	shalt  }
0x45: {  	_ =	shalt  }
0x46: {  	_ =	shalt  }
0x47: {  	_ =	shalt  }
0x48: {  	_ =	shalt  }
0x49: {  	_ =	shalt  }
0x4a: {  	_ =	shalt  }
0x4b: {  	_ =	shalt  }
0x4c: {  	_ =	shalt  }
0x4d: {  	_ =	shalt  }
0x4e: {  	_ =	shalt  }
0x4f: {  	_ =	shalt  }
0x50: {  	_ =	shalt  }
0x51: {  	_ =	shalt  }
0x52: {  	_ =	shalt  }
0x53: {  	_ =	shalt  }
0x54: {  	_ =	shalt  }
0x55: {  	_ =	shalt  }
0x56: {  	_ =	shalt  }
0x57: {  	_ =	shalt  }
0x58: {  	_ =	shalt  }
0x59: {  	_ =	shalt  }
0x5a: {  	_ =	shalt  }
0x5b: {  	_ =	shalt  }
0x5c: {  	_ =	shalt  }
0x5d: {  	_ =	shalt  }
0x5e: {  	_ =	shalt  }
0x5f: {  	_ =	shalt  }
0x60: {  	_ =	shalt  }
0x61: {  	_ =	shalt  }
0x62: {  	_ =	shalt  }
0x63: {  	_ =	shalt  }
0x64: {  	_ =	shalt  }
0x65: {  	_ =	shalt  }
0x66: {  	_ =	shalt  }
0x67: {  	_ =	shalt  }
0x68: {  	_ =	shalt  }
0x69: {  	_ =	shalt  }
0x6a: {  	_ =	shalt  }
0x6b: {  	_ =	shalt  }
0x6c: {  	_ =	shalt  }
0x6d: {  	_ =	shalt  }
0x6e: {  	_ =	shalt  }
0x6f: {  	_ =	shalt  }
0x70: {  	_ =	shalt  }
0x71: {  	_ =	shalt  }
0x72: {  	_ =	shalt  }
0x73: {  	_ =	shalt  }
0x74: {  	_ =	shalt  }
0x75: {  	_ =	shalt  }
0x76: {  	_ =	shalt  }
0x77: {  	_ =	shalt  }
0x78: {  	_ =	shalt  }
0x79: {  	_ =	shalt  }
0x7a: {  	_ =	shalt  }
0x7b: {  	_ =	shalt  }
0x7c: {  	_ =	shalt  }
0x7d: {  	_ =	shalt  }
0x7e: {  	_ =	shalt  }
0x7f: {  	_ =	shalt  }
0x80: {  	_ =	shalt  }
0x81: {  	_ =	shalt  }
0x82: {  	_ =	shalt  }
0x83: {  	_ =	shalt  }
0x84: {  	_ =	shalt  }
0x85: {  	_ =	shalt  }
0x86: {  	_ =	shalt  }
0x87: {  	_ =	shalt  }
.Lfunc_end0:
.L_simem_size_0:
called_computation.2_lowered:
.L_overlay_start_0:
0x88: {  	s2 =	sld [smem:$0x3FD9]  }
0x89: {  	s3 =	sld [smem:$0x3FFE];
	_ =	sdelay $0x1  }
0x8a: {  	s1 =	srdreg.scid  }
0x8b: {  	s0 =	sand.u32 $0x1, s1  }
0x8c: {  	s17 =	sshll.u32 s0, $0xA;
	s2 =	sadd.s32 s3, s2  }
0x8d: {  	s2 =	sadd.s32 s2, s17  }
0x8e: {  	[smem:$0x3FC0] =	sst s2  }
0x8f: {  	_ = 	snop  }
0x90: {  	s2 =	sld [smem:$0x3FD0];
	(tm) =	ssettm $0x1  }
0x91: {  	s18 =	sld [smem:$0x3FFB];
	_ =	sdelay $0x3  }
0x92: {  	_ =	strace s18  }
0x93: {  	s3 =	sld [smem:$0x3FFC];
	_ =	sdelay $0x3  }
0x94: {  	_ =	strace s3  }
0x95: {  	s3 =	sld [smem:$0x3FFD];
	_ =	sdelay $0x3  }
0x96: {  	_ =	strace s3  }
0x97: {  	_ =	strace $0x8FFFFFFF  }
0x98: {  	s19 =	sld [smem:$0x3FDB];
	_ =	sdelay $0x1  }
0x99: {  	s4 =	simm.s32 $_scs_section_size  }
0x9a: {  	s5 =	simm.s32 $_size__tile_overlayer_lowered;
	s6 =	simm.s32 $_tile_overlayer_lowered  }
0x9b: {  	s22 =	simm.s32 $0x1BFF;
	s21 =	sshll.u32 s6, $0x1;
	s3 =	sadd.s32 s4, s19  }
0x9c: {  	s7 =	simm.s32 $0x0;
	s20 =	sshll.u32 s5, $0x1;
	s5 =	sadd.s32 s21, s3  }
0x9d: {  	[timem:s7], [sflag:s22] =	dma.local [hbm:s5], s20  }
0x9e: {  	_ =	swait.ge [sflag:s22], s20  }
0x9f: {  	s4 =	ssub.s32 $0x0, s20;
	[sflag:s22] =	ssyncset.done $0x0  }
0xa0: {  	[sflag:s22] =	ssyncadd.s32 s4;
	_ =	sdelay $0x1  }
0xa1: {  	s23 =	simm.s32 $0x1B8B  }
0xa2: {  	_ =	swait.ge [sflag:s23], $0x1  }
0xa3: {  	[sflag:s23] =	ssyncset.done $0x0  }
0xa4: {  	s25 =	simm.s32 $0x1B8E;
	s24 =	sld [smem:$0x3FFE];
	[sflag:s23] =	ssyncadd.s32 $0xFFFFFFFF  }
0xa5: {  	s26 =	simm.s32 $execute0_lowered;
	[smem:$0x3FD2] =	sst s25  }
0xa6: {  	s5 =	sshll.u32 s26, $0x1;
	_ =	strace $0x8000004C;
	[dreg:$0x1] =	wrdreg $0xFFFFFFFF  }
0xa7: {  	s28 =	simm.s32 $_size_execute0_lowered;
	s3 =	sadd.s32 s3, s5;
	[dreg:$0x0] =	wrdreg $0x0  }
0xa8: {  	s5 =	sshll.u32 s28, $0x1;
	[dreg:$0x2] =	wrdreg s3  }
0xa9: {  	[dreg:$0x3] =	wrdreg s5  }
0xaa: {  	[dreg:$0x4] =	wrdreg $0xC0  }
0xab: {  	_ =	task [dreg:s7], $0x5FFFF  }
0xac: {  	[dreg:$0x1] =	wrdreg $0xFFFFFFFF  }
0xad: {  	[dreg:$0x0] =	wrdreg $0x60  }
0xae: {  	[dreg:$0x2] =	wrdreg s2  }
0xaf: {  	[dreg:$0x3] =	wrdreg s24  }
0xb0: {  	[dreg:$0x4] =	wrdreg $0xC6200  }
0xb1: {  	[dreg:$0x5] =	wrdreg $0x9  }
0xb2: {  	_ =	task.clear_ibuf [dreg:s7], $0x6FFFF;
	_ =	strace $0x9000004C  }
0xb3: {  	s29 =	simm.s32 $0x9;
	_ =	strace $0x8000004E  }
0xb4: {  	_ =	swait.ge [sflag:s29], $0x1  }
0xb5: {  	[sflag:s29] =	ssyncadd.s32 $0xFFFFFFFF  }
0xb6: {  	_ =	strace $0x9000004E  }
0xb7: {  	_ =	sfence  }
0xb8: {  	s30 =	sld [smem:$0x0];
	_ =	sdelay $0x2  }
0xb9: {  	s31 =	sshll.u32 s1, $0xD;
	s1 =	sshrl.u32 s1, $0x2  }
0xba: {  	s3 =	sand.u32 $0x4000, s31;
	s1 =	sadd.s32 s1, s30  }
0xbb: {  	s0 =	sor.u32 s3, s0;
	s1 =	sshll.u32 s1, $0x11  }
0xbc: {  	s0 =	sor.u32 s1, s0  }
0xbd: {  	s0 =	sadd.s32 $0x8F2B, s0  }
0xbe: {  	[sflag:s0] =	ssyncadd.remote.s32 $0x1  }
0xbf: {  	_ =	sfence.sel $0xFFFF  }
0xc0: {  	[dreg:$0x0] =	wrdreg $0xFFFFFFFF;
	(pc) =	sbr.abs _section_cstart, $3  }
0xc1: {  	[dreg:$0x1] =	wrdreg $0xFFFFFFFF  }
0xc2: {  	_ =	task.clear_ibuf [dreg:s7], $0x2FFFF;
	_ =	strace $0x9FFFFFFF  }
0xc3: {  	(tm) =	ssettm $0x7FFFFFFF  }
tec
execute0_lowered:
.L_overlay_start_1:
0x0: {  	(tag) =	ssettag $0x1  }
0x1: {  	s0 =	rddreg [dreg:$0x0]  }
0x2: {  	s1 =	rddreg [dreg:$0x1]  }
0x3: {  	s2 =	rddreg [dreg:$0x2];
	s3 =	simm.s32 $0x0;
	s13 =	stileid.u32  }
0x4: {  	s4 =	srdreg.scid;
	s14 =	simm.s32 $0x2;
	s15 =	simm.s32 $0x1  }
0x5: {  	s16 =	simm.s32 $0x50;
	s17 =	simm.s32 $0x4E20;
	s18 =	simm.s32 $0x7620  }
0x6: {  	s19 =	simm.s32 $0x3;
	s20 =	simm.s32 $0x9E20;
	s21 =	simm.s32 $0x4  }
0x7: {  	s22 =	simm.s32 $0x6;
	s23 =	simm.s32 $0x5;
	s24 =	simm.s32 $0x7  }
0x8: {  	s28 =	simm.s32 $0x8;
	s30 =	simm.s32 $0x9;
	s31 =	simm.s32 $0x0  }
0x9: {  	[smem:$0x7FF] =	sst s3;
	s5 =	smul.u32 $0x2710, s13;
	s6 =	sand.u32 $0x1, s4  }
0xa: {  	s4 =	sadd.s32 $0x3200, s1;
	s9 =	smul.u32 $0x4E200, s13;
	_ =	strace $0x8000004D  }
0xb: {  	s7 =	smul.u32 $0x28000, s6;
	s8 =	sshll.u32 s6, $0x4;
	s6 =	ssub.s32 $0x2, s6  }
0xc: {  	s8 =	sor.u32 s13, s8;
	s10 =	sadd.s32 s5, s1;
	s25 =	sshrl.u32 s6, $0x1  }
0xd: {  	s26 =	sshrl.u32 s9, $0x2;
	s7 =	sadd.s32 s5, s7;
	s8 =	smul.u32 $0x2710, s8  }
0xe: {  	s11 =	ssub.s32 s6, s25;
	s12 =	sadd.s32 s26, s2;
	s5 =	sshll.u32 s13, $0x6  }
0xf: {  	s1 =	sadd.s32 s7, s1;
	s7 =	sadd.s32 $0x2B200, s10;
	s29 =	sshrl.u32 s8, $0x3  }
0x10: {  	s11 =	smax.u32 s11, $0x1;
	s12 =	sshrl.u32 s12, $0x3;
	s6 =	sadd.s32 s0, s29  }
0x11: {  	s8 =	sor.u32 $0x1C01, s5;
	s10 =	sadd.s32 $0x52400, s1;
	s9 =	sadd.s32 $0x9C40, s6  }
.LBB2_1:
0x12: {  	[spmem:s12], [sflag:s8] =	dma.local [hbm:s7], $0x2710  }
0x13: {  	[tilespmem:s3], [sflag:$0x2] =	stream.linear.gather [hbm4b:s6+s3], $0x2710, $0x38;
	[tilespmem:$0x1FEA0] =	vst v63  }
0x14: {  	s0 =	simm.s32 $0x2710  }
0x15: {  	[tilespmem:s0], [sflag:$0x2] =	stream.linear.gather [hbm4b:s9+s3], $0x2710, $0x38;
	[tilespmem:$0x1FEA0] =	vst v63  }
0x16: {  	_ =	swait.ge [sflag:s14], $0x2710  }
0x17: {  	[sflag:s14] =	ssyncset.done $0x0  }
0x18: {  	[sflag:s14] =	ssyncadd.s32 $0xFFFFD8F0  }
0x19: {  	_ =	swait.ge [sflag:s14], $0x2710  }
0x1a: {  	[sflag:s14] =	ssyncset.done $0x0  }
0x1b: {  	[sflag:s14] =	ssyncadd.s32 $0xFFFFD8F0  }
0x1c: {  	_ =	swait.ge [sflag:s15], $0x2710  }
0x1d: {  	[sflag:s15] =	ssyncset.done $0x0  }
0x1e: {  	p0 =	por $0x1, $0x1;
	[sflag:s15] =	ssyncadd.s32 $0xFFFFD8F0  }
0x1f: {  	s0 =	simm.s32 @!p0 $0x7;
	[bflag:$0x0] =	sbarrier.arrive $0xFFFF  }
0x20: {  	[tilespmem:s17], [sflag:$0x3] =	stream.indirect.gather [hbm4b:s4+s16], $0x80, s3, s16, $0xb8;
	[tilespmem:$0x1FEA0] =	vst v63  }
0x21: {  	_ =	swait.ge @!p0 [sflag:s0], $0x2800  }
0x22: {  	[sflag:s0] =	ssyncset.done @!p0 $0x0  }
0x23: {  	s1 =	simm.s32 $0x50;
	[sflag:s0] =	ssyncadd.s32 @!p0 $0xFFFFD800  }
0x24: {  	[tilespmem:s18], [sflag:$0x4] =	stream.indirect.gather [hbm4b:s4+s16], $0x80, s1, s16, $0xb8;
	[tilespmem:$0x1FEA0] =	vst v63  }
0x25: {  	_ =	swait.ge [sflag:s19], $0x2800  }
0x26: {  	p0 =	por $0x1, $0x1;
	[sflag:s19] =	ssyncset.done $0x0  }
0x27: {  	s13 =	simm.s32 $0x2710;
	s1 =	simm.s32 @!p0 $0x8;
	[sflag:s19] =	ssyncadd.s32 $0xFFFFD800  }
0x28: {  	[spmem:s2] =	stream.indirect.scatter.add.f32 [tilespmem:s17], [sflag:$0x6], $0x80, s13, s16, $0xb8;
	[tilespmem:$0x1FEA0] =	vst v63  }
0x29: {  	_ =	swait.ge @!p0 [sflag:s1], $0x2800  }
0x2a: {  	[sflag:s1] =	ssyncset.done @!p0 $0x0  }
0x2b: {  	s25 =	simm.s32 $0xA0;
	[sflag:s1] =	ssyncadd.s32 @!p0 $0xFFFFD800  }
0x2c: {  	[tilespmem:s20], [sflag:$0x5] =	stream.indirect.gather [hbm4b:s4+s16], $0x80, s25, s16, $0xb8;
	[tilespmem:$0x1FEA0] =	vst v63  }
0x2d: {  	_ =	swait.ge [sflag:s21], $0x2800  }
0x2e: {  	[sflag:s21] =	ssyncset.done $0x0  }
0x2f: {  	s26 =	simm.s32 $0x2760;
	[sflag:s21] =	ssyncadd.s32 $0xFFFFD800  }
0x30: {  	[spmem:s2] =	stream.indirect.scatter.add.f32 [tilespmem:s18], [sflag:$0x7], $0x80, s26, s16, $0xb8;
	[tilespmem:$0x1FEA0] =	vst v63  }
0x31: {  	_ =	swait.ge [sflag:s22], $0x2800  }
0x32: {  	s29 =	simm.s32 $0xF0;
	p1 =	por $0x0, $0x0;
	[sflag:s22] =	ssyncset.done $0x0  }
0x33: {  	s0 =	simm.s32 $0x1;
	s13 =	simm.s32 $0x780;
	[sflag:s22] =	ssyncadd.s32 $0xFFFFD800  }
0x34: {  	[tilespmem:s17], [sflag:$0x3] =	stream.indirect.gather [hbm4b:s4+s16], $0x80, s29, s16, $0xb8;
	[tilespmem:$0x1FEA0] =	vst v63  }
0x35: {  	s1 =	simm.s32 $0x3C0;
	s25 =	simm.s32 $0x27B0;
	_ =	swait.ge [sflag:s23], $0x2800  }
.LBB2_2:
0x36: {  	s26 =	simm.s32 @!p1 $0x7  }
0x37: {  	[sflag:s23] =	ssyncset.done $0x0;
	s29 =	smov.u32 s13;
	s13 =	sadd.s32 $0x3C0, s13  }
0x38: {  	p0 =	sne.s32 s13, $0x99C0;
	[sflag:s23] =	ssyncadd.s32 $0xFFFFD800  }
0x39: {  	[spmem:s2] =	stream.indirect.scatter.add.f32 [tilespmem:s20], [sflag:$0x8], $0x80, s25, s16, $0xb8;
	[tilespmem:$0x1FEA0] =	vst v63  }
0x3a: {  	s25 =	sshra.s32 s1, $0x2;
	s1 =	smov.u32 s29;
	_ =	swait.ge @!p1 [sflag:s26], $0x2800  }
0x3b: {  	s29 =	sadd.s32 $0x50, s25;
	[sflag:s26] =	ssyncset.done @!p1 $0x0  }
0x3c: {  	[sflag:s26] =	ssyncadd.s32 @!p1 $0xFFFFD800  }
0x3d: {  	[tilespmem:s18], [sflag:$0x4] =	stream.indirect.gather [hbm4b:s4+s16], $0x80, s29, s16, $0xb8;
	[tilespmem:$0x1FEA0] =	vst v63  }
0x3e: {  	s26 =	sadd.s32 $0x1, s0;
	_ =	swait.ge [sflag:s19], $0x2800  }
0x3f: {  	s29 =	sadd.s32 $0x2710, s25;
	p1 =	sgt.u32 s26, $0x7A;
	[sflag:s19] =	ssyncset.done $0x0  }
0x40: {  	s26 =	simm.s32 @!p1 $0x8;
	[sflag:s19] =	ssyncadd.s32 $0xFFFFD800  }
0x41: {  	[spmem:s2] =	stream.indirect.scatter.add.f32 [tilespmem:s17], [sflag:$0x6], $0x80, s29, s16, $0xb8;
	[tilespmem:$0x1FEA0] =	vst v63  }
0x42: {  	_ =	swait.ge @!p1 [sflag:s26], $0x2800  }
0x43: {  	s29 =	sadd.s32 $0xA0, s25;
	[sflag:s26] =	ssyncset.done @!p1 $0x0  }
0x44: {  	[sflag:s26] =	ssyncadd.s32 @!p1 $0xFFFFD800  }
0x45: {  	[tilespmem:s20], [sflag:$0x5] =	stream.indirect.gather [hbm4b:s4+s16], $0x80, s29, s16, $0xb8;
	[tilespmem:$0x1FEA0] =	vst v63  }
0x46: {  	_ =	swait.ge [sflag:s21], $0x2800  }
0x47: {  	s26 =	sadd.s32 $0x2760, s25;
	[sflag:s21] =	ssyncset.done $0x0  }
0x48: {  	[sflag:s21] =	ssyncadd.s32 $0xFFFFD800  }
0x49: {  	[spmem:s2] =	stream.indirect.scatter.add.f32 [tilespmem:s18], [sflag:$0x7], $0x80, s26, s16, $0xb8;
	[tilespmem:$0x1FEA0] =	vst v63  }
.Ltmp0:
0x4a: {  	_ =	swait.ge [sflag:s22], $0x2800;
	(pc) =	sbr.rel @p0 .LBB2_2-.Ltmp0, $4  }
0x4b: {  	s26 =	sadd.s32 $0xF0, s25;
	[sflag:s22] =	ssyncset.done $0x0  }
0x4c: {  	s0 =	sadd.s32 $0x3, s0;
	[sflag:s22] =	ssyncadd.s32 $0xFFFFD800  }
0x4d: {  	[tilespmem:s17], [sflag:$0x3] =	stream.indirect.gather [hbm4b:s4+s16], $0x80, s26, s16, $0xb8;
	[tilespmem:$0x1FEA0] =	vst v63  }
0x4e: {  	p1 =	sgt.u32 s0, $0x7A;
	s25 =	sadd.s32 $0x27B0, s25;
	_ =	swait.ge [sflag:s23], $0x2800  }
0x4f: {  	[sflag:s23] =	ssyncset.done $0x0  }
0x50: {  	s13 =	simm.s32 @!p1 $0x7;
	[sflag:s23] =	ssyncadd.s32 $0xFFFFD800  }
0x51: {  	[spmem:s2] =	stream.indirect.scatter.add.f32 [tilespmem:s20], [sflag:$0x8], $0x80, s25, s16, $0xb8;
	[tilespmem:$0x1FEA0] =	vst v63  }
0x52: {  	_ =	swait.ge @!p1 [sflag:s13], $0x2800  }
0x53: {  	s1 =	sshra.s32 s1, $0x2;
	[sflag:s13] =	ssyncset.done @!p1 $0x0  }
0x54: {  	s26 =	sadd.s32 $0x50, s1;
	[sflag:s13] =	ssyncadd.s32 @!p1 $0xFFFFD800  }
0x55: {  	[tilespmem:s18], [sflag:$0x4] =	stream.indirect.gather [hbm4b:s4+s16], $0x80, s26, s16, $0xb8;
	[tilespmem:$0x1FEA0] =	vst v63  }
0x56: {  	s0 =	sadd.s32 $0x1, s0;
	_ =	swait.ge [sflag:s19], $0x2800  }
0x57: {  	p0 =	sgt.u32 s0, $0x7A;
	[sflag:s19] =	ssyncset.done $0x0  }
0x58: {  	s29 =	sadd.s32 $0x2710, s1;
	s13 =	simm.s32 @!p0 $0x8;
	[sflag:s19] =	ssyncadd.s32 $0xFFFFD800  }
0x59: {  	[spmem:s2] =	stream.indirect.scatter.add.f32 [tilespmem:s17], [sflag:$0x6], $0x80, s29, s16, $0xb8;
	[tilespmem:$0x1FEA0] =	vst v63  }
0x5a: {  	_ =	swait.ge @!p0 [sflag:s13], $0x2800  }
0x5b: {  	[sflag:s13] =	ssyncset.done @!p0 $0x0  }
0x5c: {  	s25 =	sadd.s32 $0xA0, s1;
	[sflag:s13] =	ssyncadd.s32 @!p0 $0xFFFFD800  }
0x5d: {  	[tilespmem:s20], [sflag:$0x5] =	stream.indirect.gather [hbm4b:s4+s16], $0x80, s25, s16, $0xb8;
	[tilespmem:$0x1FEA0] =	vst v63  }
0x5e: {  	_ =	swait.ge [sflag:s21], $0x2800  }
0x5f: {  	[sflag:s21] =	ssyncset.done $0x0  }
0x60: {  	s26 =	sadd.s32 $0x2760, s1;
	[sflag:s21] =	ssyncadd.s32 $0xFFFFD800  }
0x61: {  	[spmem:s2] =	stream.indirect.scatter.add.f32 [tilespmem:s18], [sflag:$0x7], $0x80, s26, s16, $0xb8;
	[tilespmem:$0x1FEA0] =	vst v63  }
0x62: {  	_ =	swait.ge [sflag:s22], $0x2800  }
0x63: {  	[sflag:s22] =	ssyncset.done $0x0  }
0x64: {  	s29 =	sadd.s32 $0xF0, s1;
	[sflag:s22] =	ssyncadd.s32 $0xFFFFD800  }
0x65: {  	[tilespmem:s17], [sflag:$0x3] =	stream.indirect.gather [hbm4b:s4+s16], $0x80, s29, s16, $0xb8;
	[tilespmem:$0x1FEA0] =	vst v63  }
0x66: {  	_ =	swait.ge [sflag:s23], $0x2800  }
0x67: {  	[sflag:s23] =	ssyncset.done $0x0  }
0x68: {  	s1 =	sadd.s32 $0x27B0, s1;
	[sflag:s23] =	ssyncadd.s32 $0xFFFFD800  }
0x69: {  	[spmem:s2] =	stream.indirect.scatter.add.f32 [tilespmem:s20], [sflag:$0x8], $0x80, s1, s16, $0xb8;
	[tilespmem:$0x1FEA0] =	vst v63  }
0x6a: {  	_ =	swait.ge [sflag:s24], $0x2800  }
0x6b: {  	[sflag:s24] =	ssyncset.done $0x0  }
0x6c: {  	s13 =	simm.s32 $0x26C0;
	[sflag:s24] =	ssyncadd.s32 $0xFFFFD800  }
0x6d: {  	[tilespmem:s18], [sflag:$0x4] =	stream.indirect.gather [hbm4b:s4+s16], $0x80, s13, s16, $0xb8;
	[tilespmem:$0x1FEA0] =	vst v63  }
0x6e: {  	_ =	swait.ge [sflag:s19], $0x2800  }
0x6f: {  	[sflag:s19] =	ssyncset.done $0x0  }
0x70: {  	s25 =	simm.s32 $0x4D80;
	[sflag:s19] =	ssyncadd.s32 $0xFFFFD800  }
0x71: {  	[spmem:s2] =	stream.indirect.scatter.add.f32 [tilespmem:s17], [sflag:$0x6], $0x80, s25, s16, $0xb8;
	[tilespmem:$0x1FEA0] =	vst v63  }
0x72: {  	_ =	swait.ge [sflag:s28], $0x2800  }
0x73: {  	[sflag:s28] =	ssyncset.done $0x0  }
0x74: {  	[sflag:s28] =	ssyncadd.s32 $0xFFFFD800  }
0x75: {  	_ =	swait.ge [sflag:s21], $0x2800  }
0x76: {  	[sflag:s21] =	ssyncset.done $0x0  }
0x77: {  	s26 =	simm.s32 $0x4DD0;
	[sflag:s21] =	ssyncadd.s32 $0xFFFFD800  }
0x78: {  	[spmem:s2] =	stream.indirect.scatter.add.f32 [tilespmem:s18], [sflag:$0x7], $0x80, s26, s16, $0xb8;
	[tilespmem:$0x1FEA0] =	vst v63  }
0x79: {  	_ =	swait.ge [sflag:s22], $0x2800  }
0x7a: {  	[sflag:s22] =	ssyncset.done $0x0  }
0x7b: {  	[sflag:s22] =	ssyncadd.s32 $0xFFFFD800  }
0x7c: {  	_ =	swait.ge [sflag:s24], $0x2800  }
0x7d: {  	s31 =	sadd.s32 $0x1, s31;
	[sflag:s24] =	ssyncset.done $0x0  }
0x7e: {  	p0 =	sne.s32 s31, s11;
	[sflag:s24] =	ssyncadd.s32 $0xFFFFD800  }
.Ltmp1:
0x7f: {  	s29 =	sor.u32 $0x1C09, s5;
	[bflag:$0x0] =	sbarrier.arrive $0xFFFF;
	(pc) =	sbr.rel @p0 .LBB2_1-.Ltmp1, $4  }
0x80: {  	[hbm:s10], [sflag:s29] =	dma.local [spmem:s12], $0x2710  }
0x81: {  	_ =	swait.ge [sflag:s30], $0x2710  }
0x82: {  	[sflag:s30] =	ssyncset.done $0x0  }
0x83: {  	[sflag:s30] =	ssyncadd.s32 $0xFFFFD8F0  }
0x84: {  	_ =	sfence.sel $0x180000  }
0x85: {  	[bflag:$0x0] =	sbarrier.arrive $0xFFFF  }
0x86: {  	_ =	strace $0x9000004D  }
0x87: {  	s0 =	stileid.u32;
	[bflag:$0x2] =	sbarrier.arrive $0xFFFF  }
0x88: {  	p0 =	sne.s32 s0, $0x0;
	s0 =	rddreg [dreg:$0x3]  }
0x89: {  	s0 =	sadd.s32 @!p0 $0x100000, s0  }
0x8a: {  	[sflag:s0] =	ssyncadd.tile.s32 @!p0 $0x1;
	_ =	shalt  }
.Lfunc_end2:
_tile_overlayer_lowered:
.L_overlay_start_2:
0x8b: {  	(tag) =	ssettag $0x2  }
0x8c: {  	s0 =	rddreg [dreg:$0x0];
	s2 =	stileid.u32  }
0x8d: {  	s1 =	rddreg [dreg:$0x1];
	p0 =	sne.s32 s2, $0x0  }
0x8e: {  	s3 =	rddreg [dreg:$0x2];
	[bflag:$0x3] =	sbarrier.arrive $0xFFFF;
	s2 =	simm.s32 @!p0 $0x1C09  }
0x8f: {  	[timem:s3], [sflag:s2] =	dma.local @!p0 [hbm:s0], s1  }
0x90: {  	s0 =	simm.s32 @!p0 $0x9  }
0x91: {  	_ =	swait.ge @!p0 [sflag:s0], s1  }
0x92: {  	s1 =	ssub.s32 @!p0 $0x0, s1;
	[sflag:s0] =	ssyncset.done @!p0 $0x0  }
0x93: {  	[sflag:s0] =	ssyncadd.s32 @!p0 s1  }
0x94: {  	[bflag:$0x3] =	sbarrier.arrive $0xFFFF  }
0x95: {  	_ =	shalt  }

// kernel: kernel.19.cloned.1.call-start
scs
__scs_entry_jumppad:
0x0: {  	(pc) =	sbr.rel $0x88, $3  }
0x1: {  	(tag) =	ssettag $0x0;
	lr =	simm.s32 $0x1  }
0x2: {  	[smem:$0x3F99] =	sst lr;
	_ =	strace $0xD0000000  }
0x3: {  	_ = 	snop  }
0x4: {  	_ = 	snop  }
0x5: {  	_ = 	snop  }
0x6: {  	_ = 	snop  }
0x7: {  	_ = 	snop  }
__scs_overlays_trampoline_lowered:
0x8: {  	[smem:$0x3FA8] =	sst s0  }
0x9: {  	[smem:$0x3FA9] =	sst s1  }
0xa: {  	[smem:$0x3FAA] =	sst s2  }
0xb: {  	[smem:$0x3FAB] =	sst s3  }
0xc: {  	[smem:$0x3FAC] =	sst s4  }
0xd: {  	[smem:$0x3FAD] =	sst s5  }
0xe: {  	[smem:$0x3FAE] =	sst s6  }
0xf: {  	[smem:$0x3FAF] =	sst s7  }
0x10: {  	[smem:$0x3FB0] =	sst s8  }
0x11: {  	[smem:$0x3FB1] =	sst s9;
	s0 =	simm.s32 @!p0 $0x0  }
0x12: {  	s1 =	sld [smem:$0x3F97];
	s0 =	simm.s32 @p0 $0x1  }
0x13: {  	[smem:$0x3FB2] =	sst s0;
	s0 =	simm.s32 @!p1 $0x0  }
0x14: {  	s2 =	sld [smem:$0x3F96];
	s0 =	simm.s32 @p1 $0x1  }
0x15: {  	[smem:$0x3FB3] =	sst s0;
	s0 =	simm.s32 @!p2 $0x0  }
0x16: {  	s3 =	sld [smem:$0x3FDB];
	s0 =	simm.s32 @p2 $0x1  }
0x17: {  	s4 =	simm.s32 $0x1BF5;
	[smem:$0x3FB5] =	sst s0  }
0x18: {  	s0 =	sld [smem:$0x3F98];
	_ =	swait.ge [sflag:s4], $0x0  }
0x19: {  	s7 =	sld [smem:$0x3F99]  }
0x1a: {  	s8 =	sadd.s32 $0xFFFFE003, lr  }
0x1b: {  	s9 =	sadd.s32 $0xFFFFFEF7, lr;
	s5 =	simm.s32 $0xFFFFFFFF;
	p2 =	slt.u32 s8, $0xFFFFF086  }
0x1c: {  	p1 =	slt.u32 s9, $0xF7A;
	s5 =	simm.s32 @!p2 $0x0  }
0x1d: {  	s5 =	simm.s32 @p1 $0x1;
	p0 =	seq.s32 s7, s2  }
0x1e: {  	s7 =	smul.u32 @!p0 $0xF7A, s2;
	p2 =	seq.s32 @!p0 s5, $0x0  }
0x1f: {  	s9 =	smul.u32 $0xF7A, s1;
	s8 =	simm.s32 @!p0 $0x1BF5;
	p2 =	por !p2, p0  }
0x20: {  	[sflag:s8] =	ssyncset.s32 @!p0 $0xFFFFF086;
	s6 =	sadd.s32 @!p0 s3, s7;
	s7 =	simm.s32 @!p0 $0x108  }
0x21: {  	s3 =	sadd.s32 s3, s9;
	s6 =	sadd.s32 @!p0 $0x88, s6;
	s7 =	simm.s32 @p2 $0x1082  }
0x22: {  	[simem:s7], [sflag:s8] =	dma.local @!p0 [hbm:s6], $0xF7A  }
0x23: {  	s9 =	sor.u32 $0xD0000000, s2;
	s6 =	simm.s32 $0x108;
	_ =	swait.ge @!p0 [sflag:s8], $0x0  }
0x24: {  	s3 =	sadd.s32 $0x88, s3;
	s6 =	simm.s32 @!p1 $0x1082;
	[sflag:s4] =	ssyncset.s32 $0xFFFFF086  }
0x25: {  	[simem:s6], [sflag:s4] =	dma.local [hbm:s3], $0xF7A  }
0x26: {  	[smem:$0x3F99] =	sst s1;
	(tag) =	ssettag s2;
	_ =	strace s9  }
0x27: {  	s1 =	sld [smem:$0x3FA9]  }
0x28: {  	s2 =	sld [smem:$0x3FAA]  }
0x29: {  	s4 =	sld [smem:$0x3FAC]  }
0x2a: {  	p0 =	seq.s32 s5, $0x0;
	s5 =	sld [smem:$0x3FAD]  }
0x2b: {  	s6 =	sld [smem:$0x3FAE]  }
0x2c: {  	s7 =	sld [smem:$0x3FAF]  }
0x2d: {  	s3 =	simm.s32 $0x108;
	s8 =	sld [smem:$0x3FB0]  }
0x2e: {  	s3 =	simm.s32 @!p0 $0x1082;
	s9 =	sld [smem:$0x3FB1]  }
0x2f: {  	lr =	sadd.s32 s0, s3;
	s0 =	sld [smem:$0x3FA8]  }
0x30: {  	s3 =	sld [smem:$0x3FAB]  }
0x31: {  	[smem:$0x3FB4] =	sst s10  }
0x32: {  	s10 =	sld [smem:$0x3FB2];
	_ =	sdelay $0x3  }
0x33: {  	p0 =	seq.s32 s10, $0x1;
	s10 =	sld [smem:$0x3FB4];
	_ =	sdelay $0x3  }
0x34: {  	[smem:$0x3FB4] =	sst s10  }
0x35: {  	s10 =	sld [smem:$0x3FB3];
	_ =	sdelay $0x3  }
0x36: {  	p1 =	seq.s32 s10, $0x1;
	s10 =	sld [smem:$0x3FB4];
	_ =	sdelay $0x3  }
0x37: {  	[smem:$0x3FB4] =	sst s10  }
0x38: {  	s10 =	sld [smem:$0x3FB5]  }
0x39: {  	_ = 	snop;
	(pc) =	sbr.ind lr, $3  }
0x3a: {  	_ = 	snop  }
0x3b: {  	_ = 	snop  }
0x3c: {  	p2 =	seq.s32 s10, $0x1;
	s10 =	sld [smem:$0x3FB4]  }
0x3d: {  	_ =	shalt  }
0x3e: {  	_ =	shalt  }
0x3f: {  	_ =	shalt  }
0x40: {  	_ =	shalt  }
0x41: {  	_ =	shalt  }
0x42: {  	_ =	shalt  }
0x43: {  	_ =	shalt  }
0x44: {  	_ =	shalt  }
0x45: {  	_ =	shalt  }
0x46: {  	_ =	shalt  }
0x47: {  	_ =	shalt  }
0x48: {  	_ =	shalt  }
0x49: {  	_ =	shalt  }
0x4a: {  	_ =	shalt  }
0x4b: {  	_ =	shalt  }
0x4c: {  	_ =	shalt  }
0x4d: {  	_ =	shalt  }
0x4e: {  	_ =	shalt  }
0x4f: {  	_ =	shalt  }
0x50: {  	_ =	shalt  }
0x51: {  	_ =	shalt  }
0x52: {  	_ =	shalt  }
0x53: {  	_ =	shalt  }
0x54: {  	_ =	shalt  }
0x55: {  	_ =	shalt  }
0x56: {  	_ =	shalt  }
0x57: {  	_ =	shalt  }
0x58: {  	_ =	shalt  }
0x59: {  	_ =	shalt  }
0x5a: {  	_ =	shalt  }
0x5b: {  	_ =	shalt  }
0x5c: {  	_ =	shalt  }
0x5d: {  	_ =	shalt  }
0x5e: {  	_ =	shalt  }
0x5f: {  	_ =	shalt  }
0x60: {  	_ =	shalt  }
0x61: {  	_ =	shalt  }
0x62: {  	_ =	shalt  }
0x63: {  	_ =	shalt  }
0x64: {  	_ =	shalt  }
0x65: {  	_ =	shalt  }
0x66: {  	_ =	shalt  }
0x67: {  	_ =	shalt  }
0x68: {  	_ =	shalt  }
0x69: {  	_ =	shalt  }
0x6a: {  	_ =	shalt  }
0x6b: {  	_ =	shalt  }
0x6c: {  	_ =	shalt  }
0x6d: {  	_ =	shalt  }
0x6e: {  	_ =	shalt  }
0x6f: {  	_ =	shalt  }
0x70: {  	_ =	shalt  }
0x71: {  	_ =	shalt  }
0x72: {  	_ =	shalt  }
0x73: {  	_ =	shalt  }
0x74: {  	_ =	shalt  }
0x75: {  	_ =	shalt  }
0x76: {  	_ =	shalt  }
0x77: {  	_ =	shalt  }
0x78: {  	_ =	shalt  }
0x79: {  	_ =	shalt  }
0x7a: {  	_ =	shalt  }
0x7b: {  	_ =	shalt  }
0x7c: {  	_ =	shalt  }
0x7d: {  	_ =	shalt  }
0x7e: {  	_ =	shalt  }
0x7f: {  	_ =	shalt  }
0x80: {  	_ =	shalt  }
0x81: {  	_ =	shalt  }
0x82: {  	_ =	shalt  }
0x83: {  	_ =	shalt  }
0x84: {  	_ =	shalt  }
0x85: {  	_ =	shalt  }
0x86: {  	_ =	shalt  }
0x87: {  	_ =	shalt  }
.Lfunc_end0:
.L_simem_size_0:
called_computation.3_lowered:
.L_overlay_start_0:
0x88: {  	s2 =	sld [smem:$0x3FD9]  }
0x89: {  	s3 =	sld [smem:$0x3FFE];
	_ =	sdelay $0x1  }
0x8a: {  	s1 =	srdreg.scid  }
0x8b: {  	s0 =	sand.u32 $0x1, s1  }
0x8c: {  	s17 =	sshll.u32 s0, $0xA;
	s2 =	sadd.s32 s3, s2  }
0x8d: {  	s2 =	sadd.s32 s2, s17  }
0x8e: {  	[smem:$0x3FC0] =	sst s2  }
0x8f: {  	_ = 	snop  }
0x90: {  	s2 =	sld [smem:$0x3FD0];
	(tm) =	ssettm $0x1  }
0x91: {  	s18 =	sld [smem:$0x3FFB];
	_ =	sdelay $0x3  }
0x92: {  	_ =	strace s18  }
0x93: {  	s3 =	sld [smem:$0x3FFC];
	_ =	sdelay $0x3  }
0x94: {  	_ =	strace s3  }
0x95: {  	s3 =	sld [smem:$0x3FFD];
	_ =	sdelay $0x3  }
0x96: {  	_ =	strace s3  }
0x97: {  	_ =	strace $0x8FFFFFFF  }
0x98: {  	s19 =	sld [smem:$0x3FDB];
	_ =	sdelay $0x1  }
0x99: {  	s4 =	simm.s32 $_scs_section_size  }
0x9a: {  	s5 =	simm.s32 $_size__tile_overlayer_lowered;
	s6 =	simm.s32 $_tile_overlayer_lowered  }
0x9b: {  	s22 =	simm.s32 $0x1BFF;
	s21 =	sshll.u32 s6, $0x1;
	s3 =	sadd.s32 s4, s19  }
0x9c: {  	s7 =	simm.s32 $0x0;
	s20 =	sshll.u32 s5, $0x1;
	s5 =	sadd.s32 s21, s3  }
0x9d: {  	[timem:s7], [sflag:s22] =	dma.local [hbm:s5], s20  }
0x9e: {  	_ =	swait.ge [sflag:s22], s20  }
0x9f: {  	s4 =	ssub.s32 $0x0, s20;
	[sflag:s22] =	ssyncset.done $0x0  }
0xa0: {  	[sflag:s22] =	ssyncadd.s32 s4;
	_ =	sdelay $0x1  }
0xa1: {  	s23 =	simm.s32 $0x1B8B  }
0xa2: {  	_ =	swait.ge [sflag:s23], $0x1  }
0xa3: {  	[sflag:s23] =	ssyncset.done $0x0  }
0xa4: {  	s25 =	simm.s32 $0x1B8E;
	s24 =	sld [smem:$0x3FFE];
	[sflag:s23] =	ssyncadd.s32 $0xFFFFFFFF  }
0xa5: {  	s26 =	simm.s32 $execute0_lowered;
	[smem:$0x3FD2] =	sst s25  }
0xa6: {  	s5 =	sshll.u32 s26, $0x1;
	_ =	strace $0x8000004F;
	[dreg:$0x1] =	wrdreg $0xFFFFFFFF  }
0xa7: {  	s28 =	simm.s32 $_size_execute0_lowered;
	s3 =	sadd.s32 s3, s5;
	[dreg:$0x0] =	wrdreg $0x0  }
0xa8: {  	s5 =	sshll.u32 s28, $0x1;
	[dreg:$0x2] =	wrdreg s3  }
0xa9: {  	[dreg:$0x3] =	wrdreg s5  }
0xaa: {  	[dreg:$0x4] =	wrdreg $0xC0  }
0xab: {  	_ =	task [dreg:s7], $0x5FFFF  }
0xac: {  	[dreg:$0x1] =	wrdreg $0xFFFFFFFF  }
0xad: {  	[dreg:$0x0] =	wrdreg $0x60  }
0xae: {  	[dreg:$0x2] =	wrdreg s2  }
0xaf: {  	[dreg:$0x3] =	wrdreg s24  }
0xb0: {  	[dreg:$0x4] =	wrdreg $0x8A200  }
0xb1: {  	[dreg:$0x5] =	wrdreg $0x9  }
0xb2: {  	_ =	task.clear_ibuf [dreg:s7], $0x6FFFF;
	_ =	strace $0x9000004F  }
0xb3: {  	s29 =	simm.s32 $0x9;
	_ =	strace $0x80000051  }
0xb4: {  	_ =	swait.ge [sflag:s29], $0x1  }
0xb5: {  	[sflag:s29] =	ssyncadd.s32 $0xFFFFFFFF  }
0xb6: {  	_ =	strace $0x90000051  }
0xb7: {  	_ =	sfence  }
0xb8: {  	s30 =	sld [smem:$0x0];
	_ =	sdelay $0x2  }
0xb9: {  	s31 =	sshll.u32 s1, $0xD;
	s1 =	sshrl.u32 s1, $0x2  }
0xba: {  	s3 =	sand.u32 $0x4000, s31;
	s1 =	sadd.s32 s1, s30  }
0xbb: {  	s0 =	sor.u32 s3, s0;
	s1 =	sshll.u32 s1, $0x11  }
0xbc: {  	s0 =	sor.u32 s1, s0  }
0xbd: {  	s0 =	sadd.s32 $0x8F2B, s0  }
0xbe: {  	[sflag:s0] =	ssyncadd.remote.s32 $0x1  }
0xbf: {  	_ =	sfence.sel $0xFFFF  }
0xc0: {  	[dreg:$0x0] =	wrdreg $0xFFFFFFFF;
	(pc) =	sbr.abs _section_cstart, $3  }
0xc1: {  	[dreg:$0x1] =	wrdreg $0xFFFFFFFF  }
0xc2: {  	_ =	task.clear_ibuf [dreg:s7], $0x2FFFF;
	_ =	strace $0x9FFFFFFF  }
0xc3: {  	(tm) =	ssettm $0x7FFFFFFF  }
tec
execute0_lowered:
.L_overlay_start_1:
0x0: {  	(tag) =	ssettag $0x1  }
0x1: {  	s0 =	rddreg [dreg:$0x0]  }
0x2: {  	s1 =	rddreg [dreg:$0x1]  }
0x3: {  	s2 =	rddreg [dreg:$0x2];
	s3 =	simm.s32 $0x0;
	s13 =	stileid.u32  }
0x4: {  	s4 =	srdreg.scid;
	s14 =	simm.s32 $0x2;
	s15 =	simm.s32 $0x1  }
0x5: {  	s16 =	simm.s32 $0x50;
	s17 =	simm.s32 $0x4E20;
	s18 =	simm.s32 $0x6220  }
0x6: {  	s19 =	simm.s32 $0x3;
	s20 =	simm.s32 $0x7620;
	s21 =	simm.s32 $0x4  }
0x7: {  	s22 =	simm.s32 $0x6;
	s23 =	simm.s32 $0x5;
	s24 =	simm.s32 $0x7  }
0x8: {  	s28 =	simm.s32 $0x8;
	s30 =	simm.s32 $0x9;
	s31 =	simm.s32 $0x0  }
0x9: {  	[smem:$0x7FF] =	sst s3;
	s5 =	smul.u32 $0x1388, s13;
	s6 =	sand.u32 $0x1, s4  }
0xa: {  	s4 =	sadd.s32 $0x3200, s1;
	s9 =	smul.u32 $0x27100, s13;
	_ =	strace $0x80000050  }
0xb: {  	s7 =	smul.u32 $0x14000, s6;
	s8 =	sshll.u32 s6, $0x4;
	s6 =	ssub.s32 $0x2, s6  }
0xc: {  	s8 =	sor.u32 s13, s8;
	s10 =	sadd.s32 s5, s1;
	s25 =	sshrl.u32 s6, $0x1  }
0xd: {  	s26 =	sshrl.u32 s9, $0x2;
	s7 =	sadd.s32 s5, s7;
	s8 =	smul.u32 $0x2710, s8  }
0xe: {  	s11 =	ssub.s32 s6, s25;
	s12 =	sadd.s32 s26, s2;
	s5 =	sshll.u32 s13, $0x6  }
0xf: {  	s1 =	sadd.s32 s7, s1;
	s7 =	sadd.s32 $0x17200, s10;
	s29 =	sshrl.u32 s8, $0x3  }
0x10: {  	s11 =	smax.u32 s11, $0x1;
	s12 =	sshrl.u32 s12, $0x3;
	s6 =	sadd.s32 s0, s29  }
0x11: {  	s8 =	sor.u32 $0x1C01, s5;
	s10 =	sadd.s32 $0x2AC00, s1;
	s9 =	sadd.s32 $0x9C40, s6  }
.LBB2_1:
0x12: {  	[spmem:s12], [sflag:s8] =	dma.local [hbm:s7], $0x1388  }
0x13: {  	[tilespmem:s3], [sflag:$0x2] =	stream.linear.gather [hbm4b:s6+s3], $0x2710, $0x38;
	[tilespmem:$0x12660] =	vst v63  }
0x14: {  	s0 =	simm.s32 $0x2710  }
0x15: {  	[tilespmem:s0], [sflag:$0x2] =	stream.linear.gather [hbm4b:s9+s3], $0x2710, $0x38;
	[tilespmem:$0x12660] =	vst v63  }
0x16: {  	_ =	swait.ge [sflag:s14], $0x2710  }
0x17: {  	[sflag:s14] =	ssyncset.done $0x0  }
0x18: {  	[sflag:s14] =	ssyncadd.s32 $0xFFFFD8F0  }
0x19: {  	_ =	swait.ge [sflag:s14], $0x2710  }
0x1a: {  	[sflag:s14] =	ssyncset.done $0x0  }
0x1b: {  	[sflag:s14] =	ssyncadd.s32 $0xFFFFD8F0  }
0x1c: {  	_ =	swait.ge [sflag:s15], $0x1388  }
0x1d: {  	[sflag:s15] =	ssyncset.done $0x0  }
0x1e: {  	p0 =	por $0x1, $0x1;
	[sflag:s15] =	ssyncadd.s32 $0xFFFFEC78  }
0x1f: {  	s0 =	simm.s32 @!p0 $0x7;
	[bflag:$0x0] =	sbarrier.arrive $0xFFFF  }
0x20: {  	[tilespmem:s17], [sflag:$0x3] =	stream.indirect.gather [hbm4b:s4+s16], $0x40, s3, s16, $0xb8;
	[tilespmem:$0x12660] =	vst v63  }
0x21: {  	_ =	swait.ge @!p0 [sflag:s0], $0x1400  }
0x22: {  	[sflag:s0] =	ssyncset.done @!p0 $0x0  }
0x23: {  	s1 =	simm.s32 $0x50;
	[sflag:s0] =	ssyncadd.s32 @!p0 $0xFFFFEC00  }
0x24: {  	[tilespmem:s18], [sflag:$0x4] =	stream.indirect.gather [hbm4b:s4+s16], $0x40, s1, s16, $0xb8;
	[tilespmem:$0x12660] =	vst v63  }
0x25: {  	_ =	swait.ge [sflag:s19], $0x1400  }
0x26: {  	p0 =	por $0x1, $0x1;
	[sflag:s19] =	ssyncset.done $0x0  }
0x27: {  	s13 =	simm.s32 $0x2710;
	s1 =	simm.s32 @!p0 $0x8;
	[sflag:s19] =	ssyncadd.s32 $0xFFFFEC00  }
0x28: {  	[spmem:s2] =	stream.indirect.scatter.add.f32 [tilespmem:s17], [sflag:$0x6], $0x40, s13, s16, $0xb8;
	[tilespmem:$0x12660] =	vst v63  }
0x29: {  	_ =	swait.ge @!p0 [sflag:s1], $0x1400  }
0x2a: {  	[sflag:s1] =	ssyncset.done @!p0 $0x0  }
0x2b: {  	s25 =	simm.s32 $0xA0;
	[sflag:s1] =	ssyncadd.s32 @!p0 $0xFFFFEC00  }
0x2c: {  	[tilespmem:s20], [sflag:$0x5] =	stream.indirect.gather [hbm4b:s4+s16], $0x40, s25, s16, $0xb8;
	[tilespmem:$0x12660] =	vst v63  }
0x2d: {  	_ =	swait.ge [sflag:s21], $0x1400  }
0x2e: {  	[sflag:s21] =	ssyncset.done $0x0  }
0x2f: {  	s26 =	simm.s32 $0x2760;
	[sflag:s21] =	ssyncadd.s32 $0xFFFFEC00  }
0x30: {  	[spmem:s2] =	stream.indirect.scatter.add.f32 [tilespmem:s18], [sflag:$0x7], $0x40, s26, s16, $0xb8;
	[tilespmem:$0x12660] =	vst v63  }
0x31: {  	_ =	swait.ge [sflag:s22], $0x1400  }
0x32: {  	s29 =	simm.s32 $0xF0;
	p1 =	por $0x0, $0x0;
	[sflag:s22] =	ssyncset.done $0x0  }
0x33: {  	s0 =	simm.s32 $0x1;
	s13 =	simm.s32 $0x780;
	[sflag:s22] =	ssyncadd.s32 $0xFFFFEC00  }
0x34: {  	[tilespmem:s17], [sflag:$0x3] =	stream.indirect.gather [hbm4b:s4+s16], $0x40, s29, s16, $0xb8;
	[tilespmem:$0x12660] =	vst v63  }
0x35: {  	s1 =	simm.s32 $0x3C0;
	s25 =	simm.s32 $0x27B0;
	_ =	swait.ge [sflag:s23], $0x1400  }
.LBB2_2:
0x36: {  	s26 =	simm.s32 @!p1 $0x7  }
0x37: {  	[sflag:s23] =	ssyncset.done $0x0;
	s29 =	smov.u32 s13;
	s13 =	sadd.s32 $0x3C0, s13  }
0x38: {  	p0 =	sne.s32 s13, $0x99C0;
	[sflag:s23] =	ssyncadd.s32 $0xFFFFEC00  }
0x39: {  	[spmem:s2] =	stream.indirect.scatter.add.f32 [tilespmem:s20], [sflag:$0x8], $0x40, s25, s16, $0xb8;
	[tilespmem:$0x12660] =	vst v63  }
0x3a: {  	s25 =	sshra.s32 s1, $0x2;
	s1 =	smov.u32 s29;
	_ =	swait.ge @!p1 [sflag:s26], $0x1400  }
0x3b: {  	s29 =	sadd.s32 $0x50, s25;
	[sflag:s26] =	ssyncset.done @!p1 $0x0  }
0x3c: {  	[sflag:s26] =	ssyncadd.s32 @!p1 $0xFFFFEC00  }
0x3d: {  	[tilespmem:s18], [sflag:$0x4] =	stream.indirect.gather [hbm4b:s4+s16], $0x40, s29, s16, $0xb8;
	[tilespmem:$0x12660] =	vst v63  }
0x3e: {  	s26 =	sadd.s32 $0x1, s0;
	_ =	swait.ge [sflag:s19], $0x1400  }
0x3f: {  	s29 =	sadd.s32 $0x2710, s25;
	p1 =	sgt.u32 s26, $0x7A;
	[sflag:s19] =	ssyncset.done $0x0  }
0x40: {  	s26 =	simm.s32 @!p1 $0x8;
	[sflag:s19] =	ssyncadd.s32 $0xFFFFEC00  }
0x41: {  	[spmem:s2] =	stream.indirect.scatter.add.f32 [tilespmem:s17], [sflag:$0x6], $0x40, s29, s16, $0xb8;
	[tilespmem:$0x12660] =	vst v63  }
0x42: {  	_ =	swait.ge @!p1 [sflag:s26], $0x1400  }
0x43: {  	s29 =	sadd.s32 $0xA0, s25;
	[sflag:s26] =	ssyncset.done @!p1 $0x0  }
0x44: {  	[sflag:s26] =	ssyncadd.s32 @!p1 $0xFFFFEC00  }
0x45: {  	[tilespmem:s20], [sflag:$0x5] =	stream.indirect.gather [hbm4b:s4+s16], $0x40, s29, s16, $0xb8;
	[tilespmem:$0x12660] =	vst v63  }
0x46: {  	_ =	swait.ge [sflag:s21], $0x1400  }
0x47: {  	s26 =	sadd.s32 $0x2760, s25;
	[sflag:s21] =	ssyncset.done $0x0  }
0x48: {  	[sflag:s21] =	ssyncadd.s32 $0xFFFFEC00  }
0x49: {  	[spmem:s2] =	stream.indirect.scatter.add.f32 [tilespmem:s18], [sflag:$0x7], $0x40, s26, s16, $0xb8;
	[tilespmem:$0x12660] =	vst v63  }
.Ltmp0:
0x4a: {  	_ =	swait.ge [sflag:s22], $0x1400;
	(pc) =	sbr.rel @p0 .LBB2_2-.Ltmp0, $4  }
0x4b: {  	s26 =	sadd.s32 $0xF0, s25;
	[sflag:s22] =	ssyncset.done $0x0  }
0x4c: {  	s0 =	sadd.s32 $0x3, s0;
	[sflag:s22] =	ssyncadd.s32 $0xFFFFEC00  }
0x4d: {  	[tilespmem:s17], [sflag:$0x3] =	stream.indirect.gather [hbm4b:s4+s16], $0x40, s26, s16, $0xb8;
	[tilespmem:$0x12660] =	vst v63  }
0x4e: {  	p1 =	sgt.u32 s0, $0x7A;
	s25 =	sadd.s32 $0x27B0, s25;
	_ =	swait.ge [sflag:s23], $0x1400  }
0x4f: {  	[sflag:s23] =	ssyncset.done $0x0  }
0x50: {  	s13 =	simm.s32 @!p1 $0x7;
	[sflag:s23] =	ssyncadd.s32 $0xFFFFEC00  }
0x51: {  	[spmem:s2] =	stream.indirect.scatter.add.f32 [tilespmem:s20], [sflag:$0x8], $0x40, s25, s16, $0xb8;
	[tilespmem:$0x12660] =	vst v63  }
0x52: {  	_ =	swait.ge @!p1 [sflag:s13], $0x1400  }
0x53: {  	s1 =	sshra.s32 s1, $0x2;
	[sflag:s13] =	ssyncset.done @!p1 $0x0  }
0x54: {  	s26 =	sadd.s32 $0x50, s1;
	[sflag:s13] =	ssyncadd.s32 @!p1 $0xFFFFEC00  }
0x55: {  	[tilespmem:s18], [sflag:$0x4] =	stream.indirect.gather [hbm4b:s4+s16], $0x40, s26, s16, $0xb8;
	[tilespmem:$0x12660] =	vst v63  }
0x56: {  	s0 =	sadd.s32 $0x1, s0;
	_ =	swait.ge [sflag:s19], $0x1400  }
0x57: {  	p0 =	sgt.u32 s0, $0x7A;
	[sflag:s19] =	ssyncset.done $0x0  }
0x58: {  	s29 =	sadd.s32 $0x2710, s1;
	s13 =	simm.s32 @!p0 $0x8;
	[sflag:s19] =	ssyncadd.s32 $0xFFFFEC00  }
0x59: {  	[spmem:s2] =	stream.indirect.scatter.add.f32 [tilespmem:s17], [sflag:$0x6], $0x40, s29, s16, $0xb8;
	[tilespmem:$0x12660] =	vst v63  }
0x5a: {  	_ =	swait.ge @!p0 [sflag:s13], $0x1400  }
0x5b: {  	[sflag:s13] =	ssyncset.done @!p0 $0x0  }
0x5c: {  	s25 =	sadd.s32 $0xA0, s1;
	[sflag:s13] =	ssyncadd.s32 @!p0 $0xFFFFEC00  }
0x5d: {  	[tilespmem:s20], [sflag:$0x5] =	stream.indirect.gather [hbm4b:s4+s16], $0x40, s25, s16, $0xb8;
	[tilespmem:$0x12660] =	vst v63  }
0x5e: {  	_ =	swait.ge [sflag:s21], $0x1400  }
0x5f: {  	[sflag:s21] =	ssyncset.done $0x0  }
0x60: {  	s26 =	sadd.s32 $0x2760, s1;
	[sflag:s21] =	ssyncadd.s32 $0xFFFFEC00  }
0x61: {  	[spmem:s2] =	stream.indirect.scatter.add.f32 [tilespmem:s18], [sflag:$0x7], $0x40, s26, s16, $0xb8;
	[tilespmem:$0x12660] =	vst v63  }
0x62: {  	_ =	swait.ge [sflag:s22], $0x1400  }
0x63: {  	[sflag:s22] =	ssyncset.done $0x0  }
0x64: {  	s29 =	sadd.s32 $0xF0, s1;
	[sflag:s22] =	ssyncadd.s32 $0xFFFFEC00  }
0x65: {  	[tilespmem:s17], [sflag:$0x3] =	stream.indirect.gather [hbm4b:s4+s16], $0x40, s29, s16, $0xb8;
	[tilespmem:$0x12660] =	vst v63  }
0x66: {  	_ =	swait.ge [sflag:s23], $0x1400  }
0x67: {  	[sflag:s23] =	ssyncset.done $0x0  }
0x68: {  	s1 =	sadd.s32 $0x27B0, s1;
	[sflag:s23] =	ssyncadd.s32 $0xFFFFEC00  }
0x69: {  	[spmem:s2] =	stream.indirect.scatter.add.f32 [tilespmem:s20], [sflag:$0x8], $0x40, s1, s16, $0xb8;
	[tilespmem:$0x12660] =	vst v63  }
0x6a: {  	_ =	swait.ge [sflag:s24], $0x1400  }
0x6b: {  	[sflag:s24] =	ssyncset.done $0x0  }
0x6c: {  	s13 =	simm.s32 $0x26C0;
	[sflag:s24] =	ssyncadd.s32 $0xFFFFEC00  }
0x6d: {  	[tilespmem:s18], [sflag:$0x4] =	stream.indirect.gather [hbm4b:s4+s16], $0x40, s13, s16, $0xb8;
	[tilespmem:$0x12660] =	vst v63  }
0x6e: {  	_ =	swait.ge [sflag:s19], $0x1400  }
0x6f: {  	[sflag:s19] =	ssyncset.done $0x0  }
0x70: {  	s25 =	simm.s32 $0x4D80;
	[sflag:s19] =	ssyncadd.s32 $0xFFFFEC00  }
0x71: {  	[spmem:s2] =	stream.indirect.scatter.add.f32 [tilespmem:s17], [sflag:$0x6], $0x40, s25, s16, $0xb8;
	[tilespmem:$0x12660] =	vst v63  }
0x72: {  	_ =	swait.ge [sflag:s28], $0x1400  }
0x73: {  	[sflag:s28] =	ssyncset.done $0x0  }
0x74: {  	[sflag:s28] =	ssyncadd.s32 $0xFFFFEC00  }
0x75: {  	_ =	swait.ge [sflag:s21], $0x1400  }
0x76: {  	[sflag:s21] =	ssyncset.done $0x0  }
0x77: {  	s26 =	simm.s32 $0x4DD0;
	[sflag:s21] =	ssyncadd.s32 $0xFFFFEC00  }
0x78: {  	[spmem:s2] =	stream.indirect.scatter.add.f32 [tilespmem:s18], [sflag:$0x7], $0x40, s26, s16, $0xb8;
	[tilespmem:$0x12660] =	vst v63  }
0x79: {  	_ =	swait.ge [sflag:s22], $0x1400  }
0x7a: {  	[sflag:s22] =	ssyncset.done $0x0  }
0x7b: {  	[sflag:s22] =	ssyncadd.s32 $0xFFFFEC00  }
0x7c: {  	_ =	swait.ge [sflag:s24], $0x1400  }
0x7d: {  	s31 =	sadd.s32 $0x1, s31;
	[sflag:s24] =	ssyncset.done $0x0  }
0x7e: {  	p0 =	sne.s32 s31, s11;
	[sflag:s24] =	ssyncadd.s32 $0xFFFFEC00  }
.Ltmp1:
0x7f: {  	s29 =	sor.u32 $0x1C09, s5;
	[bflag:$0x0] =	sbarrier.arrive $0xFFFF;
	(pc) =	sbr.rel @p0 .LBB2_1-.Ltmp1, $4  }
0x80: {  	[hbm:s10], [sflag:s29] =	dma.local [spmem:s12], $0x1388  }
0x81: {  	_ =	swait.ge [sflag:s30], $0x1388  }
0x82: {  	[sflag:s30] =	ssyncset.done $0x0  }
0x83: {  	[sflag:s30] =	ssyncadd.s32 $0xFFFFEC78  }
0x84: {  	_ =	sfence.sel $0x180000  }
0x85: {  	[bflag:$0x0] =	sbarrier.arrive $0xFFFF  }
0x86: {  	_ =	strace $0x90000050  }
0x87: {  	s0 =	stileid.u32;
	[bflag:$0x2] =	sbarrier.arrive $0xFFFF  }
0x88: {  	p0 =	sne.s32 s0, $0x0;
	s0 =	rddreg [dreg:$0x3]  }
0x89: {  	s0 =	sadd.s32 @!p0 $0x100000, s0  }
0x8a: {  	[sflag:s0] =	ssyncadd.tile.s32 @!p0 $0x1;
	_ =	shalt  }
.Lfunc_end2:
_tile_overlayer_lowered:
.L_overlay_start_2:
0x8b: {  	(tag) =	ssettag $0x2  }
0x8c: {  	s0 =	rddreg [dreg:$0x0];
	s2 =	stileid.u32  }
0x8d: {  	s1 =	rddreg [dreg:$0x1];
	p0 =	sne.s32 s2, $0x0  }
0x8e: {  	s3 =	rddreg [dreg:$0x2];
	[bflag:$0x3] =	sbarrier.arrive $0xFFFF;
	s2 =	simm.s32 @!p0 $0x1C09  }
0x8f: {  	[timem:s3], [sflag:s2] =	dma.local @!p0 [hbm:s0], s1  }
0x90: {  	s0 =	simm.s32 @!p0 $0x9  }
0x91: {  	_ =	swait.ge @!p0 [sflag:s0], s1  }
0x92: {  	s1 =	ssub.s32 @!p0 $0x0, s1;
	[sflag:s0] =	ssyncset.done @!p0 $0x0  }
0x93: {  	[sflag:s0] =	ssyncadd.s32 @!p0 s1  }
0x94: {  	[bflag:$0x3] =	sbarrier.arrive $0xFFFF  }
0x95: {  	_ =	shalt  }

</sc_bundles>
